<compile_context>
chip_gen: v7x
topology: tpu7x:2x2x1
jax: 0.10.2.dev20260603
libtpu: 0.0.44.dev20260713+nightly
codegen_flags: <defaults>
</compile_context>

<pallas_src>
import functools

import jax
import jax.numpy as jnp
from jax import lax
from jax.experimental import pallas as pl
from jax.experimental.pallas import tpu as pltpu
from jax.experimental.pallas import tpu_sc as plsc

B = 4
N = 8192
EMB = 768
ROWS = B * N
NC = 2
NS = 16
NW = NC * NS
RPW = ROWS // NW
K = 32
HK = K // 2
NCHUNK = RPW // K
NPAIR = NCHUNK // 2
LANES = 16
CPV = EMB // LANES

_mesh = plsc.VectorSubcoreMesh(core_axis_name="c", subcore_axis_name="s")


@functools.partial(
    pl.kernel,
    mesh=_mesh,
    out_type=jax.ShapeDtypeStruct((ROWS, EMB), jnp.float32),
    scratch_types=[
        pltpu.VMEM((RPW,), jnp.int32),
        pltpu.VMEM((K, EMB), jnp.float32),
        pltpu.VMEM((K, EMB), jnp.float32),
        pltpu.VMEM((K, EMB), jnp.float32),
        pltpu.VMEM((K, EMB), jnp.float32),
        pltpu.VMEM_SHARED((NS, 2, HK, EMB), jnp.float32),
        pltpu.SemaphoreType.DMA,
        pltpu.SemaphoreType.DMA,
        pltpu.SemaphoreType.DMA,
        pltpu.SemaphoreType.DMA,
        pltpu.SemaphoreType.DMA,
        pltpu.SemaphoreType.DMA,
        pltpu.SemaphoreType.DMA,
        pltpu.SemaphoreType.DMA,
    ],
)
def _pos_emb_sc(x_hbm, idx_hbm, tab_hbm, out_hbm,
                idx_v, g0, g1, x0, x1, shared,
                gs0, gs1, xs0, xs1, cs0, cs1, hs0, hs1):
    cid = lax.axis_index("c")
    sid = lax.axis_index("s")
    wid = sid * NC + cid
    base = wid * RPW
    pltpu.sync_copy(idx_hbm.at[pl.ds(base, RPW)], idx_v)

    cssems = (cs0, cs1)
    hssems = (hs0, hs1)

    def start_gather(g, gb, sem):
        pltpu.async_copy(tab_hbm.at[idx_v.at[pl.ds(g * K, K)]], gb, sem)

    def start_x(g, xb, sem):
        pltpu.async_copy(x_hbm.at[pl.ds(base + g * K, K)], xb, sem)

    def wait_loads(gb, xb, gsem, xsem):
        pltpu.make_async_copy(tab_hbm.at[idx_v.at[pl.ds(0, K)]], gb,
                              gsem).wait()
        pltpu.make_async_copy(x_hbm.at[pl.ds(base, K)], xb, xsem).wait()

    def wait_spmem_copy(h):
        pltpu.make_async_copy(x0.at[pl.ds(0, HK)], shared.at[sid, h],
                              cssems[h]).wait()

    def wait_hbm_write(h):
        pltpu.make_async_copy(shared.at[sid, h],
                              out_hbm.at[pl.ds(base, HK)], hssems[h]).wait()

    def write_chunk(g, xb, guard_first):
        for h in range(2):
            if guard_first:
                @pl.when(g > 0)
                def _():
                    wait_hbm_write(h)
            else:
                wait_hbm_write(h)
            pltpu.async_copy(xb.at[pl.ds(h * HK, HK)], shared.at[sid, h],
                             cssems[h])
        for h in range(2):
            wait_spmem_copy(h)
            pltpu.async_copy(shared.at[sid, h],
                             out_hbm.at[pl.ds(base + g * K + h * HK, HK)],
                             hssems[h])

    def compute(gb, xb):
        def row_body(r, carry):
            for c in range(CPV):
                sl = pl.ds(c * LANES, LANES)
                plsc.addupdate(xb.at[r, sl], gb[r, sl])
            return carry
        lax.fori_loop(0, K, row_body, 0, unroll=2)

    start_gather(0, g0, gs0)
    start_x(0, x0, xs0)

    def pair_body(i, carry):
        a = 2 * i
        start_gather(a + 1, g1, gs1)
        start_x(a + 1, x1, xs1)
        wait_loads(g0, x0, gs0, xs0)
        compute(g0, x0)
        write_chunk(a, x0, guard_first=True)

        @pl.when(i < NPAIR - 1)
        def _():
            start_gather(a + 2, g0, gs0)
            start_x(a + 2, x0, xs0)
        wait_loads(g1, x1, gs1, xs1)
        compute(g1, x1)
        write_chunk(a + 1, x1, guard_first=False)
        return carry

    lax.fori_loop(0, NPAIR, pair_body, 0)
    wait_hbm_write(0)
    wait_hbm_write(1)


def kernel(x, apply_indices, pos_embedding):
    xf = x.reshape(ROWS, EMB)
    idx = apply_indices.reshape(ROWS).astype(jnp.int32)
    out = _pos_emb_sc(xf, idx, pos_embedding)
    return out.reshape(x.shape)

# --- scband reference (transcript-rebuilt; emitter-appended) ---
"""Pipeline reference for scband-pos-embedding-10995116278333 (READ-ONLY COPY).

The authoritative reference and input builder live on the scoring server;
editing this copy changes nothing except your own understanding.
"""

import jax, jax.numpy as jnp
import numpy as np

EMB_SIZE = 768
NUM_TOKENS = 8192
B = 4
N = 8192

def setup_inputs(seed: int = 0) -> dict:
    key = jax.random.key(seed)
    k1, k2, k3 = jax.random.split(key, 3)
    x = jax.random.normal(k1, (B, N, EMB_SIZE), dtype=jnp.float32)
    apply_indices = jax.random.randint(k2, (B, N), 0, NUM_TOKENS, dtype=jnp.int64 if jax.config.jax_enable_x64 else jnp.int32)
    pos_embedding = jax.random.normal(k3, (NUM_TOKENS, EMB_SIZE), dtype=jnp.float32)
    return {"x": x, "apply_indices": apply_indices, "pos_embedding": pos_embedding}

def reference(x, apply_indices, pos_embedding):
    # torch.gather(pos_embed.repeat(B,1,1), 1, idx.unsqueeze(-1).expand(-1,-1,C))
    # is equivalent to a batched row-gather from pos_embedding (same table per batch):
    gathered = jnp.take(pos_embedding, apply_indices, axis=0)  # [B, N, C]
    return x + gathered

if __name__ == "__main__":
    import jax
    _d = setup_inputs()
    print(jax.jit(kernel)(*tuple(_d.values())))

</pallas_src>

<mosaic_0001>
#map = affine_map<(d0, d1) -> (0, 0)>
#map1 = affine_map<(d0, d1) -> (0)>
module attributes {stable_mosaic.version = 14 : i64} {
  func.func @_pos_emb_sc(%arg0: i32, %arg1: i32, %arg2: memref<32768x768xf32, #tpu.memory_space<hbm>>, %arg3: memref<32768xi32, #tpu.memory_space<hbm>>, %arg4: memref<8192x768xf32, #tpu.memory_space<hbm>>, %arg5: memref<32768x768xf32, #tpu.memory_space<hbm>>, %arg6: memref<1024xi32, #tpu.memory_space<vmem>>, %arg7: memref<32x768xf32, #tpu.memory_space<vmem>>, %arg8: memref<32x768xf32, #tpu.memory_space<vmem>>, %arg9: memref<32x768xf32, #tpu.memory_space<vmem>>, %arg10: memref<32x768xf32, #tpu.memory_space<vmem>>, %arg11: memref<16x2x16x768xf32, #tpu.memory_space<vmem_shared>>, %arg12: memref<!tpu.dma_semaphore, #tpu.memory_space<semaphore_mem>>, %arg13: memref<!tpu.dma_semaphore, #tpu.memory_space<semaphore_mem>>, %arg14: memref<!tpu.dma_semaphore, #tpu.memory_space<semaphore_mem>>, %arg15: memref<!tpu.dma_semaphore, #tpu.memory_space<semaphore_mem>>, %arg16: memref<!tpu.dma_semaphore, #tpu.memory_space<semaphore_mem>>, %arg17: memref<!tpu.dma_semaphore, #tpu.memory_space<semaphore_mem>>, %arg18: memref<!tpu.dma_semaphore, #tpu.memory_space<semaphore_mem>>, %arg19: memref<!tpu.dma_semaphore, #tpu.memory_space<semaphore_mem>>) attributes {dimension_semantics = [#tpu.dimension_semantics<core_parallel>, #tpu.dimension_semantics<subcore_parallel>], iteration_bounds = array<i64: 2, 16>, scalar_prefetch = 0 : i64, scratch_operands = 14 : i64, tpu.core_type = #tpu.core_type<sc_vector_subcore>, window_params = [{transform_indices = #map}, {transform_indices = #map1}, {transform_indices = #map}, {transform_indices = #map}]} {
    %mul3A = arith.constant 2 : i32
    %mul3A_0 = arith.muli %arg1, %mul3A : i32
    %add3A = arith.addi %mul3A_0, %arg0 : i32
    %mul3A_1 = arith.constant 1024 : i32
    %mul3A_2 = arith.muli %add3A, %mul3A_1 : i32
    "tpu.region"() ({
      %run_scoped3A = tpu.sem_alloc : memref<!tpu.dma_semaphore, #tpu.memory_space<semaphore_mem>>
      %dma_start3A_31 = tpu.memref_slice %arg3[%mul3A_2] : memref<32768xi32, #tpu.memory_space<hbm>> -> memref<1024xi32, #tpu.memory_space<hbm>>
      %dma_start3A_32 = tpu.memref_slice %arg3[%mul3A_2] : memref<32768xi32, #tpu.memory_space<hbm>> -> memref<1024xi32, #tpu.memory_space<hbm>>
      tpu.enqueue_dma source(%dma_start3A_32 : memref<1024xi32, #tpu.memory_space<hbm>>) target(%arg6 : memref<1024xi32, #tpu.memory_space<vmem>>) target_semaphore(%run_scoped3A : memref<!tpu.dma_semaphore, #tpu.memory_space<semaphore_mem>>)
      %dma_wait3A_33 = tpu.memref_slice %arg3[%mul3A_2] : memref<32768xi32, #tpu.memory_space<hbm>> -> memref<1024xi32, #tpu.memory_space<hbm>>
      %dma_wait3A_34 = tpu.memref_slice %arg3[%mul3A_2] : memref<32768xi32, #tpu.memory_space<hbm>> -> memref<1024xi32, #tpu.memory_space<hbm>>
      tpu.wait_dma2 semaphore(%run_scoped3A : memref<!tpu.dma_semaphore, #tpu.memory_space<semaphore_mem>>) src(%dma_wait3A_34 : memref<1024xi32, #tpu.memory_space<hbm>>) dst(%arg6 : memref<1024xi32, #tpu.memory_space<vmem>>)
      tpu.yield
    }) : () -> ()
    %dma_start3A = arith.constant 0 : i32
    %dma_start3A_3 = tpu.memref_slice %arg6[%dma_start3A] : memref<1024xi32, #tpu.memory_space<vmem>> -> memref<32xi32, #tpu.memory_space<vmem>>
    %dma_start3A_4 = arith.constant 0 : i32
    %dma_start3A_5 = arith.constant 0 : i32
    %dma_start3A_6 = tpu.memref_slice %arg4[%dma_start3A_4, %dma_start3A_5] : memref<8192x768xf32, #tpu.memory_space<hbm>> -> memref<8192x768xf32, #tpu.memory_space<hbm>>
    tpu.enqueue_indirect_dma source(%dma_start3A_6 : memref<8192x768xf32, #tpu.memory_space<hbm>>) target(%arg7 : memref<32x768xf32, #tpu.memory_space<vmem>>) offsets(%dma_start3A_3 : memref<32xi32, #tpu.memory_space<vmem>>) semaphore(%arg12 : memref<!tpu.dma_semaphore, #tpu.memory_space<semaphore_mem>>)
    %add3A_7 = arith.constant 0 : i32
    %add3A_8 = arith.addi %mul3A_2, %add3A_7 : i32
    %dma_start3A_9 = arith.constant 0 : i32
    %dma_start3A_10 = tpu.memref_slice %arg2[%add3A_8, %dma_start3A_9] : memref<32768x768xf32, #tpu.memory_space<hbm>> -> memref<32x768xf32, #tpu.memory_space<hbm>>
    %dma_start3A_11 = arith.constant 0 : i32
    %dma_start3A_12 = tpu.memref_slice %arg2[%add3A_8, %dma_start3A_11] : memref<32768x768xf32, #tpu.memory_space<hbm>> -> memref<32x768xf32, #tpu.memory_space<hbm>>
    tpu.enqueue_dma source(%dma_start3A_12 : memref<32x768xf32, #tpu.memory_space<hbm>>) target(%arg9 : memref<32x768xf32, #tpu.memory_space<vmem>>) target_semaphore(%arg14 : memref<!tpu.dma_semaphore, #tpu.memory_space<semaphore_mem>>)
    %scan3A = arith.constant 0 : i32
    %scan3A_13 = arith.constant 0 : i32
    %scan3A_14 = arith.constant 16 : i32
    %scan3A_15 = arith.addi %scan3A_13, %scan3A_14 : i32
    %scan3A_16 = arith.constant 1 : i32
    scf.for %scan3A_31 = %scan3A_13 to %scan3A_15 step %scan3A_16  : i32 {
      %mul3A_32 = arith.constant 2 : i32
      %mul3A_33 = arith.muli %mul3A_32, %scan3A_31 : i32
      %add3A_34 = arith.constant 1 : i32
      %add3A_35 = arith.addi %mul3A_33, %add3A_34 : i32
      %mul3A_36 = arith.constant 32 : i32
      %mul3A_37 = arith.muli %add3A_35, %mul3A_36 : i32
      %dma_start3A_38 = tpu.memref_slice %arg6[%mul3A_37] : memref<1024xi32, #tpu.memory_space<vmem>> -> memref<32xi32, #tpu.memory_space<vmem>>
      %dma_start3A_39 = arith.constant 0 : i32
      %dma_start3A_40 = arith.constant 0 : i32
      %dma_start3A_41 = tpu.memref_slice %arg4[%dma_start3A_39, %dma_start3A_40] : memref<8192x768xf32, #tpu.memory_space<hbm>> -> memref<8192x768xf32, #tpu.memory_space<hbm>>
      tpu.enqueue_indirect_dma source(%dma_start3A_41 : memref<8192x768xf32, #tpu.memory_space<hbm>>) target(%arg8 : memref<32x768xf32, #tpu.memory_space<vmem>>) offsets(%dma_start3A_38 : memref<32xi32, #tpu.memory_space<vmem>>) semaphore(%arg13 : memref<!tpu.dma_semaphore, #tpu.memory_space<semaphore_mem>>)
      %add3A_42 = arith.constant 1 : i32
      %add3A_43 = arith.addi %mul3A_33, %add3A_42 : i32
      %mul3A_44 = arith.constant 32 : i32
      %mul3A_45 = arith.muli %add3A_43, %mul3A_44 : i32
      %add3A_46 = arith.addi %mul3A_2, %mul3A_45 : i32
      %dma_start3A_47 = arith.constant 0 : i32
      %dma_start3A_48 = tpu.memref_slice %arg2[%add3A_46, %dma_start3A_47] : memref<32768x768xf32, #tpu.memory_space<hbm>> -> memref<32x768xf32, #tpu.memory_space<hbm>>
      %dma_start3A_49 = arith.constant 0 : i32
      %dma_start3A_50 = tpu.memref_slice %arg2[%add3A_46, %dma_start3A_49] : memref<32768x768xf32, #tpu.memory_space<hbm>> -> memref<32x768xf32, #tpu.memory_space<hbm>>
      tpu.enqueue_dma source(%dma_start3A_50 : memref<32x768xf32, #tpu.memory_space<hbm>>) target(%arg10 : memref<32x768xf32, #tpu.memory_space<vmem>>) target_semaphore(%arg15 : memref<!tpu.dma_semaphore, #tpu.memory_space<semaphore_mem>>)
      %dma_wait3A_51 = arith.constant 0 : i32
      %dma_wait3A_52 = tpu.memref_slice %arg6[%dma_wait3A_51] : memref<1024xi32, #tpu.memory_space<vmem>> -> memref<32xi32, #tpu.memory_space<vmem>>
      %dma_wait3A_53 = arith.constant 0 : i32
      %dma_wait3A_54 = arith.constant 0 : i32
      %dma_wait3A_55 = tpu.memref_slice %arg4[%dma_wait3A_53, %dma_wait3A_54] : memref<8192x768xf32, #tpu.memory_space<hbm>> -> memref<8192x768xf32, #tpu.memory_space<hbm>>
      tpu.wait_indirect_dma semaphore(%arg12 : memref<!tpu.dma_semaphore, #tpu.memory_space<semaphore_mem>>) src(%dma_wait3A_55 : memref<8192x768xf32, #tpu.memory_space<hbm>>) dst(%arg7 : memref<32x768xf32, #tpu.memory_space<vmem>>)
      %dma_wait3A_56 = arith.constant 0 : i32
      %dma_wait3A_57 = tpu.memref_slice %arg2[%mul3A_2, %dma_wait3A_56] : memref<32768x768xf32, #tpu.memory_space<hbm>> -> memref<32x768xf32, #tpu.memory_space<hbm>>
      %dma_wait3A_58 = arith.constant 0 : i32
      %dma_wait3A_59 = tpu.memref_slice %arg2[%mul3A_2, %dma_wait3A_58] : memref<32768x768xf32, #tpu.memory_space<hbm>> -> memref<32x768xf32, #tpu.memory_space<hbm>>
      tpu.wait_dma2 semaphore(%arg14 : memref<!tpu.dma_semaphore, #tpu.memory_space<semaphore_mem>>) src(%dma_wait3A_59 : memref<32x768xf32, #tpu.memory_space<hbm>>) dst(%arg9 : memref<32x768xf32, #tpu.memory_space<vmem>>)
      %scan3A_60 = arith.constant 0 : i32
      %scan3A_61 = arith.constant 0 : i32
      %scan3A_62 = arith.constant 32 : i32
      %scan3A_63 = arith.addi %scan3A_61, %scan3A_62 : i32
      %scan3A_64 = arith.constant 2 : i32
      scf.for %scan3A_276 = %scan3A_61 to %scan3A_63 step %scan3A_64  : i32 {
        %get3A = arith.index_cast %scan3A_276 : i32 to index
        %get3A_277 = arith.constant 0 : index
        %get3A_278 = tpu.vector_load %arg7[%get3A, %get3A_277] {strides = array<i32>} : memref<32x768xf32, #tpu.memory_space<vmem>>, vector<1x16xf32>,
        %get3A_279 = vector.shape_cast %get3A_278 : vector<1x16xf32> to vector<16xf32>
        %swap3A = arith.index_cast %scan3A_276 : i32 to index
        %swap3A_280 = arith.constant 0 : index
        %swap3A_281 = tpu.vector_load %arg9[%swap3A, %swap3A_280] {strides = array<i32>} : memref<32x768xf32, #tpu.memory_space<vmem>>, vector<1x16xf32>,
        %swap3A_282 = vector.shape_cast %swap3A_281 : vector<1x16xf32> to vector<16xf32>
        %swap3A_283 = vector.shape_cast %get3A_279 : vector<16xf32> to vector<1x16xf32>
        tpu.vector_store %arg9[%swap3A, %swap3A_280], %swap3A_283 {add = true, strides = array<i32>} : memref<32x768xf32, #tpu.memory_space<vmem>>, vector<1x16xf32>,
        %get3A_284 = arith.index_cast %scan3A_276 : i32 to index
        %get3A_285 = arith.constant 16 : index
        %get3A_286 = tpu.vector_load %arg7[%get3A_284, %get3A_285] {strides = array<i32>} : memref<32x768xf32, #tpu.memory_space<vmem>>, vector<1x16xf32>,
        %get3A_287 = vector.shape_cast %get3A_286 : vector<1x16xf32> to vector<16xf32>
        %swap3A_288 = arith.index_cast %scan3A_276 : i32 to index
        %swap3A_289 = arith.constant 16 : index
        %swap3A_290 = tpu.vector_load %arg9[%swap3A_288, %swap3A_289] {strides = array<i32>} : memref<32x768xf32, #tpu.memory_space<vmem>>, vector<1x16xf32>,
        %swap3A_291 = vector.shape_cast %swap3A_290 : vector<1x16xf32> to vector<16xf32>
        %swap3A_292 = vector.shape_cast %get3A_287 : vector<16xf32> to vector<1x16xf32>
        tpu.vector_store %arg9[%swap3A_288, %swap3A_289], %swap3A_292 {add = true, strides = array<i32>} : memref<32x768xf32, #tpu.memory_space<vmem>>, vector<1x16xf32>,
        %get3A_293 = arith.index_cast %scan3A_276 : i32 to index
        %get3A_294 = arith.constant 32 : index
        %get3A_295 = tpu.vector_load %arg7[%get3A_293, %get3A_294] {strides = array<i32>} : memref<32x768xf32, #tpu.memory_space<vmem>>, vector<1x16xf32>,
        %get3A_296 = vector.shape_cast %get3A_295 : vector<1x16xf32> to vector<16xf32>
        %swap3A_297 = arith.index_cast %scan3A_276 : i32 to index
        %swap3A_298 = arith.constant 32 : index
        %swap3A_299 = tpu.vector_load %arg9[%swap3A_297, %swap3A_298] {strides = array<i32>} : memref<32x768xf32, #tpu.memory_space<vmem>>, vector<1x16xf32>,
        %swap3A_300 = vector.shape_cast %swap3A_299 : vector<1x16xf32> to vector<16xf32>
        %swap3A_301 = vector.shape_cast %get3A_296 : vector<16xf32> to vector<1x16xf32>
        tpu.vector_store %arg9[%swap3A_297, %swap3A_298], %swap3A_301 {add = true, strides = array<i32>} : memref<32x768xf32, #tpu.memory_space<vmem>>, vector<1x16xf32>,
        %get3A_302 = arith.index_cast %scan3A_276 : i32 to index
        %get3A_303 = arith.constant 48 : index
        %get3A_304 = tpu.vector_load %arg7[%get3A_302, %get3A_303] {strides = array<i32>} : memref<32x768xf32, #tpu.memory_space<vmem>>, vector<1x16xf32>,
        %get3A_305 = vector.shape_cast %get3A_304 : vector<1x16xf32> to vector<16xf32>
        %swap3A_306 = arith.index_cast %scan3A_276 : i32 to index
        %swap3A_307 = arith.constant 48 : index
        %swap3A_308 = tpu.vector_load %arg9[%swap3A_306, %swap3A_307] {strides = array<i32>} : memref<32x768xf32, #tpu.memory_space<vmem>>, vector<1x16xf32>,
        %swap3A_309 = vector.shape_cast %swap3A_308 : vector<1x16xf32> to vector<16xf32>
        %swap3A_310 = vector.shape_cast %get3A_305 : vector<16xf32> to vector<1x16xf32>
        tpu.vector_store %arg9[%swap3A_306, %swap3A_307], %swap3A_310 {add = true, strides = array<i32>} : memref<32x768xf32, #tpu.memory_space<vmem>>, vector<1x16xf32>,
        %get3A_311 = arith.index_cast %scan3A_276 : i32 to index
        %get3A_312 = arith.constant 64 : index
        %get3A_313 = tpu.vector_load %arg7[%get3A_311, %get3A_312] {strides = array<i32>} : memref<32x768xf32, #tpu.memory_space<vmem>>, vector<1x16xf32>,
        %get3A_314 = vector.shape_cast %get3A_313 : vector<1x16xf32> to vector<16xf32>
        %swap3A_315 = arith.index_cast %scan3A_276 : i32 to index
        %swap3A_316 = arith.constant 64 : index
        %swap3A_317 = tpu.vector_load %arg9[%swap3A_315, %swap3A_316] {strides = array<i32>} : memref<32x768xf32, #tpu.memory_space<vmem>>, vector<1x16xf32>,
        %swap3A_318 = vector.shape_cast %swap3A_317 : vector<1x16xf32> to vector<16xf32>
        %swap3A_319 = vector.shape_cast %get3A_314 : vector<16xf32> to vector<1x16xf32>
        tpu.vector_store %arg9[%swap3A_315, %swap3A_316], %swap3A_319 {add = true, strides = array<i32>} : memref<32x768xf32, #tpu.memory_space<vmem>>, vector<1x16xf32>,
        %get3A_320 = arith.index_cast %scan3A_276 : i32 to index
        %get3A_321 = arith.constant 80 : index
        %get3A_322 = tpu.vector_load %arg7[%get3A_320, %get3A_321] {strides = array<i32>} : memref<32x768xf32, #tpu.memory_space<vmem>>, vector<1x16xf32>,
        %get3A_323 = vector.shape_cast %get3A_322 : vector<1x16xf32> to vector<16xf32>
        %swap3A_324 = arith.index_cast %scan3A_276 : i32 to index
        %swap3A_325 = arith.constant 80 : index
        %swap3A_326 = tpu.vector_load %arg9[%swap3A_324, %swap3A_325] {strides = array<i32>} : memref<32x768xf32, #tpu.memory_space<vmem>>, vector<1x16xf32>,
        %swap3A_327 = vector.shape_cast %swap3A_326 : vector<1x16xf32> to vector<16xf32>
        %swap3A_328 = vector.shape_cast %get3A_323 : vector<16xf32> to vector<1x16xf32>
        tpu.vector_store %arg9[%swap3A_324, %swap3A_325], %swap3A_328 {add = true, strides = array<i32>} : memref<32x768xf32, #tpu.memory_space<vmem>>, vector<1x16xf32>,
        %get3A_329 = arith.index_cast %scan3A_276 : i32 to index
        %get3A_330 = arith.constant 96 : index
        %get3A_331 = tpu.vector_load %arg7[%get3A_329, %get3A_330] {strides = array<i32>} : memref<32x768xf32, #tpu.memory_space<vmem>>, vector<1x16xf32>,
        %get3A_332 = vector.shape_cast %get3A_331 : vector<1x16xf32> to vector<16xf32>
        %swap3A_333 = arith.index_cast %scan3A_276 : i32 to index
        %swap3A_334 = arith.constant 96 : index
        %swap3A_335 = tpu.vector_load %arg9[%swap3A_333, %swap3A_334] {strides = array<i32>} : memref<32x768xf32, #tpu.memory_space<vmem>>, vector<1x16xf32>,
        %swap3A_336 = vector.shape_cast %swap3A_335 : vector<1x16xf32> to vector<16xf32>
        %swap3A_337 = vector.shape_cast %get3A_332 : vector<16xf32> to vector<1x16xf32>
        tpu.vector_store %arg9[%swap3A_333, %swap3A_334], %swap3A_337 {add = true, strides = array<i32>} : memref<32x768xf32, #tpu.memory_space<vmem>>, vector<1x16xf32>,
        %get3A_338 = arith.index_cast %scan3A_276 : i32 to index
        %get3A_339 = arith.constant 112 : index
        %get3A_340 = tpu.vector_load %arg7[%get3A_338, %get3A_339] {strides = array<i32>} : memref<32x768xf32, #tpu.memory_space<vmem>>, vector<1x16xf32>,
        %get3A_341 = vector.shape_cast %get3A_340 : vector<1x16xf32> to vector<16xf32>
        %swap3A_342 = arith.index_cast %scan3A_276 : i32 to index
        %swap3A_343 = arith.constant 112 : index
        %swap3A_344 = tpu.vector_load %arg9[%swap3A_342, %swap3A_343] {strides = array<i32>} : memref<32x768xf32, #tpu.memory_space<vmem>>, vector<1x16xf32>,
        %swap3A_345 = vector.shape_cast %swap3A_344 : vector<1x16xf32> to vector<16xf32>
        %swap3A_346 = vector.shape_cast %get3A_341 : vector<16xf32> to vector<1x16xf32>
        tpu.vector_store %arg9[%swap3A_342, %swap3A_343], %swap3A_346 {add = true, strides = array<i32>} : memref<32x768xf32, #tpu.memory_space<vmem>>, vector<1x16xf32>,
        %get3A_347 = arith.index_cast %scan3A_276 : i32 to index
        %get3A_348 = arith.constant 128 : index
        %get3A_349 = tpu.vector_load %arg7[%get3A_347, %get3A_348] {strides = array<i32>} : memref<32x768xf32, #tpu.memory_space<vmem>>, vector<1x16xf32>,
        %get3A_350 = vector.shape_cast %get3A_349 : vector<1x16xf32> to vector<16xf32>
        %swap3A_351 = arith.index_cast %scan3A_276 : i32 to index
        %swap3A_352 = arith.constant 128 : index
        %swap3A_353 = tpu.vector_load %arg9[%swap3A_351, %swap3A_352] {strides = array<i32>} : memref<32x768xf32, #tpu.memory_space<vmem>>, vector<1x16xf32>,
        %swap3A_354 = vector.shape_cast %swap3A_353 : vector<1x16xf32> to vector<16xf32>
        %swap3A_355 = vector.shape_cast %get3A_350 : vector<16xf32> to vector<1x16xf32>
        tpu.vector_store %arg9[%swap3A_351, %swap3A_352], %swap3A_355 {add = true, strides = array<i32>} : memref<32x768xf32, #tpu.memory_space<vmem>>, vector<1x16xf32>,
        %get3A_356 = arith.index_cast %scan3A_276 : i32 to index
        %get3A_357 = arith.constant 144 : index
        %get3A_358 = tpu.vector_load %arg7[%get3A_356, %get3A_357] {strides = array<i32>} : memref<32x768xf32, #tpu.memory_space<vmem>>, vector<1x16xf32>,
        %get3A_359 = vector.shape_cast %get3A_358 : vector<1x16xf32> to vector<16xf32>
        %swap3A_360 = arith.index_cast %scan3A_276 : i32 to index
        %swap3A_361 = arith.constant 144 : index
        %swap3A_362 = tpu.vector_load %arg9[%swap3A_360, %swap3A_361] {strides = array<i32>} : memref<32x768xf32, #tpu.memory_space<vmem>>, vector<1x16xf32>,
        %swap3A_363 = vector.shape_cast %swap3A_362 : vector<1x16xf32> to vector<16xf32>
        %swap3A_364 = vector.shape_cast %get3A_359 : vector<16xf32> to vector<1x16xf32>
        tpu.vector_store %arg9[%swap3A_360, %swap3A_361], %swap3A_364 {add = true, strides = array<i32>} : memref<32x768xf32, #tpu.memory_space<vmem>>, vector<1x16xf32>,
        %get3A_365 = arith.index_cast %scan3A_276 : i32 to index
        %get3A_366 = arith.constant 160 : index
        %get3A_367 = tpu.vector_load %arg7[%get3A_365, %get3A_366] {strides = array<i32>} : memref<32x768xf32, #tpu.memory_space<vmem>>, vector<1x16xf32>,
        %get3A_368 = vector.shape_cast %get3A_367 : vector<1x16xf32> to vector<16xf32>
        %swap3A_369 = arith.index_cast %scan3A_276 : i32 to index
        %swap3A_370 = arith.constant 160 : index
        %swap3A_371 = tpu.vector_load %arg9[%swap3A_369, %swap3A_370] {strides = array<i32>} : memref<32x768xf32, #tpu.memory_space<vmem>>, vector<1x16xf32>,
        %swap3A_372 = vector.shape_cast %swap3A_371 : vector<1x16xf32> to vector<16xf32>
        %swap3A_373 = vector.shape_cast %get3A_368 : vector<16xf32> to vector<1x16xf32>
        tpu.vector_store %arg9[%swap3A_369, %swap3A_370], %swap3A_373 {add = true, strides = array<i32>} : memref<32x768xf32, #tpu.memory_space<vmem>>, vector<1x16xf32>,
        %get3A_374 = arith.index_cast %scan3A_276 : i32 to index
        %get3A_375 = arith.constant 176 : index
        %get3A_376 = tpu.vector_load %arg7[%get3A_374, %get3A_375] {strides = array<i32>} : memref<32x768xf32, #tpu.memory_space<vmem>>, vector<1x16xf32>,
        %get3A_377 = vector.shape_cast %get3A_376 : vector<1x16xf32> to vector<16xf32>
        %swap3A_378 = arith.index_cast %scan3A_276 : i32 to index
        %swap3A_379 = arith.constant 176 : index
        %swap3A_380 = tpu.vector_load %arg9[%swap3A_378, %swap3A_379] {strides = array<i32>} : memref<32x768xf32, #tpu.memory_space<vmem>>, vector<1x16xf32>,
        %swap3A_381 = vector.shape_cast %swap3A_380 : vector<1x16xf32> to vector<16xf32>
        %swap3A_382 = vector.shape_cast %get3A_377 : vector<16xf32> to vector<1x16xf32>
        tpu.vector_store %arg9[%swap3A_378, %swap3A_379], %swap3A_382 {add = true, strides = array<i32>} : memref<32x768xf32, #tpu.memory_space<vmem>>, vector<1x16xf32>,
        %get3A_383 = arith.index_cast %scan3A_276 : i32 to index
        %get3A_384 = arith.constant 192 : index
        %get3A_385 = tpu.vector_load %arg7[%get3A_383, %get3A_384] {strides = array<i32>} : memref<32x768xf32, #tpu.memory_space<vmem>>, vector<1x16xf32>,
        %get3A_386 = vector.shape_cast %get3A_385 : vector<1x16xf32> to vector<16xf32>
        %swap3A_387 = arith.index_cast %scan3A_276 : i32 to index
        %swap3A_388 = arith.constant 192 : index
        %swap3A_389 = tpu.vector_load %arg9[%swap3A_387, %swap3A_388] {strides = array<i32>} : memref<32x768xf32, #tpu.memory_space<vmem>>, vector<1x16xf32>,
        %swap3A_390 = vector.shape_cast %swap3A_389 : vector<1x16xf32> to vector<16xf32>
        %swap3A_391 = vector.shape_cast %get3A_386 : vector<16xf32> to vector<1x16xf32>
        tpu.vector_store %arg9[%swap3A_387, %swap3A_388], %swap3A_391 {add = true, strides = array<i32>} : memref<32x768xf32, #tpu.memory_space<vmem>>, vector<1x16xf32>,
        %get3A_392 = arith.index_cast %scan3A_276 : i32 to index
        %get3A_393 = arith.constant 208 : index
        %get3A_394 = tpu.vector_load %arg7[%get3A_392, %get3A_393] {strides = array<i32>} : memref<32x768xf32, #tpu.memory_space<vmem>>, vector<1x16xf32>,
        %get3A_395 = vector.shape_cast %get3A_394 : vector<1x16xf32> to vector<16xf32>
        %swap3A_396 = arith.index_cast %scan3A_276 : i32 to index
        %swap3A_397 = arith.constant 208 : index
        %swap3A_398 = tpu.vector_load %arg9[%swap3A_396, %swap3A_397] {strides = array<i32>} : memref<32x768xf32, #tpu.memory_space<vmem>>, vector<1x16xf32>,
        %swap3A_399 = vector.shape_cast %swap3A_398 : vector<1x16xf32> to vector<16xf32>
        %swap3A_400 = vector.shape_cast %get3A_395 : vector<16xf32> to vector<1x16xf32>
        tpu.vector_store %arg9[%swap3A_396, %swap3A_397], %swap3A_400 {add = true, strides = array<i32>} : memref<32x768xf32, #tpu.memory_space<vmem>>, vector<1x16xf32>,
        %get3A_401 = arith.index_cast %scan3A_276 : i32 to index
        %get3A_402 = arith.constant 224 : index
        %get3A_403 = tpu.vector_load %arg7[%get3A_401, %get3A_402] {strides = array<i32>} : memref<32x768xf32, #tpu.memory_space<vmem>>, vector<1x16xf32>,
        %get3A_404 = vector.shape_cast %get3A_403 : vector<1x16xf32> to vector<16xf32>
        %swap3A_405 = arith.index_cast %scan3A_276 : i32 to index
        %swap3A_406 = arith.constant 224 : index
        %swap3A_407 = tpu.vector_load %arg9[%swap3A_405, %swap3A_406] {strides = array<i32>} : memref<32x768xf32, #tpu.memory_space<vmem>>, vector<1x16xf32>,
        %swap3A_408 = vector.shape_cast %swap3A_407 : vector<1x16xf32> to vector<16xf32>
        %swap3A_409 = vector.shape_cast %get3A_404 : vector<16xf32> to vector<1x16xf32>
        tpu.vector_store %arg9[%swap3A_405, %swap3A_406], %swap3A_409 {add = true, strides = array<i32>} : memref<32x768xf32, #tpu.memory_space<vmem>>, vector<1x16xf32>,
        %get3A_410 = arith.index_cast %scan3A_276 : i32 to index
        %get3A_411 = arith.constant 240 : index
        %get3A_412 = tpu.vector_load %arg7[%get3A_410, %get3A_411] {strides = array<i32>} : memref<32x768xf32, #tpu.memory_space<vmem>>, vector<1x16xf32>,
        %get3A_413 = vector.shape_cast %get3A_412 : vector<1x16xf32> to vector<16xf32>
        %swap3A_414 = arith.index_cast %scan3A_276 : i32 to index
        %swap3A_415 = arith.constant 240 : index
        %swap3A_416 = tpu.vector_load %arg9[%swap3A_414, %swap3A_415] {strides = array<i32>} : memref<32x768xf32, #tpu.memory_space<vmem>>, vector<1x16xf32>,
        %swap3A_417 = vector.shape_cast %swap3A_416 : vector<1x16xf32> to vector<16xf32>
        %swap3A_418 = vector.shape_cast %get3A_413 : vector<16xf32> to vector<1x16xf32>
        tpu.vector_store %arg9[%swap3A_414, %swap3A_415], %swap3A_418 {add = true, strides = array<i32>} : memref<32x768xf32, #tpu.memory_space<vmem>>, vector<1x16xf32>,
        %get3A_419 = arith.index_cast %scan3A_276 : i32 to index
        %get3A_420 = arith.constant 256 : index
        %get3A_421 = tpu.vector_load %arg7[%get3A_419, %get3A_420] {strides = array<i32>} : memref<32x768xf32, #tpu.memory_space<vmem>>, vector<1x16xf32>,
        %get3A_422 = vector.shape_cast %get3A_421 : vector<1x16xf32> to vector<16xf32>
        %swap3A_423 = arith.index_cast %scan3A_276 : i32 to index
        %swap3A_424 = arith.constant 256 : index
        %swap3A_425 = tpu.vector_load %arg9[%swap3A_423, %swap3A_424] {strides = array<i32>} : memref<32x768xf32, #tpu.memory_space<vmem>>, vector<1x16xf32>,
        %swap3A_426 = vector.shape_cast %swap3A_425 : vector<1x16xf32> to vector<16xf32>
        %swap3A_427 = vector.shape_cast %get3A_422 : vector<16xf32> to vector<1x16xf32>
        tpu.vector_store %arg9[%swap3A_423, %swap3A_424], %swap3A_427 {add = true, strides = array<i32>} : memref<32x768xf32, #tpu.memory_space<vmem>>, vector<1x16xf32>,
        %get3A_428 = arith.index_cast %scan3A_276 : i32 to index
        %get3A_429 = arith.constant 272 : index
        %get3A_430 = tpu.vector_load %arg7[%get3A_428, %get3A_429] {strides = array<i32>} : memref<32x768xf32, #tpu.memory_space<vmem>>, vector<1x16xf32>,
        %get3A_431 = vector.shape_cast %get3A_430 : vector<1x16xf32> to vector<16xf32>
        %swap3A_432 = arith.index_cast %scan3A_276 : i32 to index
        %swap3A_433 = arith.constant 272 : index
        %swap3A_434 = tpu.vector_load %arg9[%swap3A_432, %swap3A_433] {strides = array<i32>} : memref<32x768xf32, #tpu.memory_space<vmem>>, vector<1x16xf32>,
        %swap3A_435 = vector.shape_cast %swap3A_434 : vector<1x16xf32> to vector<16xf32>
        %swap3A_436 = vector.shape_cast %get3A_431 : vector<16xf32> to vector<1x16xf32>
        tpu.vector_store %arg9[%swap3A_432, %swap3A_433], %swap3A_436 {add = true, strides = array<i32>} : memref<32x768xf32, #tpu.memory_space<vmem>>, vector<1x16xf32>,
        %get3A_437 = arith.index_cast %scan3A_276 : i32 to index
        %get3A_438 = arith.constant 288 : index
        %get3A_439 = tpu.vector_load %arg7[%get3A_437, %get3A_438] {strides = array<i32>} : memref<32x768xf32, #tpu.memory_space<vmem>>, vector<1x16xf32>,
        %get3A_440 = vector.shape_cast %get3A_439 : vector<1x16xf32> to vector<16xf32>
        %swap3A_441 = arith.index_cast %scan3A_276 : i32 to index
        %swap3A_442 = arith.constant 288 : index
        %swap3A_443 = tpu.vector_load %arg9[%swap3A_441, %swap3A_442] {strides = array<i32>} : memref<32x768xf32, #tpu.memory_space<vmem>>, vector<1x16xf32>,
        %swap3A_444 = vector.shape_cast %swap3A_443 : vector<1x16xf32> to vector<16xf32>
        %swap3A_445 = vector.shape_cast %get3A_440 : vector<16xf32> to vector<1x16xf32>
        tpu.vector_store %arg9[%swap3A_441, %swap3A_442], %swap3A_445 {add = true, strides = array<i32>} : memref<32x768xf32, #tpu.memory_space<vmem>>, vector<1x16xf32>,
        %get3A_446 = arith.index_cast %scan3A_276 : i32 to index
        %get3A_447 = arith.constant 304 : index
        %get3A_448 = tpu.vector_load %arg7[%get3A_446, %get3A_447] {strides = array<i32>} : memref<32x768xf32, #tpu.memory_space<vmem>>, vector<1x16xf32>,
        %get3A_449 = vector.shape_cast %get3A_448 : vector<1x16xf32> to vector<16xf32>
        %swap3A_450 = arith.index_cast %scan3A_276 : i32 to index
        %swap3A_451 = arith.constant 304 : index
        %swap3A_452 = tpu.vector_load %arg9[%swap3A_450, %swap3A_451] {strides = array<i32>} : memref<32x768xf32, #tpu.memory_space<vmem>>, vector<1x16xf32>,
        %swap3A_453 = vector.shape_cast %swap3A_452 : vector<1x16xf32> to vector<16xf32>
        %swap3A_454 = vector.shape_cast %get3A_449 : vector<16xf32> to vector<1x16xf32>
        tpu.vector_store %arg9[%swap3A_450, %swap3A_451], %swap3A_454 {add = true, strides = array<i32>} : memref<32x768xf32, #tpu.memory_space<vmem>>, vector<1x16xf32>,
        %get3A_455 = arith.index_cast %scan3A_276 : i32 to index
        %get3A_456 = arith.constant 320 : index
        %get3A_457 = tpu.vector_load %arg7[%get3A_455, %get3A_456] {strides = array<i32>} : memref<32x768xf32, #tpu.memory_space<vmem>>, vector<1x16xf32>,
        %get3A_458 = vector.shape_cast %get3A_457 : vector<1x16xf32> to vector<16xf32>
        %swap3A_459 = arith.index_cast %scan3A_276 : i32 to index
        %swap3A_460 = arith.constant 320 : index
        %swap3A_461 = tpu.vector_load %arg9[%swap3A_459, %swap3A_460] {strides = array<i32>} : memref<32x768xf32, #tpu.memory_space<vmem>>, vector<1x16xf32>,
        %swap3A_462 = vector.shape_cast %swap3A_461 : vector<1x16xf32> to vector<16xf32>
        %swap3A_463 = vector.shape_cast %get3A_458 : vector<16xf32> to vector<1x16xf32>
        tpu.vector_store %arg9[%swap3A_459, %swap3A_460], %swap3A_463 {add = true, strides = array<i32>} : memref<32x768xf32, #tpu.memory_space<vmem>>, vector<1x16xf32>,
        %get3A_464 = arith.index_cast %scan3A_276 : i32 to index
        %get3A_465 = arith.constant 336 : index
        %get3A_466 = tpu.vector_load %arg7[%get3A_464, %get3A_465] {strides = array<i32>} : memref<32x768xf32, #tpu.memory_space<vmem>>, vector<1x16xf32>,
        %get3A_467 = vector.shape_cast %get3A_466 : vector<1x16xf32> to vector<16xf32>
        %swap3A_468 = arith.index_cast %scan3A_276 : i32 to index
        %swap3A_469 = arith.constant 336 : index
        %swap3A_470 = tpu.vector_load %arg9[%swap3A_468, %swap3A_469] {strides = array<i32>} : memref<32x768xf32, #tpu.memory_space<vmem>>, vector<1x16xf32>,
        %swap3A_471 = vector.shape_cast %swap3A_470 : vector<1x16xf32> to vector<16xf32>
        %swap3A_472 = vector.shape_cast %get3A_467 : vector<16xf32> to vector<1x16xf32>
        tpu.vector_store %arg9[%swap3A_468, %swap3A_469], %swap3A_472 {add = true, strides = array<i32>} : memref<32x768xf32, #tpu.memory_space<vmem>>, vector<1x16xf32>,
        %get3A_473 = arith.index_cast %scan3A_276 : i32 to index
        %get3A_474 = arith.constant 352 : index
        %get3A_475 = tpu.vector_load %arg7[%get3A_473, %get3A_474] {strides = array<i32>} : memref<32x768xf32, #tpu.memory_space<vmem>>, vector<1x16xf32>,
        %get3A_476 = vector.shape_cast %get3A_475 : vector<1x16xf32> to vector<16xf32>
        %swap3A_477 = arith.index_cast %scan3A_276 : i32 to index
        %swap3A_478 = arith.constant 352 : index
        %swap3A_479 = tpu.vector_load %arg9[%swap3A_477, %swap3A_478] {strides = array<i32>} : memref<32x768xf32, #tpu.memory_space<vmem>>, vector<1x16xf32>,
        %swap3A_480 = vector.shape_cast %swap3A_479 : vector<1x16xf32> to vector<16xf32>
        %swap3A_481 = vector.shape_cast %get3A_476 : vector<16xf32> to vector<1x16xf32>
        tpu.vector_store %arg9[%swap3A_477, %swap3A_478], %swap3A_481 {add = true, strides = array<i32>} : memref<32x768xf32, #tpu.memory_space<vmem>>, vector<1x16xf32>,
        %get3A_482 = arith.index_cast %scan3A_276 : i32 to index
        %get3A_483 = arith.constant 368 : index
        %get3A_484 = tpu.vector_load %arg7[%get3A_482, %get3A_483] {strides = array<i32>} : memref<32x768xf32, #tpu.memory_space<vmem>>, vector<1x16xf32>,
        %get3A_485 = vector.shape_cast %get3A_484 : vector<1x16xf32> to vector<16xf32>
        %swap3A_486 = arith.index_cast %scan3A_276 : i32 to index
        %swap3A_487 = arith.constant 368 : index
        %swap3A_488 = tpu.vector_load %arg9[%swap3A_486, %swap3A_487] {strides = array<i32>} : memref<32x768xf32, #tpu.memory_space<vmem>>, vector<1x16xf32>,
        %swap3A_489 = vector.shape_cast %swap3A_488 : vector<1x16xf32> to vector<16xf32>
        %swap3A_490 = vector.shape_cast %get3A_485 : vector<16xf32> to vector<1x16xf32>
        tpu.vector_store %arg9[%swap3A_486, %swap3A_487], %swap3A_490 {add = true, strides = array<i32>} : memref<32x768xf32, #tpu.memory_space<vmem>>, vector<1x16xf32>,
        %get3A_491 = arith.index_cast %scan3A_276 : i32 to index
        %get3A_492 = arith.constant 384 : index
        %get3A_493 = tpu.vector_load %arg7[%get3A_491, %get3A_492] {strides = array<i32>} : memref<32x768xf32, #tpu.memory_space<vmem>>, vector<1x16xf32>,
        %get3A_494 = vector.shape_cast %get3A_493 : vector<1x16xf32> to vector<16xf32>
        %swap3A_495 = arith.index_cast %scan3A_276 : i32 to index
        %swap3A_496 = arith.constant 384 : index
        %swap3A_497 = tpu.vector_load %arg9[%swap3A_495, %swap3A_496] {strides = array<i32>} : memref<32x768xf32, #tpu.memory_space<vmem>>, vector<1x16xf32>,
        %swap3A_498 = vector.shape_cast %swap3A_497 : vector<1x16xf32> to vector<16xf32>
        %swap3A_499 = vector.shape_cast %get3A_494 : vector<16xf32> to vector<1x16xf32>
        tpu.vector_store %arg9[%swap3A_495, %swap3A_496], %swap3A_499 {add = true, strides = array<i32>} : memref<32x768xf32, #tpu.memory_space<vmem>>, vector<1x16xf32>,
        %get3A_500 = arith.index_cast %scan3A_276 : i32 to index
        %get3A_501 = arith.constant 400 : index
        %get3A_502 = tpu.vector_load %arg7[%get3A_500, %get3A_501] {strides = array<i32>} : memref<32x768xf32, #tpu.memory_space<vmem>>, vector<1x16xf32>,
        %get3A_503 = vector.shape_cast %get3A_502 : vector<1x16xf32> to vector<16xf32>
        %swap3A_504 = arith.index_cast %scan3A_276 : i32 to index
        %swap3A_505 = arith.constant 400 : index
        %swap3A_506 = tpu.vector_load %arg9[%swap3A_504, %swap3A_505] {strides = array<i32>} : memref<32x768xf32, #tpu.memory_space<vmem>>, vector<1x16xf32>,
        %swap3A_507 = vector.shape_cast %swap3A_506 : vector<1x16xf32> to vector<16xf32>
        %swap3A_508 = vector.shape_cast %get3A_503 : vector<16xf32> to vector<1x16xf32>
        tpu.vector_store %arg9[%swap3A_504, %swap3A_505], %swap3A_508 {add = true, strides = array<i32>} : memref<32x768xf32, #tpu.memory_space<vmem>>, vector<1x16xf32>,
        %get3A_509 = arith.index_cast %scan3A_276 : i32 to index
        %get3A_510 = arith.constant 416 : index
        %get3A_511 = tpu.vector_load %arg7[%get3A_509, %get3A_510] {strides = array<i32>} : memref<32x768xf32, #tpu.memory_space<vmem>>, vector<1x16xf32>,
        %get3A_512 = vector.shape_cast %get3A_511 : vector<1x16xf32> to vector<16xf32>
        %swap3A_513 = arith.index_cast %scan3A_276 : i32 to index
        %swap3A_514 = arith.constant 416 : index
        %swap3A_515 = tpu.vector_load %arg9[%swap3A_513, %swap3A_514] {strides = array<i32>} : memref<32x768xf32, #tpu.memory_space<vmem>>, vector<1x16xf32>,
        %swap3A_516 = vector.shape_cast %swap3A_515 : vector<1x16xf32> to vector<16xf32>
        %swap3A_517 = vector.shape_cast %get3A_512 : vector<16xf32> to vector<1x16xf32>
        tpu.vector_store %arg9[%swap3A_513, %swap3A_514], %swap3A_517 {add = true, strides = array<i32>} : memref<32x768xf32, #tpu.memory_space<vmem>>, vector<1x16xf32>,
        %get3A_518 = arith.index_cast %scan3A_276 : i32 to index
        %get3A_519 = arith.constant 432 : index
        %get3A_520 = tpu.vector_load %arg7[%get3A_518, %get3A_519] {strides = array<i32>} : memref<32x768xf32, #tpu.memory_space<vmem>>, vector<1x16xf32>,
        %get3A_521 = vector.shape_cast %get3A_520 : vector<1x16xf32> to vector<16xf32>
        %swap3A_522 = arith.index_cast %scan3A_276 : i32 to index
        %swap3A_523 = arith.constant 432 : index
        %swap3A_524 = tpu.vector_load %arg9[%swap3A_522, %swap3A_523] {strides = array<i32>} : memref<32x768xf32, #tpu.memory_space<vmem>>, vector<1x16xf32>,
        %swap3A_525 = vector.shape_cast %swap3A_524 : vector<1x16xf32> to vector<16xf32>
        %swap3A_526 = vector.shape_cast %get3A_521 : vector<16xf32> to vector<1x16xf32>
        tpu.vector_store %arg9[%swap3A_522, %swap3A_523], %swap3A_526 {add = true, strides = array<i32>} : memref<32x768xf32, #tpu.memory_space<vmem>>, vector<1x16xf32>,
        %get3A_527 = arith.index_cast %scan3A_276 : i32 to index
        %get3A_528 = arith.constant 448 : index
        %get3A_529 = tpu.vector_load %arg7[%get3A_527, %get3A_528] {strides = array<i32>} : memref<32x768xf32, #tpu.memory_space<vmem>>, vector<1x16xf32>,
        %get3A_530 = vector.shape_cast %get3A_529 : vector<1x16xf32> to vector<16xf32>
        %swap3A_531 = arith.index_cast %scan3A_276 : i32 to index
        %swap3A_532 = arith.constant 448 : index
        %swap3A_533 = tpu.vector_load %arg9[%swap3A_531, %swap3A_532] {strides = array<i32>} : memref<32x768xf32, #tpu.memory_space<vmem>>, vector<1x16xf32>,
        %swap3A_534 = vector.shape_cast %swap3A_533 : vector<1x16xf32> to vector<16xf32>
        %swap3A_535 = vector.shape_cast %get3A_530 : vector<16xf32> to vector<1x16xf32>
        tpu.vector_store %arg9[%swap3A_531, %swap3A_532], %swap3A_535 {add = true, strides = array<i32>} : memref<32x768xf32, #tpu.memory_space<vmem>>, vector<1x16xf32>,
        %get3A_536 = arith.index_cast %scan3A_276 : i32 to index
        %get3A_537 = arith.constant 464 : index
        %get3A_538 = tpu.vector_load %arg7[%get3A_536, %get3A_537] {strides = array<i32>} : memref<32x768xf32, #tpu.memory_space<vmem>>, vector<1x16xf32>,
        %get3A_539 = vector.shape_cast %get3A_538 : vector<1x16xf32> to vector<16xf32>
        %swap3A_540 = arith.index_cast %scan3A_276 : i32 to index
        %swap3A_541 = arith.constant 464 : index
        %swap3A_542 = tpu.vector_load %arg9[%swap3A_540, %swap3A_541] {strides = array<i32>} : memref<32x768xf32, #tpu.memory_space<vmem>>, vector<1x16xf32>,
        %swap3A_543 = vector.shape_cast %swap3A_542 : vector<1x16xf32> to vector<16xf32>
        %swap3A_544 = vector.shape_cast %get3A_539 : vector<16xf32> to vector<1x16xf32>
        tpu.vector_store %arg9[%swap3A_540, %swap3A_541], %swap3A_544 {add = true, strides = array<i32>} : memref<32x768xf32, #tpu.memory_space<vmem>>, vector<1x16xf32>,
        %get3A_545 = arith.index_cast %scan3A_276 : i32 to index
        %get3A_546 = arith.constant 480 : index
        %get3A_547 = tpu.vector_load %arg7[%get3A_545, %get3A_546] {strides = array<i32>} : memref<32x768xf32, #tpu.memory_space<vmem>>, vector<1x16xf32>,
        %get3A_548 = vector.shape_cast %get3A_547 : vector<1x16xf32> to vector<16xf32>
        %swap3A_549 = arith.index_cast %scan3A_276 : i32 to index
        %swap3A_550 = arith.constant 480 : index
        %swap3A_551 = tpu.vector_load %arg9[%swap3A_549, %swap3A_550] {strides = array<i32>} : memref<32x768xf32, #tpu.memory_space<vmem>>, vector<1x16xf32>,
        %swap3A_552 = vector.shape_cast %swap3A_551 : vector<1x16xf32> to vector<16xf32>
        %swap3A_553 = vector.shape_cast %get3A_548 : vector<16xf32> to vector<1x16xf32>
        tpu.vector_store %arg9[%swap3A_549, %swap3A_550], %swap3A_553 {add = true, strides = array<i32>} : memref<32x768xf32, #tpu.memory_space<vmem>>, vector<1x16xf32>,
        %get3A_554 = arith.index_cast %scan3A_276 : i32 to index
        %get3A_555 = arith.constant 496 : index
        %get3A_556 = tpu.vector_load %arg7[%get3A_554, %get3A_555] {strides = array<i32>} : memref<32x768xf32, #tpu.memory_space<vmem>>, vector<1x16xf32>,
        %get3A_557 = vector.shape_cast %get3A_556 : vector<1x16xf32> to vector<16xf32>
        %swap3A_558 = arith.index_cast %scan3A_276 : i32 to index
        %swap3A_559 = arith.constant 496 : index
        %swap3A_560 = tpu.vector_load %arg9[%swap3A_558, %swap3A_559] {strides = array<i32>} : memref<32x768xf32, #tpu.memory_space<vmem>>, vector<1x16xf32>,
        %swap3A_561 = vector.shape_cast %swap3A_560 : vector<1x16xf32> to vector<16xf32>
        %swap3A_562 = vector.shape_cast %get3A_557 : vector<16xf32> to vector<1x16xf32>
        tpu.vector_store %arg9[%swap3A_558, %swap3A_559], %swap3A_562 {add = true, strides = array<i32>} : memref<32x768xf32, #tpu.memory_space<vmem>>, vector<1x16xf32>,
        %get3A_563 = arith.index_cast %scan3A_276 : i32 to index
        %get3A_564 = arith.constant 512 : index
        %get3A_565 = tpu.vector_load %arg7[%get3A_563, %get3A_564] {strides = array<i32>} : memref<32x768xf32, #tpu.memory_space<vmem>>, vector<1x16xf32>,
        %get3A_566 = vector.shape_cast %get3A_565 : vector<1x16xf32> to vector<16xf32>
        %swap3A_567 = arith.index_cast %scan3A_276 : i32 to index
        %swap3A_568 = arith.constant 512 : index
        %swap3A_569 = tpu.vector_load %arg9[%swap3A_567, %swap3A_568] {strides = array<i32>} : memref<32x768xf32, #tpu.memory_space<vmem>>, vector<1x16xf32>,
        %swap3A_570 = vector.shape_cast %swap3A_569 : vector<1x16xf32> to vector<16xf32>
        %swap3A_571 = vector.shape_cast %get3A_566 : vector<16xf32> to vector<1x16xf32>
        tpu.vector_store %arg9[%swap3A_567, %swap3A_568], %swap3A_571 {add = true, strides = array<i32>} : memref<32x768xf32, #tpu.memory_space<vmem>>, vector<1x16xf32>,
        %get3A_572 = arith.index_cast %scan3A_276 : i32 to index
        %get3A_573 = arith.constant 528 : index
        %get3A_574 = tpu.vector_load %arg7[%get3A_572, %get3A_573] {strides = array<i32>} : memref<32x768xf32, #tpu.memory_space<vmem>>, vector<1x16xf32>,
        %get3A_575 = vector.shape_cast %get3A_574 : vector<1x16xf32> to vector<16xf32>
        %swap3A_576 = arith.index_cast %scan3A_276 : i32 to index
        %swap3A_577 = arith.constant 528 : index
        %swap3A_578 = tpu.vector_load %arg9[%swap3A_576, %swap3A_577] {strides = array<i32>} : memref<32x768xf32, #tpu.memory_space<vmem>>, vector<1x16xf32>,
        %swap3A_579 = vector.shape_cast %swap3A_578 : vector<1x16xf32> to vector<16xf32>
        %swap3A_580 = vector.shape_cast %get3A_575 : vector<16xf32> to vector<1x16xf32>
        tpu.vector_store %arg9[%swap3A_576, %swap3A_577], %swap3A_580 {add = true, strides = array<i32>} : memref<32x768xf32, #tpu.memory_space<vmem>>, vector<1x16xf32>,
        %get3A_581 = arith.index_cast %scan3A_276 : i32 to index
        %get3A_582 = arith.constant 544 : index
        %get3A_583 = tpu.vector_load %arg7[%get3A_581, %get3A_582] {strides = array<i32>} : memref<32x768xf32, #tpu.memory_space<vmem>>, vector<1x16xf32>,
        %get3A_584 = vector.shape_cast %get3A_583 : vector<1x16xf32> to vector<16xf32>
        %swap3A_585 = arith.index_cast %scan3A_276 : i32 to index
        %swap3A_586 = arith.constant 544 : index
        %swap3A_587 = tpu.vector_load %arg9[%swap3A_585, %swap3A_586] {strides = array<i32>} : memref<32x768xf32, #tpu.memory_space<vmem>>, vector<1x16xf32>,
        %swap3A_588 = vector.shape_cast %swap3A_587 : vector<1x16xf32> to vector<16xf32>
        %swap3A_589 = vector.shape_cast %get3A_584 : vector<16xf32> to vector<1x16xf32>
        tpu.vector_store %arg9[%swap3A_585, %swap3A_586], %swap3A_589 {add = true, strides = array<i32>} : memref<32x768xf32, #tpu.memory_space<vmem>>, vector<1x16xf32>,
        %get3A_590 = arith.index_cast %scan3A_276 : i32 to index
        %get3A_591 = arith.constant 560 : index
        %get3A_592 = tpu.vector_load %arg7[%get3A_590, %get3A_591] {strides = array<i32>} : memref<32x768xf32, #tpu.memory_space<vmem>>, vector<1x16xf32>,
        %get3A_593 = vector.shape_cast %get3A_592 : vector<1x16xf32> to vector<16xf32>
        %swap3A_594 = arith.index_cast %scan3A_276 : i32 to index
        %swap3A_595 = arith.constant 560 : index
        %swap3A_596 = tpu.vector_load %arg9[%swap3A_594, %swap3A_595] {strides = array<i32>} : memref<32x768xf32, #tpu.memory_space<vmem>>, vector<1x16xf32>,
        %swap3A_597 = vector.shape_cast %swap3A_596 : vector<1x16xf32> to vector<16xf32>
        %swap3A_598 = vector.shape_cast %get3A_593 : vector<16xf32> to vector<1x16xf32>
        tpu.vector_store %arg9[%swap3A_594, %swap3A_595], %swap3A_598 {add = true, strides = array<i32>} : memref<32x768xf32, #tpu.memory_space<vmem>>, vector<1x16xf32>,
        %get3A_599 = arith.index_cast %scan3A_276 : i32 to index
        %get3A_600 = arith.constant 576 : index
        %get3A_601 = tpu.vector_load %arg7[%get3A_599, %get3A_600] {strides = array<i32>} : memref<32x768xf32, #tpu.memory_space<vmem>>, vector<1x16xf32>,
        %get3A_602 = vector.shape_cast %get3A_601 : vector<1x16xf32> to vector<16xf32>
        %swap3A_603 = arith.index_cast %scan3A_276 : i32 to index
        %swap3A_604 = arith.constant 576 : index
        %swap3A_605 = tpu.vector_load %arg9[%swap3A_603, %swap3A_604] {strides = array<i32>} : memref<32x768xf32, #tpu.memory_space<vmem>>, vector<1x16xf32>,
        %swap3A_606 = vector.shape_cast %swap3A_605 : vector<1x16xf32> to vector<16xf32>
        %swap3A_607 = vector.shape_cast %get3A_602 : vector<16xf32> to vector<1x16xf32>
        tpu.vector_store %arg9[%swap3A_603, %swap3A_604], %swap3A_607 {add = true, strides = array<i32>} : memref<32x768xf32, #tpu.memory_space<vmem>>, vector<1x16xf32>,
        %get3A_608 = arith.index_cast %scan3A_276 : i32 to index
        %get3A_609 = arith.constant 592 : index
        %get3A_610 = tpu.vector_load %arg7[%get3A_608, %get3A_609] {strides = array<i32>} : memref<32x768xf32, #tpu.memory_space<vmem>>, vector<1x16xf32>,
        %get3A_611 = vector.shape_cast %get3A_610 : vector<1x16xf32> to vector<16xf32>
        %swap3A_612 = arith.index_cast %scan3A_276 : i32 to index
        %swap3A_613 = arith.constant 592 : index
        %swap3A_614 = tpu.vector_load %arg9[%swap3A_612, %swap3A_613] {strides = array<i32>} : memref<32x768xf32, #tpu.memory_space<vmem>>, vector<1x16xf32>,
        %swap3A_615 = vector.shape_cast %swap3A_614 : vector<1x16xf32> to vector<16xf32>
        %swap3A_616 = vector.shape_cast %get3A_611 : vector<16xf32> to vector<1x16xf32>
        tpu.vector_store %arg9[%swap3A_612, %swap3A_613], %swap3A_616 {add = true, strides = array<i32>} : memref<32x768xf32, #tpu.memory_space<vmem>>, vector<1x16xf32>,
        %get3A_617 = arith.index_cast %scan3A_276 : i32 to index
        %get3A_618 = arith.constant 608 : index
        %get3A_619 = tpu.vector_load %arg7[%get3A_617, %get3A_618] {strides = array<i32>} : memref<32x768xf32, #tpu.memory_space<vmem>>, vector<1x16xf32>,
        %get3A_620 = vector.shape_cast %get3A_619 : vector<1x16xf32> to vector<16xf32>
        %swap3A_621 = arith.index_cast %scan3A_276 : i32 to index
        %swap3A_622 = arith.constant 608 : index
        %swap3A_623 = tpu.vector_load %arg9[%swap3A_621, %swap3A_622] {strides = array<i32>} : memref<32x768xf32, #tpu.memory_space<vmem>>, vector<1x16xf32>,
        %swap3A_624 = vector.shape_cast %swap3A_623 : vector<1x16xf32> to vector<16xf32>
        %swap3A_625 = vector.shape_cast %get3A_620 : vector<16xf32> to vector<1x16xf32>
        tpu.vector_store %arg9[%swap3A_621, %swap3A_622], %swap3A_625 {add = true, strides = array<i32>} : memref<32x768xf32, #tpu.memory_space<vmem>>, vector<1x16xf32>,
        %get3A_626 = arith.index_cast %scan3A_276 : i32 to index
        %get3A_627 = arith.constant 624 : index
        %get3A_628 = tpu.vector_load %arg7[%get3A_626, %get3A_627] {strides = array<i32>} : memref<32x768xf32, #tpu.memory_space<vmem>>, vector<1x16xf32>,
        %get3A_629 = vector.shape_cast %get3A_628 : vector<1x16xf32> to vector<16xf32>
        %swap3A_630 = arith.index_cast %scan3A_276 : i32 to index
        %swap3A_631 = arith.constant 624 : index
        %swap3A_632 = tpu.vector_load %arg9[%swap3A_630, %swap3A_631] {strides = array<i32>} : memref<32x768xf32, #tpu.memory_space<vmem>>, vector<1x16xf32>,
        %swap3A_633 = vector.shape_cast %swap3A_632 : vector<1x16xf32> to vector<16xf32>
        %swap3A_634 = vector.shape_cast %get3A_629 : vector<16xf32> to vector<1x16xf32>
        tpu.vector_store %arg9[%swap3A_630, %swap3A_631], %swap3A_634 {add = true, strides = array<i32>} : memref<32x768xf32, #tpu.memory_space<vmem>>, vector<1x16xf32>,
        %get3A_635 = arith.index_cast %scan3A_276 : i32 to index
        %get3A_636 = arith.constant 640 : index
        %get3A_637 = tpu.vector_load %arg7[%get3A_635, %get3A_636] {strides = array<i32>} : memref<32x768xf32, #tpu.memory_space<vmem>>, vector<1x16xf32>,
        %get3A_638 = vector.shape_cast %get3A_637 : vector<1x16xf32> to vector<16xf32>
        %swap3A_639 = arith.index_cast %scan3A_276 : i32 to index
        %swap3A_640 = arith.constant 640 : index
        %swap3A_641 = tpu.vector_load %arg9[%swap3A_639, %swap3A_640] {strides = array<i32>} : memref<32x768xf32, #tpu.memory_space<vmem>>, vector<1x16xf32>,
        %swap3A_642 = vector.shape_cast %swap3A_641 : vector<1x16xf32> to vector<16xf32>
        %swap3A_643 = vector.shape_cast %get3A_638 : vector<16xf32> to vector<1x16xf32>
        tpu.vector_store %arg9[%swap3A_639, %swap3A_640], %swap3A_643 {add = true, strides = array<i32>} : memref<32x768xf32, #tpu.memory_space<vmem>>, vector<1x16xf32>,
        %get3A_644 = arith.index_cast %scan3A_276 : i32 to index
        %get3A_645 = arith.constant 656 : index
        %get3A_646 = tpu.vector_load %arg7[%get3A_644, %get3A_645] {strides = array<i32>} : memref<32x768xf32, #tpu.memory_space<vmem>>, vector<1x16xf32>,
        %get3A_647 = vector.shape_cast %get3A_646 : vector<1x16xf32> to vector<16xf32>
        %swap3A_648 = arith.index_cast %scan3A_276 : i32 to index
        %swap3A_649 = arith.constant 656 : index
        %swap3A_650 = tpu.vector_load %arg9[%swap3A_648, %swap3A_649] {strides = array<i32>} : memref<32x768xf32, #tpu.memory_space<vmem>>, vector<1x16xf32>,
        %swap3A_651 = vector.shape_cast %swap3A_650 : vector<1x16xf32> to vector<16xf32>
        %swap3A_652 = vector.shape_cast %get3A_647 : vector<16xf32> to vector<1x16xf32>
        tpu.vector_store %arg9[%swap3A_648, %swap3A_649], %swap3A_652 {add = true, strides = array<i32>} : memref<32x768xf32, #tpu.memory_space<vmem>>, vector<1x16xf32>,
        %get3A_653 = arith.index_cast %scan3A_276 : i32 to index
        %get3A_654 = arith.constant 672 : index
        %get3A_655 = tpu.vector_load %arg7[%get3A_653, %get3A_654] {strides = array<i32>} : memref<32x768xf32, #tpu.memory_space<vmem>>, vector<1x16xf32>,
        %get3A_656 = vector.shape_cast %get3A_655 : vector<1x16xf32> to vector<16xf32>
        %swap3A_657 = arith.index_cast %scan3A_276 : i32 to index
        %swap3A_658 = arith.constant 672 : index
        %swap3A_659 = tpu.vector_load %arg9[%swap3A_657, %swap3A_658] {strides = array<i32>} : memref<32x768xf32, #tpu.memory_space<vmem>>, vector<1x16xf32>,
        %swap3A_660 = vector.shape_cast %swap3A_659 : vector<1x16xf32> to vector<16xf32>
        %swap3A_661 = vector.shape_cast %get3A_656 : vector<16xf32> to vector<1x16xf32>
        tpu.vector_store %arg9[%swap3A_657, %swap3A_658], %swap3A_661 {add = true, strides = array<i32>} : memref<32x768xf32, #tpu.memory_space<vmem>>, vector<1x16xf32>,
        %get3A_662 = arith.index_cast %scan3A_276 : i32 to index
        %get3A_663 = arith.constant 688 : index
        %get3A_664 = tpu.vector_load %arg7[%get3A_662, %get3A_663] {strides = array<i32>} : memref<32x768xf32, #tpu.memory_space<vmem>>, vector<1x16xf32>,
        %get3A_665 = vector.shape_cast %get3A_664 : vector<1x16xf32> to vector<16xf32>
        %swap3A_666 = arith.index_cast %scan3A_276 : i32 to index
        %swap3A_667 = arith.constant 688 : index
        %swap3A_668 = tpu.vector_load %arg9[%swap3A_666, %swap3A_667] {strides = array<i32>} : memref<32x768xf32, #tpu.memory_space<vmem>>, vector<1x16xf32>,
        %swap3A_669 = vector.shape_cast %swap3A_668 : vector<1x16xf32> to vector<16xf32>
        %swap3A_670 = vector.shape_cast %get3A_665 : vector<16xf32> to vector<1x16xf32>
        tpu.vector_store %arg9[%swap3A_666, %swap3A_667], %swap3A_670 {add = true, strides = array<i32>} : memref<32x768xf32, #tpu.memory_space<vmem>>, vector<1x16xf32>,
        %get3A_671 = arith.index_cast %scan3A_276 : i32 to index
        %get3A_672 = arith.constant 704 : index
        %get3A_673 = tpu.vector_load %arg7[%get3A_671, %get3A_672] {strides = array<i32>} : memref<32x768xf32, #tpu.memory_space<vmem>>, vector<1x16xf32>,
        %get3A_674 = vector.shape_cast %get3A_673 : vector<1x16xf32> to vector<16xf32>
        %swap3A_675 = arith.index_cast %scan3A_276 : i32 to index
        %swap3A_676 = arith.constant 704 : index
        %swap3A_677 = tpu.vector_load %arg9[%swap3A_675, %swap3A_676] {strides = array<i32>} : memref<32x768xf32, #tpu.memory_space<vmem>>, vector<1x16xf32>,
        %swap3A_678 = vector.shape_cast %swap3A_677 : vector<1x16xf32> to vector<16xf32>
        %swap3A_679 = vector.shape_cast %get3A_674 : vector<16xf32> to vector<1x16xf32>
        tpu.vector_store %arg9[%swap3A_675, %swap3A_676], %swap3A_679 {add = true, strides = array<i32>} : memref<32x768xf32, #tpu.memory_space<vmem>>, vector<1x16xf32>,
        %get3A_680 = arith.index_cast %scan3A_276 : i32 to index
        %get3A_681 = arith.constant 720 : index
        %get3A_682 = tpu.vector_load %arg7[%get3A_680, %get3A_681] {strides = array<i32>} : memref<32x768xf32, #tpu.memory_space<vmem>>, vector<1x16xf32>,
        %get3A_683 = vector.shape_cast %get3A_682 : vector<1x16xf32> to vector<16xf32>
        %swap3A_684 = arith.index_cast %scan3A_276 : i32 to index
        %swap3A_685 = arith.constant 720 : index
        %swap3A_686 = tpu.vector_load %arg9[%swap3A_684, %swap3A_685] {strides = array<i32>} : memref<32x768xf32, #tpu.memory_space<vmem>>, vector<1x16xf32>,
        %swap3A_687 = vector.shape_cast %swap3A_686 : vector<1x16xf32> to vector<16xf32>
        %swap3A_688 = vector.shape_cast %get3A_683 : vector<16xf32> to vector<1x16xf32>
        tpu.vector_store %arg9[%swap3A_684, %swap3A_685], %swap3A_688 {add = true, strides = array<i32>} : memref<32x768xf32, #tpu.memory_space<vmem>>, vector<1x16xf32>,
        %get3A_689 = arith.index_cast %scan3A_276 : i32 to index
        %get3A_690 = arith.constant 736 : index
        %get3A_691 = tpu.vector_load %arg7[%get3A_689, %get3A_690] {strides = array<i32>} : memref<32x768xf32, #tpu.memory_space<vmem>>, vector<1x16xf32>,
        %get3A_692 = vector.shape_cast %get3A_691 : vector<1x16xf32> to vector<16xf32>
        %swap3A_693 = arith.index_cast %scan3A_276 : i32 to index
        %swap3A_694 = arith.constant 736 : index
        %swap3A_695 = tpu.vector_load %arg9[%swap3A_693, %swap3A_694] {strides = array<i32>} : memref<32x768xf32, #tpu.memory_space<vmem>>, vector<1x16xf32>,
        %swap3A_696 = vector.shape_cast %swap3A_695 : vector<1x16xf32> to vector<16xf32>
        %swap3A_697 = vector.shape_cast %get3A_692 : vector<16xf32> to vector<1x16xf32>
        tpu.vector_store %arg9[%swap3A_693, %swap3A_694], %swap3A_697 {add = true, strides = array<i32>} : memref<32x768xf32, #tpu.memory_space<vmem>>, vector<1x16xf32>,
        %get3A_698 = arith.index_cast %scan3A_276 : i32 to index
        %get3A_699 = arith.constant 752 : index
        %get3A_700 = tpu.vector_load %arg7[%get3A_698, %get3A_699] {strides = array<i32>} : memref<32x768xf32, #tpu.memory_space<vmem>>, vector<1x16xf32>,
        %get3A_701 = vector.shape_cast %get3A_700 : vector<1x16xf32> to vector<16xf32>
        %swap3A_702 = arith.index_cast %scan3A_276 : i32 to index
        %swap3A_703 = arith.constant 752 : index
        %swap3A_704 = tpu.vector_load %arg9[%swap3A_702, %swap3A_703] {strides = array<i32>} : memref<32x768xf32, #tpu.memory_space<vmem>>, vector<1x16xf32>,
        %swap3A_705 = vector.shape_cast %swap3A_704 : vector<1x16xf32> to vector<16xf32>
        %swap3A_706 = vector.shape_cast %get3A_701 : vector<16xf32> to vector<1x16xf32>
        tpu.vector_store %arg9[%swap3A_702, %swap3A_703], %swap3A_706 {add = true, strides = array<i32>} : memref<32x768xf32, #tpu.memory_space<vmem>>, vector<1x16xf32>,
        %scan3A_707 = arith.constant 1 : i32
        %scan3A_708 = arith.addi %scan3A_276, %scan3A_707 : i32
        %get3A_709 = arith.index_cast %scan3A_708 : i32 to index
        %get3A_710 = arith.constant 0 : index
        %get3A_711 = tpu.vector_load %arg7[%get3A_709, %get3A_710] {strides = array<i32>} : memref<32x768xf32, #tpu.memory_space<vmem>>, vector<1x16xf32>,
        %get3A_712 = vector.shape_cast %get3A_711 : vector<1x16xf32> to vector<16xf32>
        %swap3A_713 = arith.index_cast %scan3A_708 : i32 to index
        %swap3A_714 = arith.constant 0 : index
        %swap3A_715 = tpu.vector_load %arg9[%swap3A_713, %swap3A_714] {strides = array<i32>} : memref<32x768xf32, #tpu.memory_space<vmem>>, vector<1x16xf32>,
        %swap3A_716 = vector.shape_cast %swap3A_715 : vector<1x16xf32> to vector<16xf32>
        %swap3A_717 = vector.shape_cast %get3A_712 : vector<16xf32> to vector<1x16xf32>
        tpu.vector_store %arg9[%swap3A_713, %swap3A_714], %swap3A_717 {add = true, strides = array<i32>} : memref<32x768xf32, #tpu.memory_space<vmem>>, vector<1x16xf32>,
        %get3A_718 = arith.index_cast %scan3A_708 : i32 to index
        %get3A_719 = arith.constant 16 : index
        %get3A_720 = tpu.vector_load %arg7[%get3A_718, %get3A_719] {strides = array<i32>} : memref<32x768xf32, #tpu.memory_space<vmem>>, vector<1x16xf32>,
        %get3A_721 = vector.shape_cast %get3A_720 : vector<1x16xf32> to vector<16xf32>
        %swap3A_722 = arith.index_cast %scan3A_708 : i32 to index
        %swap3A_723 = arith.constant 16 : index
        %swap3A_724 = tpu.vector_load %arg9[%swap3A_722, %swap3A_723] {strides = array<i32>} : memref<32x768xf32, #tpu.memory_space<vmem>>, vector<1x16xf32>,
        %swap3A_725 = vector.shape_cast %swap3A_724 : vector<1x16xf32> to vector<16xf32>
        %swap3A_726 = vector.shape_cast %get3A_721 : vector<16xf32> to vector<1x16xf32>
        tpu.vector_store %arg9[%swap3A_722, %swap3A_723], %swap3A_726 {add = true, strides = array<i32>} : memref<32x768xf32, #tpu.memory_space<vmem>>, vector<1x16xf32>,
        %get3A_727 = arith.index_cast %scan3A_708 : i32 to index
        %get3A_728 = arith.constant 32 : index
        %get3A_729 = tpu.vector_load %arg7[%get3A_727, %get3A_728] {strides = array<i32>} : memref<32x768xf32, #tpu.memory_space<vmem>>, vector<1x16xf32>,
        %get3A_730 = vector.shape_cast %get3A_729 : vector<1x16xf32> to vector<16xf32>
        %swap3A_731 = arith.index_cast %scan3A_708 : i32 to index
        %swap3A_732 = arith.constant 32 : index
        %swap3A_733 = tpu.vector_load %arg9[%swap3A_731, %swap3A_732] {strides = array<i32>} : memref<32x768xf32, #tpu.memory_space<vmem>>, vector<1x16xf32>,
        %swap3A_734 = vector.shape_cast %swap3A_733 : vector<1x16xf32> to vector<16xf32>
        %swap3A_735 = vector.shape_cast %get3A_730 : vector<16xf32> to vector<1x16xf32>
        tpu.vector_store %arg9[%swap3A_731, %swap3A_732], %swap3A_735 {add = true, strides = array<i32>} : memref<32x768xf32, #tpu.memory_space<vmem>>, vector<1x16xf32>,
        %get3A_736 = arith.index_cast %scan3A_708 : i32 to index
        %get3A_737 = arith.constant 48 : index
        %get3A_738 = tpu.vector_load %arg7[%get3A_736, %get3A_737] {strides = array<i32>} : memref<32x768xf32, #tpu.memory_space<vmem>>, vector<1x16xf32>,
        %get3A_739 = vector.shape_cast %get3A_738 : vector<1x16xf32> to vector<16xf32>
        %swap3A_740 = arith.index_cast %scan3A_708 : i32 to index
        %swap3A_741 = arith.constant 48 : index
        %swap3A_742 = tpu.vector_load %arg9[%swap3A_740, %swap3A_741] {strides = array<i32>} : memref<32x768xf32, #tpu.memory_space<vmem>>, vector<1x16xf32>,
        %swap3A_743 = vector.shape_cast %swap3A_742 : vector<1x16xf32> to vector<16xf32>
        %swap3A_744 = vector.shape_cast %get3A_739 : vector<16xf32> to vector<1x16xf32>
        tpu.vector_store %arg9[%swap3A_740, %swap3A_741], %swap3A_744 {add = true, strides = array<i32>} : memref<32x768xf32, #tpu.memory_space<vmem>>, vector<1x16xf32>,
        %get3A_745 = arith.index_cast %scan3A_708 : i32 to index
        %get3A_746 = arith.constant 64 : index
        %get3A_747 = tpu.vector_load %arg7[%get3A_745, %get3A_746] {strides = array<i32>} : memref<32x768xf32, #tpu.memory_space<vmem>>, vector<1x16xf32>,
        %get3A_748 = vector.shape_cast %get3A_747 : vector<1x16xf32> to vector<16xf32>
        %swap3A_749 = arith.index_cast %scan3A_708 : i32 to index
        %swap3A_750 = arith.constant 64 : index
        %swap3A_751 = tpu.vector_load %arg9[%swap3A_749, %swap3A_750] {strides = array<i32>} : memref<32x768xf32, #tpu.memory_space<vmem>>, vector<1x16xf32>,
        %swap3A_752 = vector.shape_cast %swap3A_751 : vector<1x16xf32> to vector<16xf32>
        %swap3A_753 = vector.shape_cast %get3A_748 : vector<16xf32> to vector<1x16xf32>
        tpu.vector_store %arg9[%swap3A_749, %swap3A_750], %swap3A_753 {add = true, strides = array<i32>} : memref<32x768xf32, #tpu.memory_space<vmem>>, vector<1x16xf32>,
        %get3A_754 = arith.index_cast %scan3A_708 : i32 to index
        %get3A_755 = arith.constant 80 : index
        %get3A_756 = tpu.vector_load %arg7[%get3A_754, %get3A_755] {strides = array<i32>} : memref<32x768xf32, #tpu.memory_space<vmem>>, vector<1x16xf32>,
        %get3A_757 = vector.shape_cast %get3A_756 : vector<1x16xf32> to vector<16xf32>
        %swap3A_758 = arith.index_cast %scan3A_708 : i32 to index
        %swap3A_759 = arith.constant 80 : index
        %swap3A_760 = tpu.vector_load %arg9[%swap3A_758, %swap3A_759] {strides = array<i32>} : memref<32x768xf32, #tpu.memory_space<vmem>>, vector<1x16xf32>,
        %swap3A_761 = vector.shape_cast %swap3A_760 : vector<1x16xf32> to vector<16xf32>
        %swap3A_762 = vector.shape_cast %get3A_757 : vector<16xf32> to vector<1x16xf32>
        tpu.vector_store %arg9[%swap3A_758, %swap3A_759], %swap3A_762 {add = true, strides = array<i32>} : memref<32x768xf32, #tpu.memory_space<vmem>>, vector<1x16xf32>,
        %get3A_763 = arith.index_cast %scan3A_708 : i32 to index
        %get3A_764 = arith.constant 96 : index
        %get3A_765 = tpu.vector_load %arg7[%get3A_763, %get3A_764] {strides = array<i32>} : memref<32x768xf32, #tpu.memory_space<vmem>>, vector<1x16xf32>,
        %get3A_766 = vector.shape_cast %get3A_765 : vector<1x16xf32> to vector<16xf32>
        %swap3A_767 = arith.index_cast %scan3A_708 : i32 to index
        %swap3A_768 = arith.constant 96 : index
        %swap3A_769 = tpu.vector_load %arg9[%swap3A_767, %swap3A_768] {strides = array<i32>} : memref<32x768xf32, #tpu.memory_space<vmem>>, vector<1x16xf32>,
        %swap3A_770 = vector.shape_cast %swap3A_769 : vector<1x16xf32> to vector<16xf32>
        %swap3A_771 = vector.shape_cast %get3A_766 : vector<16xf32> to vector<1x16xf32>
        tpu.vector_store %arg9[%swap3A_767, %swap3A_768], %swap3A_771 {add = true, strides = array<i32>} : memref<32x768xf32, #tpu.memory_space<vmem>>, vector<1x16xf32>,
        %get3A_772 = arith.index_cast %scan3A_708 : i32 to index
        %get3A_773 = arith.constant 112 : index
        %get3A_774 = tpu.vector_load %arg7[%get3A_772, %get3A_773] {strides = array<i32>} : memref<32x768xf32, #tpu.memory_space<vmem>>, vector<1x16xf32>,
        %get3A_775 = vector.shape_cast %get3A_774 : vector<1x16xf32> to vector<16xf32>
        %swap3A_776 = arith.index_cast %scan3A_708 : i32 to index
        %swap3A_777 = arith.constant 112 : index
        %swap3A_778 = tpu.vector_load %arg9[%swap3A_776, %swap3A_777] {strides = array<i32>} : memref<32x768xf32, #tpu.memory_space<vmem>>, vector<1x16xf32>,
        %swap3A_779 = vector.shape_cast %swap3A_778 : vector<1x16xf32> to vector<16xf32>
        %swap3A_780 = vector.shape_cast %get3A_775 : vector<16xf32> to vector<1x16xf32>
        tpu.vector_store %arg9[%swap3A_776, %swap3A_777], %swap3A_780 {add = true, strides = array<i32>} : memref<32x768xf32, #tpu.memory_space<vmem>>, vector<1x16xf32>,
        %get3A_781 = arith.index_cast %scan3A_708 : i32 to index
        %get3A_782 = arith.constant 128 : index
        %get3A_783 = tpu.vector_load %arg7[%get3A_781, %get3A_782] {strides = array<i32>} : memref<32x768xf32, #tpu.memory_space<vmem>>, vector<1x16xf32>,
        %get3A_784 = vector.shape_cast %get3A_783 : vector<1x16xf32> to vector<16xf32>
        %swap3A_785 = arith.index_cast %scan3A_708 : i32 to index
        %swap3A_786 = arith.constant 128 : index
        %swap3A_787 = tpu.vector_load %arg9[%swap3A_785, %swap3A_786] {strides = array<i32>} : memref<32x768xf32, #tpu.memory_space<vmem>>, vector<1x16xf32>,
        %swap3A_788 = vector.shape_cast %swap3A_787 : vector<1x16xf32> to vector<16xf32>
        %swap3A_789 = vector.shape_cast %get3A_784 : vector<16xf32> to vector<1x16xf32>
        tpu.vector_store %arg9[%swap3A_785, %swap3A_786], %swap3A_789 {add = true, strides = array<i32>} : memref<32x768xf32, #tpu.memory_space<vmem>>, vector<1x16xf32>,
        %get3A_790 = arith.index_cast %scan3A_708 : i32 to index
        %get3A_791 = arith.constant 144 : index
        %get3A_792 = tpu.vector_load %arg7[%get3A_790, %get3A_791] {strides = array<i32>} : memref<32x768xf32, #tpu.memory_space<vmem>>, vector<1x16xf32>,
        %get3A_793 = vector.shape_cast %get3A_792 : vector<1x16xf32> to vector<16xf32>
        %swap3A_794 = arith.index_cast %scan3A_708 : i32 to index
        %swap3A_795 = arith.constant 144 : index
        %swap3A_796 = tpu.vector_load %arg9[%swap3A_794, %swap3A_795] {strides = array<i32>} : memref<32x768xf32, #tpu.memory_space<vmem>>, vector<1x16xf32>,
        %swap3A_797 = vector.shape_cast %swap3A_796 : vector<1x16xf32> to vector<16xf32>
        %swap3A_798 = vector.shape_cast %get3A_793 : vector<16xf32> to vector<1x16xf32>
        tpu.vector_store %arg9[%swap3A_794, %swap3A_795], %swap3A_798 {add = true, strides = array<i32>} : memref<32x768xf32, #tpu.memory_space<vmem>>, vector<1x16xf32>,
        %get3A_799 = arith.index_cast %scan3A_708 : i32 to index
        %get3A_800 = arith.constant 160 : index
        %get3A_801 = tpu.vector_load %arg7[%get3A_799, %get3A_800] {strides = array<i32>} : memref<32x768xf32, #tpu.memory_space<vmem>>, vector<1x16xf32>,
        %get3A_802 = vector.shape_cast %get3A_801 : vector<1x16xf32> to vector<16xf32>
        %swap3A_803 = arith.index_cast %scan3A_708 : i32 to index
        %swap3A_804 = arith.constant 160 : index
        %swap3A_805 = tpu.vector_load %arg9[%swap3A_803, %swap3A_804] {strides = array<i32>} : memref<32x768xf32, #tpu.memory_space<vmem>>, vector<1x16xf32>,
        %swap3A_806 = vector.shape_cast %swap3A_805 : vector<1x16xf32> to vector<16xf32>
        %swap3A_807 = vector.shape_cast %get3A_802 : vector<16xf32> to vector<1x16xf32>
        tpu.vector_store %arg9[%swap3A_803, %swap3A_804], %swap3A_807 {add = true, strides = array<i32>} : memref<32x768xf32, #tpu.memory_space<vmem>>, vector<1x16xf32>,
        %get3A_808 = arith.index_cast %scan3A_708 : i32 to index
        %get3A_809 = arith.constant 176 : index
        %get3A_810 = tpu.vector_load %arg7[%get3A_808, %get3A_809] {strides = array<i32>} : memref<32x768xf32, #tpu.memory_space<vmem>>, vector<1x16xf32>,
        %get3A_811 = vector.shape_cast %get3A_810 : vector<1x16xf32> to vector<16xf32>
        %swap3A_812 = arith.index_cast %scan3A_708 : i32 to index
        %swap3A_813 = arith.constant 176 : index
        %swap3A_814 = tpu.vector_load %arg9[%swap3A_812, %swap3A_813] {strides = array<i32>} : memref<32x768xf32, #tpu.memory_space<vmem>>, vector<1x16xf32>,
        %swap3A_815 = vector.shape_cast %swap3A_814 : vector<1x16xf32> to vector<16xf32>
        %swap3A_816 = vector.shape_cast %get3A_811 : vector<16xf32> to vector<1x16xf32>
        tpu.vector_store %arg9[%swap3A_812, %swap3A_813], %swap3A_816 {add = true, strides = array<i32>} : memref<32x768xf32, #tpu.memory_space<vmem>>, vector<1x16xf32>,
        %get3A_817 = arith.index_cast %scan3A_708 : i32 to index
        %get3A_818 = arith.constant 192 : index
        %get3A_819 = tpu.vector_load %arg7[%get3A_817, %get3A_818] {strides = array<i32>} : memref<32x768xf32, #tpu.memory_space<vmem>>, vector<1x16xf32>,
        %get3A_820 = vector.shape_cast %get3A_819 : vector<1x16xf32> to vector<16xf32>
        %swap3A_821 = arith.index_cast %scan3A_708 : i32 to index
        %swap3A_822 = arith.constant 192 : index
        %swap3A_823 = tpu.vector_load %arg9[%swap3A_821, %swap3A_822] {strides = array<i32>} : memref<32x768xf32, #tpu.memory_space<vmem>>, vector<1x16xf32>,
        %swap3A_824 = vector.shape_cast %swap3A_823 : vector<1x16xf32> to vector<16xf32>
        %swap3A_825 = vector.shape_cast %get3A_820 : vector<16xf32> to vector<1x16xf32>
        tpu.vector_store %arg9[%swap3A_821, %swap3A_822], %swap3A_825 {add = true, strides = array<i32>} : memref<32x768xf32, #tpu.memory_space<vmem>>, vector<1x16xf32>,
        %get3A_826 = arith.index_cast %scan3A_708 : i32 to index
        %get3A_827 = arith.constant 208 : index
        %get3A_828 = tpu.vector_load %arg7[%get3A_826, %get3A_827] {strides = array<i32>} : memref<32x768xf32, #tpu.memory_space<vmem>>, vector<1x16xf32>,
        %get3A_829 = vector.shape_cast %get3A_828 : vector<1x16xf32> to vector<16xf32>
        %swap3A_830 = arith.index_cast %scan3A_708 : i32 to index
        %swap3A_831 = arith.constant 208 : index
        %swap3A_832 = tpu.vector_load %arg9[%swap3A_830, %swap3A_831] {strides = array<i32>} : memref<32x768xf32, #tpu.memory_space<vmem>>, vector<1x16xf32>,
        %swap3A_833 = vector.shape_cast %swap3A_832 : vector<1x16xf32> to vector<16xf32>
        %swap3A_834 = vector.shape_cast %get3A_829 : vector<16xf32> to vector<1x16xf32>
        tpu.vector_store %arg9[%swap3A_830, %swap3A_831], %swap3A_834 {add = true, strides = array<i32>} : memref<32x768xf32, #tpu.memory_space<vmem>>, vector<1x16xf32>,
        %get3A_835 = arith.index_cast %scan3A_708 : i32 to index
        %get3A_836 = arith.constant 224 : index
        %get3A_837 = tpu.vector_load %arg7[%get3A_835, %get3A_836] {strides = array<i32>} : memref<32x768xf32, #tpu.memory_space<vmem>>, vector<1x16xf32>,
        %get3A_838 = vector.shape_cast %get3A_837 : vector<1x16xf32> to vector<16xf32>
        %swap3A_839 = arith.index_cast %scan3A_708 : i32 to index
        %swap3A_840 = arith.constant 224 : index
        %swap3A_841 = tpu.vector_load %arg9[%swap3A_839, %swap3A_840] {strides = array<i32>} : memref<32x768xf32, #tpu.memory_space<vmem>>, vector<1x16xf32>,
        %swap3A_842 = vector.shape_cast %swap3A_841 : vector<1x16xf32> to vector<16xf32>
        %swap3A_843 = vector.shape_cast %get3A_838 : vector<16xf32> to vector<1x16xf32>
        tpu.vector_store %arg9[%swap3A_839, %swap3A_840], %swap3A_843 {add = true, strides = array<i32>} : memref<32x768xf32, #tpu.memory_space<vmem>>, vector<1x16xf32>,
        %get3A_844 = arith.index_cast %scan3A_708 : i32 to index
        %get3A_845 = arith.constant 240 : index
        %get3A_846 = tpu.vector_load %arg7[%get3A_844, %get3A_845] {strides = array<i32>} : memref<32x768xf32, #tpu.memory_space<vmem>>, vector<1x16xf32>,
        %get3A_847 = vector.shape_cast %get3A_846 : vector<1x16xf32> to vector<16xf32>
        %swap3A_848 = arith.index_cast %scan3A_708 : i32 to index
        %swap3A_849 = arith.constant 240 : index
        %swap3A_850 = tpu.vector_load %arg9[%swap3A_848, %swap3A_849] {strides = array<i32>} : memref<32x768xf32, #tpu.memory_space<vmem>>, vector<1x16xf32>,
        %swap3A_851 = vector.shape_cast %swap3A_850 : vector<1x16xf32> to vector<16xf32>
        %swap3A_852 = vector.shape_cast %get3A_847 : vector<16xf32> to vector<1x16xf32>
        tpu.vector_store %arg9[%swap3A_848, %swap3A_849], %swap3A_852 {add = true, strides = array<i32>} : memref<32x768xf32, #tpu.memory_space<vmem>>, vector<1x16xf32>,
        %get3A_853 = arith.index_cast %scan3A_708 : i32 to index
        %get3A_854 = arith.constant 256 : index
        %get3A_855 = tpu.vector_load %arg7[%get3A_853, %get3A_854] {strides = array<i32>} : memref<32x768xf32, #tpu.memory_space<vmem>>, vector<1x16xf32>,
        %get3A_856 = vector.shape_cast %get3A_855 : vector<1x16xf32> to vector<16xf32>
        %swap3A_857 = arith.index_cast %scan3A_708 : i32 to index
        %swap3A_858 = arith.constant 256 : index
        %swap3A_859 = tpu.vector_load %arg9[%swap3A_857, %swap3A_858] {strides = array<i32>} : memref<32x768xf32, #tpu.memory_space<vmem>>, vector<1x16xf32>,
        %swap3A_860 = vector.shape_cast %swap3A_859 : vector<1x16xf32> to vector<16xf32>
        %swap3A_861 = vector.shape_cast %get3A_856 : vector<16xf32> to vector<1x16xf32>
        tpu.vector_store %arg9[%swap3A_857, %swap3A_858], %swap3A_861 {add = true, strides = array<i32>} : memref<32x768xf32, #tpu.memory_space<vmem>>, vector<1x16xf32>,
        %get3A_862 = arith.index_cast %scan3A_708 : i32 to index
        %get3A_863 = arith.constant 272 : index
        %get3A_864 = tpu.vector_load %arg7[%get3A_862, %get3A_863] {strides = array<i32>} : memref<32x768xf32, #tpu.memory_space<vmem>>, vector<1x16xf32>,
        %get3A_865 = vector.shape_cast %get3A_864 : vector<1x16xf32> to vector<16xf32>
        %swap3A_866 = arith.index_cast %scan3A_708 : i32 to index
        %swap3A_867 = arith.constant 272 : index
        %swap3A_868 = tpu.vector_load %arg9[%swap3A_866, %swap3A_867] {strides = array<i32>} : memref<32x768xf32, #tpu.memory_space<vmem>>, vector<1x16xf32>,
        %swap3A_869 = vector.shape_cast %swap3A_868 : vector<1x16xf32> to vector<16xf32>
        %swap3A_870 = vector.shape_cast %get3A_865 : vector<16xf32> to vector<1x16xf32>
        tpu.vector_store %arg9[%swap3A_866, %swap3A_867], %swap3A_870 {add = true, strides = array<i32>} : memref<32x768xf32, #tpu.memory_space<vmem>>, vector<1x16xf32>,
        %get3A_871 = arith.index_cast %scan3A_708 : i32 to index
        %get3A_872 = arith.constant 288 : index
        %get3A_873 = tpu.vector_load %arg7[%get3A_871, %get3A_872] {strides = array<i32>} : memref<32x768xf32, #tpu.memory_space<vmem>>, vector<1x16xf32>,
        %get3A_874 = vector.shape_cast %get3A_873 : vector<1x16xf32> to vector<16xf32>
        %swap3A_875 = arith.index_cast %scan3A_708 : i32 to index
        %swap3A_876 = arith.constant 288 : index
        %swap3A_877 = tpu.vector_load %arg9[%swap3A_875, %swap3A_876] {strides = array<i32>} : memref<32x768xf32, #tpu.memory_space<vmem>>, vector<1x16xf32>,
        %swap3A_878 = vector.shape_cast %swap3A_877 : vector<1x16xf32> to vector<16xf32>
        %swap3A_879 = vector.shape_cast %get3A_874 : vector<16xf32> to vector<1x16xf32>
        tpu.vector_store %arg9[%swap3A_875, %swap3A_876], %swap3A_879 {add = true, strides = array<i32>} : memref<32x768xf32, #tpu.memory_space<vmem>>, vector<1x16xf32>,
        %get3A_880 = arith.index_cast %scan3A_708 : i32 to index
        %get3A_881 = arith.constant 304 : index
        %get3A_882 = tpu.vector_load %arg7[%get3A_880, %get3A_881] {strides = array<i32>} : memref<32x768xf32, #tpu.memory_space<vmem>>, vector<1x16xf32>,
        %get3A_883 = vector.shape_cast %get3A_882 : vector<1x16xf32> to vector<16xf32>
        %swap3A_884 = arith.index_cast %scan3A_708 : i32 to index
        %swap3A_885 = arith.constant 304 : index
        %swap3A_886 = tpu.vector_load %arg9[%swap3A_884, %swap3A_885] {strides = array<i32>} : memref<32x768xf32, #tpu.memory_space<vmem>>, vector<1x16xf32>,
        %swap3A_887 = vector.shape_cast %swap3A_886 : vector<1x16xf32> to vector<16xf32>
        %swap3A_888 = vector.shape_cast %get3A_883 : vector<16xf32> to vector<1x16xf32>
        tpu.vector_store %arg9[%swap3A_884, %swap3A_885], %swap3A_888 {add = true, strides = array<i32>} : memref<32x768xf32, #tpu.memory_space<vmem>>, vector<1x16xf32>,
        %get3A_889 = arith.index_cast %scan3A_708 : i32 to index
        %get3A_890 = arith.constant 320 : index
        %get3A_891 = tpu.vector_load %arg7[%get3A_889, %get3A_890] {strides = array<i32>} : memref<32x768xf32, #tpu.memory_space<vmem>>, vector<1x16xf32>,
        %get3A_892 = vector.shape_cast %get3A_891 : vector<1x16xf32> to vector<16xf32>
        %swap3A_893 = arith.index_cast %scan3A_708 : i32 to index
        %swap3A_894 = arith.constant 320 : index
        %swap3A_895 = tpu.vector_load %arg9[%swap3A_893, %swap3A_894] {strides = array<i32>} : memref<32x768xf32, #tpu.memory_space<vmem>>, vector<1x16xf32>,
        %swap3A_896 = vector.shape_cast %swap3A_895 : vector<1x16xf32> to vector<16xf32>
        %swap3A_897 = vector.shape_cast %get3A_892 : vector<16xf32> to vector<1x16xf32>
        tpu.vector_store %arg9[%swap3A_893, %swap3A_894], %swap3A_897 {add = true, strides = array<i32>} : memref<32x768xf32, #tpu.memory_space<vmem>>, vector<1x16xf32>,
        %get3A_898 = arith.index_cast %scan3A_708 : i32 to index
        %get3A_899 = arith.constant 336 : index
        %get3A_900 = tpu.vector_load %arg7[%get3A_898, %get3A_899] {strides = array<i32>} : memref<32x768xf32, #tpu.memory_space<vmem>>, vector<1x16xf32>,
        %get3A_901 = vector.shape_cast %get3A_900 : vector<1x16xf32> to vector<16xf32>
        %swap3A_902 = arith.index_cast %scan3A_708 : i32 to index
        %swap3A_903 = arith.constant 336 : index
        %swap3A_904 = tpu.vector_load %arg9[%swap3A_902, %swap3A_903] {strides = array<i32>} : memref<32x768xf32, #tpu.memory_space<vmem>>, vector<1x16xf32>,
        %swap3A_905 = vector.shape_cast %swap3A_904 : vector<1x16xf32> to vector<16xf32>
        %swap3A_906 = vector.shape_cast %get3A_901 : vector<16xf32> to vector<1x16xf32>
        tpu.vector_store %arg9[%swap3A_902, %swap3A_903], %swap3A_906 {add = true, strides = array<i32>} : memref<32x768xf32, #tpu.memory_space<vmem>>, vector<1x16xf32>,
        %get3A_907 = arith.index_cast %scan3A_708 : i32 to index
        %get3A_908 = arith.constant 352 : index
        %get3A_909 = tpu.vector_load %arg7[%get3A_907, %get3A_908] {strides = array<i32>} : memref<32x768xf32, #tpu.memory_space<vmem>>, vector<1x16xf32>,
        %get3A_910 = vector.shape_cast %get3A_909 : vector<1x16xf32> to vector<16xf32>
        %swap3A_911 = arith.index_cast %scan3A_708 : i32 to index
        %swap3A_912 = arith.constant 352 : index
        %swap3A_913 = tpu.vector_load %arg9[%swap3A_911, %swap3A_912] {strides = array<i32>} : memref<32x768xf32, #tpu.memory_space<vmem>>, vector<1x16xf32>,
        %swap3A_914 = vector.shape_cast %swap3A_913 : vector<1x16xf32> to vector<16xf32>
        %swap3A_915 = vector.shape_cast %get3A_910 : vector<16xf32> to vector<1x16xf32>
        tpu.vector_store %arg9[%swap3A_911, %swap3A_912], %swap3A_915 {add = true, strides = array<i32>} : memref<32x768xf32, #tpu.memory_space<vmem>>, vector<1x16xf32>,
        %get3A_916 = arith.index_cast %scan3A_708 : i32 to index
        %get3A_917 = arith.constant 368 : index
        %get3A_918 = tpu.vector_load %arg7[%get3A_916, %get3A_917] {strides = array<i32>} : memref<32x768xf32, #tpu.memory_space<vmem>>, vector<1x16xf32>,
        %get3A_919 = vector.shape_cast %get3A_918 : vector<1x16xf32> to vector<16xf32>
        %swap3A_920 = arith.index_cast %scan3A_708 : i32 to index
        %swap3A_921 = arith.constant 368 : index
        %swap3A_922 = tpu.vector_load %arg9[%swap3A_920, %swap3A_921] {strides = array<i32>} : memref<32x768xf32, #tpu.memory_space<vmem>>, vector<1x16xf32>,
        %swap3A_923 = vector.shape_cast %swap3A_922 : vector<1x16xf32> to vector<16xf32>
        %swap3A_924 = vector.shape_cast %get3A_919 : vector<16xf32> to vector<1x16xf32>
        tpu.vector_store %arg9[%swap3A_920, %swap3A_921], %swap3A_924 {add = true, strides = array<i32>} : memref<32x768xf32, #tpu.memory_space<vmem>>, vector<1x16xf32>,
        %get3A_925 = arith.index_cast %scan3A_708 : i32 to index
        %get3A_926 = arith.constant 384 : index
        %get3A_927 = tpu.vector_load %arg7[%get3A_925, %get3A_926] {strides = array<i32>} : memref<32x768xf32, #tpu.memory_space<vmem>>, vector<1x16xf32>,
        %get3A_928 = vector.shape_cast %get3A_927 : vector<1x16xf32> to vector<16xf32>
        %swap3A_929 = arith.index_cast %scan3A_708 : i32 to index
        %swap3A_930 = arith.constant 384 : index
        %swap3A_931 = tpu.vector_load %arg9[%swap3A_929, %swap3A_930] {strides = array<i32>} : memref<32x768xf32, #tpu.memory_space<vmem>>, vector<1x16xf32>,
        %swap3A_932 = vector.shape_cast %swap3A_931 : vector<1x16xf32> to vector<16xf32>
        %swap3A_933 = vector.shape_cast %get3A_928 : vector<16xf32> to vector<1x16xf32>
        tpu.vector_store %arg9[%swap3A_929, %swap3A_930], %swap3A_933 {add = true, strides = array<i32>} : memref<32x768xf32, #tpu.memory_space<vmem>>, vector<1x16xf32>,
        %get3A_934 = arith.index_cast %scan3A_708 : i32 to index
        %get3A_935 = arith.constant 400 : index
        %get3A_936 = tpu.vector_load %arg7[%get3A_934, %get3A_935] {strides = array<i32>} : memref<32x768xf32, #tpu.memory_space<vmem>>, vector<1x16xf32>,
        %get3A_937 = vector.shape_cast %get3A_936 : vector<1x16xf32> to vector<16xf32>
        %swap3A_938 = arith.index_cast %scan3A_708 : i32 to index
        %swap3A_939 = arith.constant 400 : index
        %swap3A_940 = tpu.vector_load %arg9[%swap3A_938, %swap3A_939] {strides = array<i32>} : memref<32x768xf32, #tpu.memory_space<vmem>>, vector<1x16xf32>,
        %swap3A_941 = vector.shape_cast %swap3A_940 : vector<1x16xf32> to vector<16xf32>
        %swap3A_942 = vector.shape_cast %get3A_937 : vector<16xf32> to vector<1x16xf32>
        tpu.vector_store %arg9[%swap3A_938, %swap3A_939], %swap3A_942 {add = true, strides = array<i32>} : memref<32x768xf32, #tpu.memory_space<vmem>>, vector<1x16xf32>,
        %get3A_943 = arith.index_cast %scan3A_708 : i32 to index
        %get3A_944 = arith.constant 416 : index
        %get3A_945 = tpu.vector_load %arg7[%get3A_943, %get3A_944] {strides = array<i32>} : memref<32x768xf32, #tpu.memory_space<vmem>>, vector<1x16xf32>,
        %get3A_946 = vector.shape_cast %get3A_945 : vector<1x16xf32> to vector<16xf32>
        %swap3A_947 = arith.index_cast %scan3A_708 : i32 to index
        %swap3A_948 = arith.constant 416 : index
        %swap3A_949 = tpu.vector_load %arg9[%swap3A_947, %swap3A_948] {strides = array<i32>} : memref<32x768xf32, #tpu.memory_space<vmem>>, vector<1x16xf32>,
        %swap3A_950 = vector.shape_cast %swap3A_949 : vector<1x16xf32> to vector<16xf32>
        %swap3A_951 = vector.shape_cast %get3A_946 : vector<16xf32> to vector<1x16xf32>
        tpu.vector_store %arg9[%swap3A_947, %swap3A_948], %swap3A_951 {add = true, strides = array<i32>} : memref<32x768xf32, #tpu.memory_space<vmem>>, vector<1x16xf32>,
        %get3A_952 = arith.index_cast %scan3A_708 : i32 to index
        %get3A_953 = arith.constant 432 : index
        %get3A_954 = tpu.vector_load %arg7[%get3A_952, %get3A_953] {strides = array<i32>} : memref<32x768xf32, #tpu.memory_space<vmem>>, vector<1x16xf32>,
        %get3A_955 = vector.shape_cast %get3A_954 : vector<1x16xf32> to vector<16xf32>
        %swap3A_956 = arith.index_cast %scan3A_708 : i32 to index
        %swap3A_957 = arith.constant 432 : index
        %swap3A_958 = tpu.vector_load %arg9[%swap3A_956, %swap3A_957] {strides = array<i32>} : memref<32x768xf32, #tpu.memory_space<vmem>>, vector<1x16xf32>,
        %swap3A_959 = vector.shape_cast %swap3A_958 : vector<1x16xf32> to vector<16xf32>
        %swap3A_960 = vector.shape_cast %get3A_955 : vector<16xf32> to vector<1x16xf32>
        tpu.vector_store %arg9[%swap3A_956, %swap3A_957], %swap3A_960 {add = true, strides = array<i32>} : memref<32x768xf32, #tpu.memory_space<vmem>>, vector<1x16xf32>,
        %get3A_961 = arith.index_cast %scan3A_708 : i32 to index
        %get3A_962 = arith.constant 448 : index
        %get3A_963 = tpu.vector_load %arg7[%get3A_961, %get3A_962] {strides = array<i32>} : memref<32x768xf32, #tpu.memory_space<vmem>>, vector<1x16xf32>,
        %get3A_964 = vector.shape_cast %get3A_963 : vector<1x16xf32> to vector<16xf32>
        %swap3A_965 = arith.index_cast %scan3A_708 : i32 to index
        %swap3A_966 = arith.constant 448 : index
        %swap3A_967 = tpu.vector_load %arg9[%swap3A_965, %swap3A_966] {strides = array<i32>} : memref<32x768xf32, #tpu.memory_space<vmem>>, vector<1x16xf32>,
        %swap3A_968 = vector.shape_cast %swap3A_967 : vector<1x16xf32> to vector<16xf32>
        %swap3A_969 = vector.shape_cast %get3A_964 : vector<16xf32> to vector<1x16xf32>
        tpu.vector_store %arg9[%swap3A_965, %swap3A_966], %swap3A_969 {add = true, strides = array<i32>} : memref<32x768xf32, #tpu.memory_space<vmem>>, vector<1x16xf32>,
        %get3A_970 = arith.index_cast %scan3A_708 : i32 to index
        %get3A_971 = arith.constant 464 : index
        %get3A_972 = tpu.vector_load %arg7[%get3A_970, %get3A_971] {strides = array<i32>} : memref<32x768xf32, #tpu.memory_space<vmem>>, vector<1x16xf32>,
        %get3A_973 = vector.shape_cast %get3A_972 : vector<1x16xf32> to vector<16xf32>
        %swap3A_974 = arith.index_cast %scan3A_708 : i32 to index
        %swap3A_975 = arith.constant 464 : index
        %swap3A_976 = tpu.vector_load %arg9[%swap3A_974, %swap3A_975] {strides = array<i32>} : memref<32x768xf32, #tpu.memory_space<vmem>>, vector<1x16xf32>,
        %swap3A_977 = vector.shape_cast %swap3A_976 : vector<1x16xf32> to vector<16xf32>
        %swap3A_978 = vector.shape_cast %get3A_973 : vector<16xf32> to vector<1x16xf32>
        tpu.vector_store %arg9[%swap3A_974, %swap3A_975], %swap3A_978 {add = true, strides = array<i32>} : memref<32x768xf32, #tpu.memory_space<vmem>>, vector<1x16xf32>,
        %get3A_979 = arith.index_cast %scan3A_708 : i32 to index
        %get3A_980 = arith.constant 480 : index
        %get3A_981 = tpu.vector_load %arg7[%get3A_979, %get3A_980] {strides = array<i32>} : memref<32x768xf32, #tpu.memory_space<vmem>>, vector<1x16xf32>,
        %get3A_982 = vector.shape_cast %get3A_981 : vector<1x16xf32> to vector<16xf32>
        %swap3A_983 = arith.index_cast %scan3A_708 : i32 to index
        %swap3A_984 = arith.constant 480 : index
        %swap3A_985 = tpu.vector_load %arg9[%swap3A_983, %swap3A_984] {strides = array<i32>} : memref<32x768xf32, #tpu.memory_space<vmem>>, vector<1x16xf32>,
        %swap3A_986 = vector.shape_cast %swap3A_985 : vector<1x16xf32> to vector<16xf32>
        %swap3A_987 = vector.shape_cast %get3A_982 : vector<16xf32> to vector<1x16xf32>
        tpu.vector_store %arg9[%swap3A_983, %swap3A_984], %swap3A_987 {add = true, strides = array<i32>} : memref<32x768xf32, #tpu.memory_space<vmem>>, vector<1x16xf32>,
        %get3A_988 = arith.index_cast %scan3A_708 : i32 to index
        %get3A_989 = arith.constant 496 : index
        %get3A_990 = tpu.vector_load %arg7[%get3A_988, %get3A_989] {strides = array<i32>} : memref<32x768xf32, #tpu.memory_space<vmem>>, vector<1x16xf32>,
        %get3A_991 = vector.shape_cast %get3A_990 : vector<1x16xf32> to vector<16xf32>
        %swap3A_992 = arith.index_cast %scan3A_708 : i32 to index
        %swap3A_993 = arith.constant 496 : index
        %swap3A_994 = tpu.vector_load %arg9[%swap3A_992, %swap3A_993] {strides = array<i32>} : memref<32x768xf32, #tpu.memory_space<vmem>>, vector<1x16xf32>,
        %swap3A_995 = vector.shape_cast %swap3A_994 : vector<1x16xf32> to vector<16xf32>
        %swap3A_996 = vector.shape_cast %get3A_991 : vector<16xf32> to vector<1x16xf32>
        tpu.vector_store %arg9[%swap3A_992, %swap3A_993], %swap3A_996 {add = true, strides = array<i32>} : memref<32x768xf32, #tpu.memory_space<vmem>>, vector<1x16xf32>,
        %get3A_997 = arith.index_cast %scan3A_708 : i32 to index
        %get3A_998 = arith.constant 512 : index
        %get3A_999 = tpu.vector_load %arg7[%get3A_997, %get3A_998] {strides = array<i32>} : memref<32x768xf32, #tpu.memory_space<vmem>>, vector<1x16xf32>,
        %get3A_1000 = vector.shape_cast %get3A_999 : vector<1x16xf32> to vector<16xf32>
        %swap3A_1001 = arith.index_cast %scan3A_708 : i32 to index
        %swap3A_1002 = arith.constant 512 : index
        %swap3A_1003 = tpu.vector_load %arg9[%swap3A_1001, %swap3A_1002] {strides = array<i32>} : memref<32x768xf32, #tpu.memory_space<vmem>>, vector<1x16xf32>,
        %swap3A_1004 = vector.shape_cast %swap3A_1003 : vector<1x16xf32> to vector<16xf32>
        %swap3A_1005 = vector.shape_cast %get3A_1000 : vector<16xf32> to vector<1x16xf32>
        tpu.vector_store %arg9[%swap3A_1001, %swap3A_1002], %swap3A_1005 {add = true, strides = array<i32>} : memref<32x768xf32, #tpu.memory_space<vmem>>, vector<1x16xf32>,
        %get3A_1006 = arith.index_cast %scan3A_708 : i32 to index
        %get3A_1007 = arith.constant 528 : index
        %get3A_1008 = tpu.vector_load %arg7[%get3A_1006, %get3A_1007] {strides = array<i32>} : memref<32x768xf32, #tpu.memory_space<vmem>>, vector<1x16xf32>,
        %get3A_1009 = vector.shape_cast %get3A_1008 : vector<1x16xf32> to vector<16xf32>
        %swap3A_1010 = arith.index_cast %scan3A_708 : i32 to index
        %swap3A_1011 = arith.constant 528 : index
        %swap3A_1012 = tpu.vector_load %arg9[%swap3A_1010, %swap3A_1011] {strides = array<i32>} : memref<32x768xf32, #tpu.memory_space<vmem>>, vector<1x16xf32>,
        %swap3A_1013 = vector.shape_cast %swap3A_1012 : vector<1x16xf32> to vector<16xf32>
        %swap3A_1014 = vector.shape_cast %get3A_1009 : vector<16xf32> to vector<1x16xf32>
        tpu.vector_store %arg9[%swap3A_1010, %swap3A_1011], %swap3A_1014 {add = true, strides = array<i32>} : memref<32x768xf32, #tpu.memory_space<vmem>>, vector<1x16xf32>,
        %get3A_1015 = arith.index_cast %scan3A_708 : i32 to index
        %get3A_1016 = arith.constant 544 : index
        %get3A_1017 = tpu.vector_load %arg7[%get3A_1015, %get3A_1016] {strides = array<i32>} : memref<32x768xf32, #tpu.memory_space<vmem>>, vector<1x16xf32>,
        %get3A_1018 = vector.shape_cast %get3A_1017 : vector<1x16xf32> to vector<16xf32>
        %swap3A_1019 = arith.index_cast %scan3A_708 : i32 to index
        %swap3A_1020 = arith.constant 544 : index
        %swap3A_1021 = tpu.vector_load %arg9[%swap3A_1019, %swap3A_1020] {strides = array<i32>} : memref<32x768xf32, #tpu.memory_space<vmem>>, vector<1x16xf32>,
        %swap3A_1022 = vector.shape_cast %swap3A_1021 : vector<1x16xf32> to vector<16xf32>
        %swap3A_1023 = vector.shape_cast %get3A_1018 : vector<16xf32> to vector<1x16xf32>
        tpu.vector_store %arg9[%swap3A_1019, %swap3A_1020], %swap3A_1023 {add = true, strides = array<i32>} : memref<32x768xf32, #tpu.memory_space<vmem>>, vector<1x16xf32>,
        %get3A_1024 = arith.index_cast %scan3A_708 : i32 to index
        %get3A_1025 = arith.constant 560 : index
        %get3A_1026 = tpu.vector_load %arg7[%get3A_1024, %get3A_1025] {strides = array<i32>} : memref<32x768xf32, #tpu.memory_space<vmem>>, vector<1x16xf32>,
        %get3A_1027 = vector.shape_cast %get3A_1026 : vector<1x16xf32> to vector<16xf32>
        %swap3A_1028 = arith.index_cast %scan3A_708 : i32 to index
        %swap3A_1029 = arith.constant 560 : index
        %swap3A_1030 = tpu.vector_load %arg9[%swap3A_1028, %swap3A_1029] {strides = array<i32>} : memref<32x768xf32, #tpu.memory_space<vmem>>, vector<1x16xf32>,
        %swap3A_1031 = vector.shape_cast %swap3A_1030 : vector<1x16xf32> to vector<16xf32>
        %swap3A_1032 = vector.shape_cast %get3A_1027 : vector<16xf32> to vector<1x16xf32>
        tpu.vector_store %arg9[%swap3A_1028, %swap3A_1029], %swap3A_1032 {add = true, strides = array<i32>} : memref<32x768xf32, #tpu.memory_space<vmem>>, vector<1x16xf32>,
        %get3A_1033 = arith.index_cast %scan3A_708 : i32 to index
        %get3A_1034 = arith.constant 576 : index
        %get3A_1035 = tpu.vector_load %arg7[%get3A_1033, %get3A_1034] {strides = array<i32>} : memref<32x768xf32, #tpu.memory_space<vmem>>, vector<1x16xf32>,
        %get3A_1036 = vector.shape_cast %get3A_1035 : vector<1x16xf32> to vector<16xf32>
        %swap3A_1037 = arith.index_cast %scan3A_708 : i32 to index
        %swap3A_1038 = arith.constant 576 : index
        %swap3A_1039 = tpu.vector_load %arg9[%swap3A_1037, %swap3A_1038] {strides = array<i32>} : memref<32x768xf32, #tpu.memory_space<vmem>>, vector<1x16xf32>,
        %swap3A_1040 = vector.shape_cast %swap3A_1039 : vector<1x16xf32> to vector<16xf32>
        %swap3A_1041 = vector.shape_cast %get3A_1036 : vector<16xf32> to vector<1x16xf32>
        tpu.vector_store %arg9[%swap3A_1037, %swap3A_1038], %swap3A_1041 {add = true, strides = array<i32>} : memref<32x768xf32, #tpu.memory_space<vmem>>, vector<1x16xf32>,
        %get3A_1042 = arith.index_cast %scan3A_708 : i32 to index
        %get3A_1043 = arith.constant 592 : index
        %get3A_1044 = tpu.vector_load %arg7[%get3A_1042, %get3A_1043] {strides = array<i32>} : memref<32x768xf32, #tpu.memory_space<vmem>>, vector<1x16xf32>,
        %get3A_1045 = vector.shape_cast %get3A_1044 : vector<1x16xf32> to vector<16xf32>
        %swap3A_1046 = arith.index_cast %scan3A_708 : i32 to index
        %swap3A_1047 = arith.constant 592 : index
        %swap3A_1048 = tpu.vector_load %arg9[%swap3A_1046, %swap3A_1047] {strides = array<i32>} : memref<32x768xf32, #tpu.memory_space<vmem>>, vector<1x16xf32>,
        %swap3A_1049 = vector.shape_cast %swap3A_1048 : vector<1x16xf32> to vector<16xf32>
        %swap3A_1050 = vector.shape_cast %get3A_1045 : vector<16xf32> to vector<1x16xf32>
        tpu.vector_store %arg9[%swap3A_1046, %swap3A_1047], %swap3A_1050 {add = true, strides = array<i32>} : memref<32x768xf32, #tpu.memory_space<vmem>>, vector<1x16xf32>,
        %get3A_1051 = arith.index_cast %scan3A_708 : i32 to index
        %get3A_1052 = arith.constant 608 : index
        %get3A_1053 = tpu.vector_load %arg7[%get3A_1051, %get3A_1052] {strides = array<i32>} : memref<32x768xf32, #tpu.memory_space<vmem>>, vector<1x16xf32>,
        %get3A_1054 = vector.shape_cast %get3A_1053 : vector<1x16xf32> to vector<16xf32>
        %swap3A_1055 = arith.index_cast %scan3A_708 : i32 to index
        %swap3A_1056 = arith.constant 608 : index
        %swap3A_1057 = tpu.vector_load %arg9[%swap3A_1055, %swap3A_1056] {strides = array<i32>} : memref<32x768xf32, #tpu.memory_space<vmem>>, vector<1x16xf32>,
        %swap3A_1058 = vector.shape_cast %swap3A_1057 : vector<1x16xf32> to vector<16xf32>
        %swap3A_1059 = vector.shape_cast %get3A_1054 : vector<16xf32> to vector<1x16xf32>
        tpu.vector_store %arg9[%swap3A_1055, %swap3A_1056], %swap3A_1059 {add = true, strides = array<i32>} : memref<32x768xf32, #tpu.memory_space<vmem>>, vector<1x16xf32>,
        %get3A_1060 = arith.index_cast %scan3A_708 : i32 to index
        %get3A_1061 = arith.constant 624 : index
        %get3A_1062 = tpu.vector_load %arg7[%get3A_1060, %get3A_1061] {strides = array<i32>} : memref<32x768xf32, #tpu.memory_space<vmem>>, vector<1x16xf32>,
        %get3A_1063 = vector.shape_cast %get3A_1062 : vector<1x16xf32> to vector<16xf32>
        %swap3A_1064 = arith.index_cast %scan3A_708 : i32 to index
        %swap3A_1065 = arith.constant 624 : index
        %swap3A_1066 = tpu.vector_load %arg9[%swap3A_1064, %swap3A_1065] {strides = array<i32>} : memref<32x768xf32, #tpu.memory_space<vmem>>, vector<1x16xf32>,
        %swap3A_1067 = vector.shape_cast %swap3A_1066 : vector<1x16xf32> to vector<16xf32>
        %swap3A_1068 = vector.shape_cast %get3A_1063 : vector<16xf32> to vector<1x16xf32>
        tpu.vector_store %arg9[%swap3A_1064, %swap3A_1065], %swap3A_1068 {add = true, strides = array<i32>} : memref<32x768xf32, #tpu.memory_space<vmem>>, vector<1x16xf32>,
        %get3A_1069 = arith.index_cast %scan3A_708 : i32 to index
        %get3A_1070 = arith.constant 640 : index
        %get3A_1071 = tpu.vector_load %arg7[%get3A_1069, %get3A_1070] {strides = array<i32>} : memref<32x768xf32, #tpu.memory_space<vmem>>, vector<1x16xf32>,
        %get3A_1072 = vector.shape_cast %get3A_1071 : vector<1x16xf32> to vector<16xf32>
        %swap3A_1073 = arith.index_cast %scan3A_708 : i32 to index
        %swap3A_1074 = arith.constant 640 : index
        %swap3A_1075 = tpu.vector_load %arg9[%swap3A_1073, %swap3A_1074] {strides = array<i32>} : memref<32x768xf32, #tpu.memory_space<vmem>>, vector<1x16xf32>,
        %swap3A_1076 = vector.shape_cast %swap3A_1075 : vector<1x16xf32> to vector<16xf32>
        %swap3A_1077 = vector.shape_cast %get3A_1072 : vector<16xf32> to vector<1x16xf32>
        tpu.vector_store %arg9[%swap3A_1073, %swap3A_1074], %swap3A_1077 {add = true, strides = array<i32>} : memref<32x768xf32, #tpu.memory_space<vmem>>, vector<1x16xf32>,
        %get3A_1078 = arith.index_cast %scan3A_708 : i32 to index
        %get3A_1079 = arith.constant 656 : index
        %get3A_1080 = tpu.vector_load %arg7[%get3A_1078, %get3A_1079] {strides = array<i32>} : memref<32x768xf32, #tpu.memory_space<vmem>>, vector<1x16xf32>,
        %get3A_1081 = vector.shape_cast %get3A_1080 : vector<1x16xf32> to vector<16xf32>
        %swap3A_1082 = arith.index_cast %scan3A_708 : i32 to index
        %swap3A_1083 = arith.constant 656 : index
        %swap3A_1084 = tpu.vector_load %arg9[%swap3A_1082, %swap3A_1083] {strides = array<i32>} : memref<32x768xf32, #tpu.memory_space<vmem>>, vector<1x16xf32>,
        %swap3A_1085 = vector.shape_cast %swap3A_1084 : vector<1x16xf32> to vector<16xf32>
        %swap3A_1086 = vector.shape_cast %get3A_1081 : vector<16xf32> to vector<1x16xf32>
        tpu.vector_store %arg9[%swap3A_1082, %swap3A_1083], %swap3A_1086 {add = true, strides = array<i32>} : memref<32x768xf32, #tpu.memory_space<vmem>>, vector<1x16xf32>,
        %get3A_1087 = arith.index_cast %scan3A_708 : i32 to index
        %get3A_1088 = arith.constant 672 : index
        %get3A_1089 = tpu.vector_load %arg7[%get3A_1087, %get3A_1088] {strides = array<i32>} : memref<32x768xf32, #tpu.memory_space<vmem>>, vector<1x16xf32>,
        %get3A_1090 = vector.shape_cast %get3A_1089 : vector<1x16xf32> to vector<16xf32>
        %swap3A_1091 = arith.index_cast %scan3A_708 : i32 to index
        %swap3A_1092 = arith.constant 672 : index
        %swap3A_1093 = tpu.vector_load %arg9[%swap3A_1091, %swap3A_1092] {strides = array<i32>} : memref<32x768xf32, #tpu.memory_space<vmem>>, vector<1x16xf32>,
        %swap3A_1094 = vector.shape_cast %swap3A_1093 : vector<1x16xf32> to vector<16xf32>
        %swap3A_1095 = vector.shape_cast %get3A_1090 : vector<16xf32> to vector<1x16xf32>
        tpu.vector_store %arg9[%swap3A_1091, %swap3A_1092], %swap3A_1095 {add = true, strides = array<i32>} : memref<32x768xf32, #tpu.memory_space<vmem>>, vector<1x16xf32>,
        %get3A_1096 = arith.index_cast %scan3A_708 : i32 to index
        %get3A_1097 = arith.constant 688 : index
        %get3A_1098 = tpu.vector_load %arg7[%get3A_1096, %get3A_1097] {strides = array<i32>} : memref<32x768xf32, #tpu.memory_space<vmem>>, vector<1x16xf32>,
        %get3A_1099 = vector.shape_cast %get3A_1098 : vector<1x16xf32> to vector<16xf32>
        %swap3A_1100 = arith.index_cast %scan3A_708 : i32 to index
        %swap3A_1101 = arith.constant 688 : index
        %swap3A_1102 = tpu.vector_load %arg9[%swap3A_1100, %swap3A_1101] {strides = array<i32>} : memref<32x768xf32, #tpu.memory_space<vmem>>, vector<1x16xf32>,
        %swap3A_1103 = vector.shape_cast %swap3A_1102 : vector<1x16xf32> to vector<16xf32>
        %swap3A_1104 = vector.shape_cast %get3A_1099 : vector<16xf32> to vector<1x16xf32>
        tpu.vector_store %arg9[%swap3A_1100, %swap3A_1101], %swap3A_1104 {add = true, strides = array<i32>} : memref<32x768xf32, #tpu.memory_space<vmem>>, vector<1x16xf32>,
        %get3A_1105 = arith.index_cast %scan3A_708 : i32 to index
        %get3A_1106 = arith.constant 704 : index
        %get3A_1107 = tpu.vector_load %arg7[%get3A_1105, %get3A_1106] {strides = array<i32>} : memref<32x768xf32, #tpu.memory_space<vmem>>, vector<1x16xf32>,
        %get3A_1108 = vector.shape_cast %get3A_1107 : vector<1x16xf32> to vector<16xf32>
        %swap3A_1109 = arith.index_cast %scan3A_708 : i32 to index
        %swap3A_1110 = arith.constant 704 : index
        %swap3A_1111 = tpu.vector_load %arg9[%swap3A_1109, %swap3A_1110] {strides = array<i32>} : memref<32x768xf32, #tpu.memory_space<vmem>>, vector<1x16xf32>,
        %swap3A_1112 = vector.shape_cast %swap3A_1111 : vector<1x16xf32> to vector<16xf32>
        %swap3A_1113 = vector.shape_cast %get3A_1108 : vector<16xf32> to vector<1x16xf32>
        tpu.vector_store %arg9[%swap3A_1109, %swap3A_1110], %swap3A_1113 {add = true, strides = array<i32>} : memref<32x768xf32, #tpu.memory_space<vmem>>, vector<1x16xf32>,
        %get3A_1114 = arith.index_cast %scan3A_708 : i32 to index
        %get3A_1115 = arith.constant 720 : index
        %get3A_1116 = tpu.vector_load %arg7[%get3A_1114, %get3A_1115] {strides = array<i32>} : memref<32x768xf32, #tpu.memory_space<vmem>>, vector<1x16xf32>,
        %get3A_1117 = vector.shape_cast %get3A_1116 : vector<1x16xf32> to vector<16xf32>
        %swap3A_1118 = arith.index_cast %scan3A_708 : i32 to index
        %swap3A_1119 = arith.constant 720 : index
        %swap3A_1120 = tpu.vector_load %arg9[%swap3A_1118, %swap3A_1119] {strides = array<i32>} : memref<32x768xf32, #tpu.memory_space<vmem>>, vector<1x16xf32>,
        %swap3A_1121 = vector.shape_cast %swap3A_1120 : vector<1x16xf32> to vector<16xf32>
        %swap3A_1122 = vector.shape_cast %get3A_1117 : vector<16xf32> to vector<1x16xf32>
        tpu.vector_store %arg9[%swap3A_1118, %swap3A_1119], %swap3A_1122 {add = true, strides = array<i32>} : memref<32x768xf32, #tpu.memory_space<vmem>>, vector<1x16xf32>,
        %get3A_1123 = arith.index_cast %scan3A_708 : i32 to index
        %get3A_1124 = arith.constant 736 : index
        %get3A_1125 = tpu.vector_load %arg7[%get3A_1123, %get3A_1124] {strides = array<i32>} : memref<32x768xf32, #tpu.memory_space<vmem>>, vector<1x16xf32>,
        %get3A_1126 = vector.shape_cast %get3A_1125 : vector<1x16xf32> to vector<16xf32>
        %swap3A_1127 = arith.index_cast %scan3A_708 : i32 to index
        %swap3A_1128 = arith.constant 736 : index
        %swap3A_1129 = tpu.vector_load %arg9[%swap3A_1127, %swap3A_1128] {strides = array<i32>} : memref<32x768xf32, #tpu.memory_space<vmem>>, vector<1x16xf32>,
        %swap3A_1130 = vector.shape_cast %swap3A_1129 : vector<1x16xf32> to vector<16xf32>
        %swap3A_1131 = vector.shape_cast %get3A_1126 : vector<16xf32> to vector<1x16xf32>
        tpu.vector_store %arg9[%swap3A_1127, %swap3A_1128], %swap3A_1131 {add = true, strides = array<i32>} : memref<32x768xf32, #tpu.memory_space<vmem>>, vector<1x16xf32>,
        %get3A_1132 = arith.index_cast %scan3A_708 : i32 to index
        %get3A_1133 = arith.constant 752 : index
        %get3A_1134 = tpu.vector_load %arg7[%get3A_1132, %get3A_1133] {strides = array<i32>} : memref<32x768xf32, #tpu.memory_space<vmem>>, vector<1x16xf32>,
        %get3A_1135 = vector.shape_cast %get3A_1134 : vector<1x16xf32> to vector<16xf32>
        %swap3A_1136 = arith.index_cast %scan3A_708 : i32 to index
        %swap3A_1137 = arith.constant 752 : index
        %swap3A_1138 = tpu.vector_load %arg9[%swap3A_1136, %swap3A_1137] {strides = array<i32>} : memref<32x768xf32, #tpu.memory_space<vmem>>, vector<1x16xf32>,
        %swap3A_1139 = vector.shape_cast %swap3A_1138 : vector<1x16xf32> to vector<16xf32>
        %swap3A_1140 = vector.shape_cast %get3A_1135 : vector<16xf32> to vector<1x16xf32>
        tpu.vector_store %arg9[%swap3A_1136, %swap3A_1137], %swap3A_1140 {add = true, strides = array<i32>} : memref<32x768xf32, #tpu.memory_space<vmem>>, vector<1x16xf32>,
      }
      %scan3A_65 = arith.constant 32 : i32
      %gt3A = arith.constant 0 : i32
      %gt3A_66 = arith.cmpi sgt, %mul3A_33, %gt3A : i32
      %convert_element_type3A = arith.extui %gt3A_66 : i1 to i32
      %cond3A = arith.constant 0 : i32
      %cond3A_67 = arith.cmpi ne, %convert_element_type3A, %cond3A : i32
      scf.if %cond3A_67 {
        %dma_wait3A_276 = arith.constant 0 : i32
        %dma_wait3A_277 = arith.constant 0 : i32
        %dma_wait3A_278 = tpu.memref_slice %arg5[%mul3A_2, %dma_wait3A_277] : memref<32768x768xf32, #tpu.memory_space<hbm>> -> memref<16x768xf32, #tpu.memory_space<hbm>>
        %dma_wait3A_279 = arith.constant 0 : i32
        %dma_wait3A_280 = arith.constant 0 : i32
        %dma_wait3A_281 = tpu.memref_slice %arg11[%arg1, %dma_wait3A_276, %dma_wait3A_279, %dma_wait3A_280] : memref<16x2x16x768xf32, #tpu.memory_space<vmem_shared>> -> memref<1x1x16x768xf32, #tpu.memory_space<vmem_shared>>
        %dma_wait3A_282 = tpu.memref_squeeze %dma_wait3A_281 : memref<1x1x16x768xf32, #tpu.memory_space<vmem_shared>> -> memref<16x768xf32, #tpu.memory_space<vmem_shared>>
        tpu.wait_dma2 semaphore(%arg18 : memref<!tpu.dma_semaphore, #tpu.memory_space<semaphore_mem>>) src(%dma_wait3A_282 : memref<16x768xf32, #tpu.memory_space<vmem_shared>>) dst(%dma_wait3A_278 : memref<16x768xf32, #tpu.memory_space<hbm>>)
      } else {
      }
      %dma_start3A_68 = arith.constant 0 : i32
      %dma_start3A_69 = arith.constant 0 : i32
      %dma_start3A_70 = arith.constant 0 : i32
      %dma_start3A_71 = tpu.memref_slice %arg9[%dma_start3A_69, %dma_start3A_70] : memref<32x768xf32, #tpu.memory_space<vmem>> -> memref<16x768xf32, #tpu.memory_space<vmem>>
      %dma_start3A_72 = arith.constant 0 : i32
      %dma_start3A_73 = arith.constant 0 : i32
      %dma_start3A_74 = tpu.memref_slice %arg11[%arg1, %dma_start3A_68, %dma_start3A_72, %dma_start3A_73] : memref<16x2x16x768xf32, #tpu.memory_space<vmem_shared>> -> memref<1x1x16x768xf32, #tpu.memory_space<vmem_shared>>
      %dma_start3A_75 = tpu.memref_squeeze %dma_start3A_74 : memref<1x1x16x768xf32, #tpu.memory_space<vmem_shared>> -> memref<16x768xf32, #tpu.memory_space<vmem_shared>>
      %dma_start3A_76 = arith.constant 0 : i32
      %dma_start3A_77 = arith.constant 0 : i32
      %dma_start3A_78 = tpu.memref_slice %arg11[%arg1, %dma_start3A_68, %dma_start3A_76, %dma_start3A_77] : memref<16x2x16x768xf32, #tpu.memory_space<vmem_shared>> -> memref<1x1x16x768xf32, #tpu.memory_space<vmem_shared>>
      %dma_start3A_79 = tpu.memref_squeeze %dma_start3A_78 : memref<1x1x16x768xf32, #tpu.memory_space<vmem_shared>> -> memref<16x768xf32, #tpu.memory_space<vmem_shared>>
      %dma_start3A_80 = arith.constant 0 : i32
      %dma_start3A_81 = arith.constant 0 : i32
      %dma_start3A_82 = tpu.memref_slice %arg9[%dma_start3A_80, %dma_start3A_81] : memref<32x768xf32, #tpu.memory_space<vmem>> -> memref<16x768xf32, #tpu.memory_space<vmem>>
      tpu.enqueue_dma source(%dma_start3A_82 : memref<16x768xf32, #tpu.memory_space<vmem>>) target(%dma_start3A_79 : memref<16x768xf32, #tpu.memory_space<vmem_shared>>) target_semaphore(%arg16 : memref<!tpu.dma_semaphore, #tpu.memory_space<semaphore_mem>>)
      %gt3A_83 = arith.constant 0 : i32
      %gt3A_84 = arith.cmpi sgt, %mul3A_33, %gt3A_83 : i32
      %convert_element_type3A_85 = arith.extui %gt3A_84 : i1 to i32
      %cond3A_86 = arith.constant 0 : i32
      %cond3A_87 = arith.cmpi ne, %convert_element_type3A_85, %cond3A_86 : i32
      scf.if %cond3A_87 {
        %dma_wait3A_276 = arith.constant 1 : i32
        %dma_wait3A_277 = arith.constant 0 : i32
        %dma_wait3A_278 = tpu.memref_slice %arg5[%mul3A_2, %dma_wait3A_277] : memref<32768x768xf32, #tpu.memory_space<hbm>> -> memref<16x768xf32, #tpu.memory_space<hbm>>
        %dma_wait3A_279 = arith.constant 0 : i32
        %dma_wait3A_280 = arith.constant 0 : i32
        %dma_wait3A_281 = tpu.memref_slice %arg11[%arg1, %dma_wait3A_276, %dma_wait3A_279, %dma_wait3A_280] : memref<16x2x16x768xf32, #tpu.memory_space<vmem_shared>> -> memref<1x1x16x768xf32, #tpu.memory_space<vmem_shared>>
        %dma_wait3A_282 = tpu.memref_squeeze %dma_wait3A_281 : memref<1x1x16x768xf32, #tpu.memory_space<vmem_shared>> -> memref<16x768xf32, #tpu.memory_space<vmem_shared>>
        tpu.wait_dma2 semaphore(%arg19 : memref<!tpu.dma_semaphore, #tpu.memory_space<semaphore_mem>>) src(%dma_wait3A_282 : memref<16x768xf32, #tpu.memory_space<vmem_shared>>) dst(%dma_wait3A_278 : memref<16x768xf32, #tpu.memory_space<hbm>>)
      } else {
      }
      %dma_start3A_88 = arith.constant 1 : i32
      %dma_start3A_89 = arith.constant 16 : i32
      %dma_start3A_90 = arith.constant 0 : i32
      %dma_start3A_91 = tpu.memref_slice %arg9[%dma_start3A_89, %dma_start3A_90] : memref<32x768xf32, #tpu.memory_space<vmem>> -> memref<16x768xf32, #tpu.memory_space<vmem>>
      %dma_start3A_92 = arith.constant 0 : i32
      %dma_start3A_93 = arith.constant 0 : i32
      %dma_start3A_94 = tpu.memref_slice %arg11[%arg1, %dma_start3A_88, %dma_start3A_92, %dma_start3A_93] : memref<16x2x16x768xf32, #tpu.memory_space<vmem_shared>> -> memref<1x1x16x768xf32, #tpu.memory_space<vmem_shared>>
      %dma_start3A_95 = tpu.memref_squeeze %dma_start3A_94 : memref<1x1x16x768xf32, #tpu.memory_space<vmem_shared>> -> memref<16x768xf32, #tpu.memory_space<vmem_shared>>
      %dma_start3A_96 = arith.constant 0 : i32
      %dma_start3A_97 = arith.constant 0 : i32
      %dma_start3A_98 = tpu.memref_slice %arg11[%arg1, %dma_start3A_88, %dma_start3A_96, %dma_start3A_97] : memref<16x2x16x768xf32, #tpu.memory_space<vmem_shared>> -> memref<1x1x16x768xf32, #tpu.memory_space<vmem_shared>>
      %dma_start3A_99 = tpu.memref_squeeze %dma_start3A_98 : memref<1x1x16x768xf32, #tpu.memory_space<vmem_shared>> -> memref<16x768xf32, #tpu.memory_space<vmem_shared>>
      %dma_start3A_100 = arith.constant 16 : i32
      %dma_start3A_101 = arith.constant 0 : i32
      %dma_start3A_102 = tpu.memref_slice %arg9[%dma_start3A_100, %dma_start3A_101] : memref<32x768xf32, #tpu.memory_space<vmem>> -> memref<16x768xf32, #tpu.memory_space<vmem>>
      tpu.enqueue_dma source(%dma_start3A_102 : memref<16x768xf32, #tpu.memory_space<vmem>>) target(%dma_start3A_99 : memref<16x768xf32, #tpu.memory_space<vmem_shared>>) target_semaphore(%arg17 : memref<!tpu.dma_semaphore, #tpu.memory_space<semaphore_mem>>)
      %dma_wait3A_103 = arith.constant 0 : i32
      %dma_wait3A_104 = arith.constant 0 : i32
      %dma_wait3A_105 = arith.constant 0 : i32
      %dma_wait3A_106 = tpu.memref_slice %arg9[%dma_wait3A_104, %dma_wait3A_105] : memref<32x768xf32, #tpu.memory_space<vmem>> -> memref<16x768xf32, #tpu.memory_space<vmem>>
      %dma_wait3A_107 = arith.constant 0 : i32
      %dma_wait3A_108 = arith.constant 0 : i32
      %dma_wait3A_109 = tpu.memref_slice %arg11[%arg1, %dma_wait3A_103, %dma_wait3A_107, %dma_wait3A_108] : memref<16x2x16x768xf32, #tpu.memory_space<vmem_shared>> -> memref<1x1x16x768xf32, #tpu.memory_space<vmem_shared>>
      %dma_wait3A_110 = tpu.memref_squeeze %dma_wait3A_109 : memref<1x1x16x768xf32, #tpu.memory_space<vmem_shared>> -> memref<16x768xf32, #tpu.memory_space<vmem_shared>>
      %dma_wait3A_111 = arith.constant 0 : i32
      %dma_wait3A_112 = arith.constant 0 : i32
      %dma_wait3A_113 = tpu.memref_slice %arg11[%arg1, %dma_wait3A_103, %dma_wait3A_111, %dma_wait3A_112] : memref<16x2x16x768xf32, #tpu.memory_space<vmem_shared>> -> memref<1x1x16x768xf32, #tpu.memory_space<vmem_shared>>
      %dma_wait3A_114 = tpu.memref_squeeze %dma_wait3A_113 : memref<1x1x16x768xf32, #tpu.memory_space<vmem_shared>> -> memref<16x768xf32, #tpu.memory_space<vmem_shared>>
      %dma_wait3A_115 = arith.constant 0 : i32
      %dma_wait3A_116 = arith.constant 0 : i32
      %dma_wait3A_117 = tpu.memref_slice %arg9[%dma_wait3A_115, %dma_wait3A_116] : memref<32x768xf32, #tpu.memory_space<vmem>> -> memref<16x768xf32, #tpu.memory_space<vmem>>
      tpu.wait_dma2 semaphore(%arg16 : memref<!tpu.dma_semaphore, #tpu.memory_space<semaphore_mem>>) src(%dma_wait3A_117 : memref<16x768xf32, #tpu.memory_space<vmem>>) dst(%dma_wait3A_114 : memref<16x768xf32, #tpu.memory_space<vmem_shared>>)
      %mul3A_118 = arith.constant 32 : i32
      %mul3A_119 = arith.muli %mul3A_33, %mul3A_118 : i32
      %add3A_120 = arith.addi %mul3A_2, %mul3A_119 : i32
      %add3A_121 = arith.constant 0 : i32
      %add3A_122 = arith.addi %add3A_120, %add3A_121 : i32
      %dma_start3A_123 = arith.constant 0 : i32
      %dma_start3A_124 = arith.constant 0 : i32
      %dma_start3A_125 = tpu.memref_slice %arg5[%add3A_122, %dma_start3A_124] : memref<32768x768xf32, #tpu.memory_space<hbm>> -> memref<16x768xf32, #tpu.memory_space<hbm>>
      %dma_start3A_126 = arith.constant 0 : i32
      %dma_start3A_127 = arith.constant 0 : i32
      %dma_start3A_128 = tpu.memref_slice %arg11[%arg1, %dma_start3A_123, %dma_start3A_126, %dma_start3A_127] : memref<16x2x16x768xf32, #tpu.memory_space<vmem_shared>> -> memref<1x1x16x768xf32, #tpu.memory_space<vmem_shared>>
      %dma_start3A_129 = tpu.memref_squeeze %dma_start3A_128 : memref<1x1x16x768xf32, #tpu.memory_space<vmem_shared>> -> memref<16x768xf32, #tpu.memory_space<vmem_shared>>
      tpu.enqueue_dma source(%dma_start3A_129 : memref<16x768xf32, #tpu.memory_space<vmem_shared>>) target(%dma_start3A_125 : memref<16x768xf32, #tpu.memory_space<hbm>>) target_semaphore(%arg18 : memref<!tpu.dma_semaphore, #tpu.memory_space<semaphore_mem>>)
      %dma_wait3A_130 = arith.constant 1 : i32
      %dma_wait3A_131 = arith.constant 0 : i32
      %dma_wait3A_132 = arith.constant 0 : i32
      %dma_wait3A_133 = tpu.memref_slice %arg9[%dma_wait3A_131, %dma_wait3A_132] : memref<32x768xf32, #tpu.memory_space<vmem>> -> memref<16x768xf32, #tpu.memory_space<vmem>>
      %dma_wait3A_134 = arith.constant 0 : i32
      %dma_wait3A_135 = arith.constant 0 : i32
      %dma_wait3A_136 = tpu.memref_slice %arg11[%arg1, %dma_wait3A_130, %dma_wait3A_134, %dma_wait3A_135] : memref<16x2x16x768xf32, #tpu.memory_space<vmem_shared>> -> memref<1x1x16x768xf32, #tpu.memory_space<vmem_shared>>
      %dma_wait3A_137 = tpu.memref_squeeze %dma_wait3A_136 : memref<1x1x16x768xf32, #tpu.memory_space<vmem_shared>> -> memref<16x768xf32, #tpu.memory_space<vmem_shared>>
      %dma_wait3A_138 = arith.constant 0 : i32
      %dma_wait3A_139 = arith.constant 0 : i32
      %dma_wait3A_140 = tpu.memref_slice %arg11[%arg1, %dma_wait3A_130, %dma_wait3A_138, %dma_wait3A_139] : memref<16x2x16x768xf32, #tpu.memory_space<vmem_shared>> -> memref<1x1x16x768xf32, #tpu.memory_space<vmem_shared>>
      %dma_wait3A_141 = tpu.memref_squeeze %dma_wait3A_140 : memref<1x1x16x768xf32, #tpu.memory_space<vmem_shared>> -> memref<16x768xf32, #tpu.memory_space<vmem_shared>>
      %dma_wait3A_142 = arith.constant 0 : i32
      %dma_wait3A_143 = arith.constant 0 : i32
      %dma_wait3A_144 = tpu.memref_slice %arg9[%dma_wait3A_142, %dma_wait3A_143] : memref<32x768xf32, #tpu.memory_space<vmem>> -> memref<16x768xf32, #tpu.memory_space<vmem>>
      tpu.wait_dma2 semaphore(%arg17 : memref<!tpu.dma_semaphore, #tpu.memory_space<semaphore_mem>>) src(%dma_wait3A_144 : memref<16x768xf32, #tpu.memory_space<vmem>>) dst(%dma_wait3A_141 : memref<16x768xf32, #tpu.memory_space<vmem_shared>>)
      %mul3A_145 = arith.constant 32 : i32
      %mul3A_146 = arith.muli %mul3A_33, %mul3A_145 : i32
      %add3A_147 = arith.addi %mul3A_2, %mul3A_146 : i32
      %add3A_148 = arith.constant 16 : i32
      %add3A_149 = arith.addi %add3A_147, %add3A_148 : i32
      %dma_start3A_150 = arith.constant 1 : i32
      %dma_start3A_151 = arith.constant 0 : i32
      %dma_start3A_152 = tpu.memref_slice %arg5[%add3A_149, %dma_start3A_151] : memref<32768x768xf32, #tpu.memory_space<hbm>> -> memref<16x768xf32, #tpu.memory_space<hbm>>
      %dma_start3A_153 = arith.constant 0 : i32
      %dma_start3A_154 = arith.constant 0 : i32
      %dma_start3A_155 = tpu.memref_slice %arg11[%arg1, %dma_start3A_150, %dma_start3A_153, %dma_start3A_154] : memref<16x2x16x768xf32, #tpu.memory_space<vmem_shared>> -> memref<1x1x16x768xf32, #tpu.memory_space<vmem_shared>>
      %dma_start3A_156 = tpu.memref_squeeze %dma_start3A_155 : memref<1x1x16x768xf32, #tpu.memory_space<vmem_shared>> -> memref<16x768xf32, #tpu.memory_space<vmem_shared>>
      tpu.enqueue_dma source(%dma_start3A_156 : memref<16x768xf32, #tpu.memory_space<vmem_shared>>) target(%dma_start3A_152 : memref<16x768xf32, #tpu.memory_space<hbm>>) target_semaphore(%arg19 : memref<!tpu.dma_semaphore, #tpu.memory_space<semaphore_mem>>)
      %lt3A = arith.constant 15 : i32
      %lt3A_157 = arith.cmpi slt, %scan3A_31, %lt3A : i32
      %convert_element_type3A_158 = arith.extui %lt3A_157 : i1 to i32
      %cond3A_159 = arith.constant 0 : i32
      %cond3A_160 = arith.cmpi ne, %convert_element_type3A_158, %cond3A_159 : i32
      scf.if %cond3A_160 {
        %add3A_276 = arith.constant 2 : i32
        %add3A_277 = arith.addi %mul3A_33, %add3A_276 : i32
        %mul3A_278 = arith.constant 32 : i32
        %mul3A_279 = arith.muli %add3A_277, %mul3A_278 : i32
        %dma_start3A_280 = tpu.memref_slice %arg6[%mul3A_279] : memref<1024xi32, #tpu.memory_space<vmem>> -> memref<32xi32, #tpu.memory_space<vmem>>
        %dma_start3A_281 = arith.constant 0 : i32
        %dma_start3A_282 = arith.constant 0 : i32
        %dma_start3A_283 = tpu.memref_slice %arg4[%dma_start3A_281, %dma_start3A_282] : memref<8192x768xf32, #tpu.memory_space<hbm>> -> memref<8192x768xf32, #tpu.memory_space<hbm>>
        tpu.enqueue_indirect_dma source(%dma_start3A_283 : memref<8192x768xf32, #tpu.memory_space<hbm>>) target(%arg7 : memref<32x768xf32, #tpu.memory_space<vmem>>) offsets(%dma_start3A_280 : memref<32xi32, #tpu.memory_space<vmem>>) semaphore(%arg12 : memref<!tpu.dma_semaphore, #tpu.memory_space<semaphore_mem>>)
        %add3A_284 = arith.constant 2 : i32
        %add3A_285 = arith.addi %mul3A_33, %add3A_284 : i32
        %mul3A_286 = arith.constant 32 : i32
        %mul3A_287 = arith.muli %add3A_285, %mul3A_286 : i32
        %add3A_288 = arith.addi %mul3A_2, %mul3A_287 : i32
        %dma_start3A_289 = arith.constant 0 : i32
        %dma_start3A_290 = tpu.memref_slice %arg2[%add3A_288, %dma_start3A_289] : memref<32768x768xf32, #tpu.memory_space<hbm>> -> memref<32x768xf32, #tpu.memory_space<hbm>>
        %dma_start3A_291 = arith.constant 0 : i32
        %dma_start3A_292 = tpu.memref_slice %arg2[%add3A_288, %dma_start3A_291] : memref<32768x768xf32, #tpu.memory_space<hbm>> -> memref<32x768xf32, #tpu.memory_space<hbm>>
        tpu.enqueue_dma source(%dma_start3A_292 : memref<32x768xf32, #tpu.memory_space<hbm>>) target(%arg9 : memref<32x768xf32, #tpu.memory_space<vmem>>) target_semaphore(%arg14 : memref<!tpu.dma_semaphore, #tpu.memory_space<semaphore_mem>>)
      } else {
      }
      %dma_wait3A_161 = arith.constant 0 : i32
      %dma_wait3A_162 = tpu.memref_slice %arg6[%dma_wait3A_161] : memref<1024xi32, #tpu.memory_space<vmem>> -> memref<32xi32, #tpu.memory_space<vmem>>
      %dma_wait3A_163 = arith.constant 0 : i32
      %dma_wait3A_164 = arith.constant 0 : i32
      %dma_wait3A_165 = tpu.memref_slice %arg4[%dma_wait3A_163, %dma_wait3A_164] : memref<8192x768xf32, #tpu.memory_space<hbm>> -> memref<8192x768xf32, #tpu.memory_space<hbm>>
      tpu.wait_indirect_dma semaphore(%arg13 : memref<!tpu.dma_semaphore, #tpu.memory_space<semaphore_mem>>) src(%dma_wait3A_165 : memref<8192x768xf32, #tpu.memory_space<hbm>>) dst(%arg8 : memref<32x768xf32, #tpu.memory_space<vmem>>)
      %dma_wait3A_166 = arith.constant 0 : i32
      %dma_wait3A_167 = tpu.memref_slice %arg2[%mul3A_2, %dma_wait3A_166] : memref<32768x768xf32, #tpu.memory_space<hbm>> -> memref<32x768xf32, #tpu.memory_space<hbm>>
      %dma_wait3A_168 = arith.constant 0 : i32
      %dma_wait3A_169 = tpu.memref_slice %arg2[%mul3A_2, %dma_wait3A_168] : memref<32768x768xf32, #tpu.memory_space<hbm>> -> memref<32x768xf32, #tpu.memory_space<hbm>>
      tpu.wait_dma2 semaphore(%arg15 : memref<!tpu.dma_semaphore, #tpu.memory_space<semaphore_mem>>) src(%dma_wait3A_169 : memref<32x768xf32, #tpu.memory_space<hbm>>) dst(%arg10 : memref<32x768xf32, #tpu.memory_space<vmem>>)
      %scan3A_170 = arith.constant 0 : i32
      %scan3A_171 = arith.constant 0 : i32
      %scan3A_172 = arith.constant 32 : i32
      %scan3A_173 = arith.addi %scan3A_171, %scan3A_172 : i32
      %scan3A_174 = arith.constant 2 : i32
      scf.for %scan3A_276 = %scan3A_171 to %scan3A_173 step %scan3A_174  : i32 {
        %get3A = arith.index_cast %scan3A_276 : i32 to index
        %get3A_277 = arith.constant 0 : index
        %get3A_278 = tpu.vector_load %arg8[%get3A, %get3A_277] {strides = array<i32>} : memref<32x768xf32, #tpu.memory_space<vmem>>, vector<1x16xf32>,
        %get3A_279 = vector.shape_cast %get3A_278 : vector<1x16xf32> to vector<16xf32>
        %swap3A = arith.index_cast %scan3A_276 : i32 to index
        %swap3A_280 = arith.constant 0 : index
        %swap3A_281 = tpu.vector_load %arg10[%swap3A, %swap3A_280] {strides = array<i32>} : memref<32x768xf32, #tpu.memory_space<vmem>>, vector<1x16xf32>,
        %swap3A_282 = vector.shape_cast %swap3A_281 : vector<1x16xf32> to vector<16xf32>
        %swap3A_283 = vector.shape_cast %get3A_279 : vector<16xf32> to vector<1x16xf32>
        tpu.vector_store %arg10[%swap3A, %swap3A_280], %swap3A_283 {add = true, strides = array<i32>} : memref<32x768xf32, #tpu.memory_space<vmem>>, vector<1x16xf32>,
        %get3A_284 = arith.index_cast %scan3A_276 : i32 to index
        %get3A_285 = arith.constant 16 : index
        %get3A_286 = tpu.vector_load %arg8[%get3A_284, %get3A_285] {strides = array<i32>} : memref<32x768xf32, #tpu.memory_space<vmem>>, vector<1x16xf32>,
        %get3A_287 = vector.shape_cast %get3A_286 : vector<1x16xf32> to vector<16xf32>
        %swap3A_288 = arith.index_cast %scan3A_276 : i32 to index
        %swap3A_289 = arith.constant 16 : index
        %swap3A_290 = tpu.vector_load %arg10[%swap3A_288, %swap3A_289] {strides = array<i32>} : memref<32x768xf32, #tpu.memory_space<vmem>>, vector<1x16xf32>,
        %swap3A_291 = vector.shape_cast %swap3A_290 : vector<1x16xf32> to vector<16xf32>
        %swap3A_292 = vector.shape_cast %get3A_287 : vector<16xf32> to vector<1x16xf32>
        tpu.vector_store %arg10[%swap3A_288, %swap3A_289], %swap3A_292 {add = true, strides = array<i32>} : memref<32x768xf32, #tpu.memory_space<vmem>>, vector<1x16xf32>,
        %get3A_293 = arith.index_cast %scan3A_276 : i32 to index
        %get3A_294 = arith.constant 32 : index
        %get3A_295 = tpu.vector_load %arg8[%get3A_293, %get3A_294] {strides = array<i32>} : memref<32x768xf32, #tpu.memory_space<vmem>>, vector<1x16xf32>,
        %get3A_296 = vector.shape_cast %get3A_295 : vector<1x16xf32> to vector<16xf32>
        %swap3A_297 = arith.index_cast %scan3A_276 : i32 to index
        %swap3A_298 = arith.constant 32 : index
        %swap3A_299 = tpu.vector_load %arg10[%swap3A_297, %swap3A_298] {strides = array<i32>} : memref<32x768xf32, #tpu.memory_space<vmem>>, vector<1x16xf32>,
        %swap3A_300 = vector.shape_cast %swap3A_299 : vector<1x16xf32> to vector<16xf32>
        %swap3A_301 = vector.shape_cast %get3A_296 : vector<16xf32> to vector<1x16xf32>
        tpu.vector_store %arg10[%swap3A_297, %swap3A_298], %swap3A_301 {add = true, strides = array<i32>} : memref<32x768xf32, #tpu.memory_space<vmem>>, vector<1x16xf32>,
        %get3A_302 = arith.index_cast %scan3A_276 : i32 to index
        %get3A_303 = arith.constant 48 : index
        %get3A_304 = tpu.vector_load %arg8[%get3A_302, %get3A_303] {strides = array<i32>} : memref<32x768xf32, #tpu.memory_space<vmem>>, vector<1x16xf32>,
        %get3A_305 = vector.shape_cast %get3A_304 : vector<1x16xf32> to vector<16xf32>
        %swap3A_306 = arith.index_cast %scan3A_276 : i32 to index
        %swap3A_307 = arith.constant 48 : index
        %swap3A_308 = tpu.vector_load %arg10[%swap3A_306, %swap3A_307] {strides = array<i32>} : memref<32x768xf32, #tpu.memory_space<vmem>>, vector<1x16xf32>,
        %swap3A_309 = vector.shape_cast %swap3A_308 : vector<1x16xf32> to vector<16xf32>
        %swap3A_310 = vector.shape_cast %get3A_305 : vector<16xf32> to vector<1x16xf32>
        tpu.vector_store %arg10[%swap3A_306, %swap3A_307], %swap3A_310 {add = true, strides = array<i32>} : memref<32x768xf32, #tpu.memory_space<vmem>>, vector<1x16xf32>,
        %get3A_311 = arith.index_cast %scan3A_276 : i32 to index
        %get3A_312 = arith.constant 64 : index
        %get3A_313 = tpu.vector_load %arg8[%get3A_311, %get3A_312] {strides = array<i32>} : memref<32x768xf32, #tpu.memory_space<vmem>>, vector<1x16xf32>,
        %get3A_314 = vector.shape_cast %get3A_313 : vector<1x16xf32> to vector<16xf32>
        %swap3A_315 = arith.index_cast %scan3A_276 : i32 to index
        %swap3A_316 = arith.constant 64 : index
        %swap3A_317 = tpu.vector_load %arg10[%swap3A_315, %swap3A_316] {strides = array<i32>} : memref<32x768xf32, #tpu.memory_space<vmem>>, vector<1x16xf32>,
        %swap3A_318 = vector.shape_cast %swap3A_317 : vector<1x16xf32> to vector<16xf32>
        %swap3A_319 = vector.shape_cast %get3A_314 : vector<16xf32> to vector<1x16xf32>
        tpu.vector_store %arg10[%swap3A_315, %swap3A_316], %swap3A_319 {add = true, strides = array<i32>} : memref<32x768xf32, #tpu.memory_space<vmem>>, vector<1x16xf32>,
        %get3A_320 = arith.index_cast %scan3A_276 : i32 to index
        %get3A_321 = arith.constant 80 : index
        %get3A_322 = tpu.vector_load %arg8[%get3A_320, %get3A_321] {strides = array<i32>} : memref<32x768xf32, #tpu.memory_space<vmem>>, vector<1x16xf32>,
        %get3A_323 = vector.shape_cast %get3A_322 : vector<1x16xf32> to vector<16xf32>
        %swap3A_324 = arith.index_cast %scan3A_276 : i32 to index
        %swap3A_325 = arith.constant 80 : index
        %swap3A_326 = tpu.vector_load %arg10[%swap3A_324, %swap3A_325] {strides = array<i32>} : memref<32x768xf32, #tpu.memory_space<vmem>>, vector<1x16xf32>,
        %swap3A_327 = vector.shape_cast %swap3A_326 : vector<1x16xf32> to vector<16xf32>
        %swap3A_328 = vector.shape_cast %get3A_323 : vector<16xf32> to vector<1x16xf32>
        tpu.vector_store %arg10[%swap3A_324, %swap3A_325], %swap3A_328 {add = true, strides = array<i32>} : memref<32x768xf32, #tpu.memory_space<vmem>>, vector<1x16xf32>,
        %get3A_329 = arith.index_cast %scan3A_276 : i32 to index
        %get3A_330 = arith.constant 96 : index
        %get3A_331 = tpu.vector_load %arg8[%get3A_329, %get3A_330] {strides = array<i32>} : memref<32x768xf32, #tpu.memory_space<vmem>>, vector<1x16xf32>,
        %get3A_332 = vector.shape_cast %get3A_331 : vector<1x16xf32> to vector<16xf32>
        %swap3A_333 = arith.index_cast %scan3A_276 : i32 to index
        %swap3A_334 = arith.constant 96 : index
        %swap3A_335 = tpu.vector_load %arg10[%swap3A_333, %swap3A_334] {strides = array<i32>} : memref<32x768xf32, #tpu.memory_space<vmem>>, vector<1x16xf32>,
        %swap3A_336 = vector.shape_cast %swap3A_335 : vector<1x16xf32> to vector<16xf32>
        %swap3A_337 = vector.shape_cast %get3A_332 : vector<16xf32> to vector<1x16xf32>
        tpu.vector_store %arg10[%swap3A_333, %swap3A_334], %swap3A_337 {add = true, strides = array<i32>} : memref<32x768xf32, #tpu.memory_space<vmem>>, vector<1x16xf32>,
        %get3A_338 = arith.index_cast %scan3A_276 : i32 to index
        %get3A_339 = arith.constant 112 : index
        %get3A_340 = tpu.vector_load %arg8[%get3A_338, %get3A_339] {strides = array<i32>} : memref<32x768xf32, #tpu.memory_space<vmem>>, vector<1x16xf32>,
        %get3A_341 = vector.shape_cast %get3A_340 : vector<1x16xf32> to vector<16xf32>
        %swap3A_342 = arith.index_cast %scan3A_276 : i32 to index
        %swap3A_343 = arith.constant 112 : index
        %swap3A_344 = tpu.vector_load %arg10[%swap3A_342, %swap3A_343] {strides = array<i32>} : memref<32x768xf32, #tpu.memory_space<vmem>>, vector<1x16xf32>,
        %swap3A_345 = vector.shape_cast %swap3A_344 : vector<1x16xf32> to vector<16xf32>
        %swap3A_346 = vector.shape_cast %get3A_341 : vector<16xf32> to vector<1x16xf32>
        tpu.vector_store %arg10[%swap3A_342, %swap3A_343], %swap3A_346 {add = true, strides = array<i32>} : memref<32x768xf32, #tpu.memory_space<vmem>>, vector<1x16xf32>,
        %get3A_347 = arith.index_cast %scan3A_276 : i32 to index
        %get3A_348 = arith.constant 128 : index
        %get3A_349 = tpu.vector_load %arg8[%get3A_347, %get3A_348] {strides = array<i32>} : memref<32x768xf32, #tpu.memory_space<vmem>>, vector<1x16xf32>,
        %get3A_350 = vector.shape_cast %get3A_349 : vector<1x16xf32> to vector<16xf32>
        %swap3A_351 = arith.index_cast %scan3A_276 : i32 to index
        %swap3A_352 = arith.constant 128 : index
        %swap3A_353 = tpu.vector_load %arg10[%swap3A_351, %swap3A_352] {strides = array<i32>} : memref<32x768xf32, #tpu.memory_space<vmem>>, vector<1x16xf32>,
        %swap3A_354 = vector.shape_cast %swap3A_353 : vector<1x16xf32> to vector<16xf32>
        %swap3A_355 = vector.shape_cast %get3A_350 : vector<16xf32> to vector<1x16xf32>
        tpu.vector_store %arg10[%swap3A_351, %swap3A_352], %swap3A_355 {add = true, strides = array<i32>} : memref<32x768xf32, #tpu.memory_space<vmem>>, vector<1x16xf32>,
        %get3A_356 = arith.index_cast %scan3A_276 : i32 to index
        %get3A_357 = arith.constant 144 : index
        %get3A_358 = tpu.vector_load %arg8[%get3A_356, %get3A_357] {strides = array<i32>} : memref<32x768xf32, #tpu.memory_space<vmem>>, vector<1x16xf32>,
        %get3A_359 = vector.shape_cast %get3A_358 : vector<1x16xf32> to vector<16xf32>
        %swap3A_360 = arith.index_cast %scan3A_276 : i32 to index
        %swap3A_361 = arith.constant 144 : index
        %swap3A_362 = tpu.vector_load %arg10[%swap3A_360, %swap3A_361] {strides = array<i32>} : memref<32x768xf32, #tpu.memory_space<vmem>>, vector<1x16xf32>,
        %swap3A_363 = vector.shape_cast %swap3A_362 : vector<1x16xf32> to vector<16xf32>
        %swap3A_364 = vector.shape_cast %get3A_359 : vector<16xf32> to vector<1x16xf32>
        tpu.vector_store %arg10[%swap3A_360, %swap3A_361], %swap3A_364 {add = true, strides = array<i32>} : memref<32x768xf32, #tpu.memory_space<vmem>>, vector<1x16xf32>,
        %get3A_365 = arith.index_cast %scan3A_276 : i32 to index
        %get3A_366 = arith.constant 160 : index
        %get3A_367 = tpu.vector_load %arg8[%get3A_365, %get3A_366] {strides = array<i32>} : memref<32x768xf32, #tpu.memory_space<vmem>>, vector<1x16xf32>,
        %get3A_368 = vector.shape_cast %get3A_367 : vector<1x16xf32> to vector<16xf32>
        %swap3A_369 = arith.index_cast %scan3A_276 : i32 to index
        %swap3A_370 = arith.constant 160 : index
        %swap3A_371 = tpu.vector_load %arg10[%swap3A_369, %swap3A_370] {strides = array<i32>} : memref<32x768xf32, #tpu.memory_space<vmem>>, vector<1x16xf32>,
        %swap3A_372 = vector.shape_cast %swap3A_371 : vector<1x16xf32> to vector<16xf32>
        %swap3A_373 = vector.shape_cast %get3A_368 : vector<16xf32> to vector<1x16xf32>
        tpu.vector_store %arg10[%swap3A_369, %swap3A_370], %swap3A_373 {add = true, strides = array<i32>} : memref<32x768xf32, #tpu.memory_space<vmem>>, vector<1x16xf32>,
        %get3A_374 = arith.index_cast %scan3A_276 : i32 to index
        %get3A_375 = arith.constant 176 : index
        %get3A_376 = tpu.vector_load %arg8[%get3A_374, %get3A_375] {strides = array<i32>} : memref<32x768xf32, #tpu.memory_space<vmem>>, vector<1x16xf32>,
        %get3A_377 = vector.shape_cast %get3A_376 : vector<1x16xf32> to vector<16xf32>
        %swap3A_378 = arith.index_cast %scan3A_276 : i32 to index
        %swap3A_379 = arith.constant 176 : index
        %swap3A_380 = tpu.vector_load %arg10[%swap3A_378, %swap3A_379] {strides = array<i32>} : memref<32x768xf32, #tpu.memory_space<vmem>>, vector<1x16xf32>,
        %swap3A_381 = vector.shape_cast %swap3A_380 : vector<1x16xf32> to vector<16xf32>
        %swap3A_382 = vector.shape_cast %get3A_377 : vector<16xf32> to vector<1x16xf32>
        tpu.vector_store %arg10[%swap3A_378, %swap3A_379], %swap3A_382 {add = true, strides = array<i32>} : memref<32x768xf32, #tpu.memory_space<vmem>>, vector<1x16xf32>,
        %get3A_383 = arith.index_cast %scan3A_276 : i32 to index
        %get3A_384 = arith.constant 192 : index
        %get3A_385 = tpu.vector_load %arg8[%get3A_383, %get3A_384] {strides = array<i32>} : memref<32x768xf32, #tpu.memory_space<vmem>>, vector<1x16xf32>,
        %get3A_386 = vector.shape_cast %get3A_385 : vector<1x16xf32> to vector<16xf32>
        %swap3A_387 = arith.index_cast %scan3A_276 : i32 to index
        %swap3A_388 = arith.constant 192 : index
        %swap3A_389 = tpu.vector_load %arg10[%swap3A_387, %swap3A_388] {strides = array<i32>} : memref<32x768xf32, #tpu.memory_space<vmem>>, vector<1x16xf32>,
        %swap3A_390 = vector.shape_cast %swap3A_389 : vector<1x16xf32> to vector<16xf32>
        %swap3A_391 = vector.shape_cast %get3A_386 : vector<16xf32> to vector<1x16xf32>
        tpu.vector_store %arg10[%swap3A_387, %swap3A_388], %swap3A_391 {add = true, strides = array<i32>} : memref<32x768xf32, #tpu.memory_space<vmem>>, vector<1x16xf32>,
        %get3A_392 = arith.index_cast %scan3A_276 : i32 to index
        %get3A_393 = arith.constant 208 : index
        %get3A_394 = tpu.vector_load %arg8[%get3A_392, %get3A_393] {strides = array<i32>} : memref<32x768xf32, #tpu.memory_space<vmem>>, vector<1x16xf32>,
        %get3A_395 = vector.shape_cast %get3A_394 : vector<1x16xf32> to vector<16xf32>
        %swap3A_396 = arith.index_cast %scan3A_276 : i32 to index
        %swap3A_397 = arith.constant 208 : index
        %swap3A_398 = tpu.vector_load %arg10[%swap3A_396, %swap3A_397] {strides = array<i32>} : memref<32x768xf32, #tpu.memory_space<vmem>>, vector<1x16xf32>,
        %swap3A_399 = vector.shape_cast %swap3A_398 : vector<1x16xf32> to vector<16xf32>
        %swap3A_400 = vector.shape_cast %get3A_395 : vector<16xf32> to vector<1x16xf32>
        tpu.vector_store %arg10[%swap3A_396, %swap3A_397], %swap3A_400 {add = true, strides = array<i32>} : memref<32x768xf32, #tpu.memory_space<vmem>>, vector<1x16xf32>,
        %get3A_401 = arith.index_cast %scan3A_276 : i32 to index
        %get3A_402 = arith.constant 224 : index
        %get3A_403 = tpu.vector_load %arg8[%get3A_401, %get3A_402] {strides = array<i32>} : memref<32x768xf32, #tpu.memory_space<vmem>>, vector<1x16xf32>,
        %get3A_404 = vector.shape_cast %get3A_403 : vector<1x16xf32> to vector<16xf32>
        %swap3A_405 = arith.index_cast %scan3A_276 : i32 to index
        %swap3A_406 = arith.constant 224 : index
        %swap3A_407 = tpu.vector_load %arg10[%swap3A_405, %swap3A_406] {strides = array<i32>} : memref<32x768xf32, #tpu.memory_space<vmem>>, vector<1x16xf32>,
        %swap3A_408 = vector.shape_cast %swap3A_407 : vector<1x16xf32> to vector<16xf32>
        %swap3A_409 = vector.shape_cast %get3A_404 : vector<16xf32> to vector<1x16xf32>
        tpu.vector_store %arg10[%swap3A_405, %swap3A_406], %swap3A_409 {add = true, strides = array<i32>} : memref<32x768xf32, #tpu.memory_space<vmem>>, vector<1x16xf32>,
        %get3A_410 = arith.index_cast %scan3A_276 : i32 to index
        %get3A_411 = arith.constant 240 : index
        %get3A_412 = tpu.vector_load %arg8[%get3A_410, %get3A_411] {strides = array<i32>} : memref<32x768xf32, #tpu.memory_space<vmem>>, vector<1x16xf32>,
        %get3A_413 = vector.shape_cast %get3A_412 : vector<1x16xf32> to vector<16xf32>
        %swap3A_414 = arith.index_cast %scan3A_276 : i32 to index
        %swap3A_415 = arith.constant 240 : index
        %swap3A_416 = tpu.vector_load %arg10[%swap3A_414, %swap3A_415] {strides = array<i32>} : memref<32x768xf32, #tpu.memory_space<vmem>>, vector<1x16xf32>,
        %swap3A_417 = vector.shape_cast %swap3A_416 : vector<1x16xf32> to vector<16xf32>
        %swap3A_418 = vector.shape_cast %get3A_413 : vector<16xf32> to vector<1x16xf32>
        tpu.vector_store %arg10[%swap3A_414, %swap3A_415], %swap3A_418 {add = true, strides = array<i32>} : memref<32x768xf32, #tpu.memory_space<vmem>>, vector<1x16xf32>,
        %get3A_419 = arith.index_cast %scan3A_276 : i32 to index
        %get3A_420 = arith.constant 256 : index
        %get3A_421 = tpu.vector_load %arg8[%get3A_419, %get3A_420] {strides = array<i32>} : memref<32x768xf32, #tpu.memory_space<vmem>>, vector<1x16xf32>,
        %get3A_422 = vector.shape_cast %get3A_421 : vector<1x16xf32> to vector<16xf32>
        %swap3A_423 = arith.index_cast %scan3A_276 : i32 to index
        %swap3A_424 = arith.constant 256 : index
        %swap3A_425 = tpu.vector_load %arg10[%swap3A_423, %swap3A_424] {strides = array<i32>} : memref<32x768xf32, #tpu.memory_space<vmem>>, vector<1x16xf32>,
        %swap3A_426 = vector.shape_cast %swap3A_425 : vector<1x16xf32> to vector<16xf32>
        %swap3A_427 = vector.shape_cast %get3A_422 : vector<16xf32> to vector<1x16xf32>
        tpu.vector_store %arg10[%swap3A_423, %swap3A_424], %swap3A_427 {add = true, strides = array<i32>} : memref<32x768xf32, #tpu.memory_space<vmem>>, vector<1x16xf32>,
        %get3A_428 = arith.index_cast %scan3A_276 : i32 to index
        %get3A_429 = arith.constant 272 : index
        %get3A_430 = tpu.vector_load %arg8[%get3A_428, %get3A_429] {strides = array<i32>} : memref<32x768xf32, #tpu.memory_space<vmem>>, vector<1x16xf32>,
        %get3A_431 = vector.shape_cast %get3A_430 : vector<1x16xf32> to vector<16xf32>
        %swap3A_432 = arith.index_cast %scan3A_276 : i32 to index
        %swap3A_433 = arith.constant 272 : index
        %swap3A_434 = tpu.vector_load %arg10[%swap3A_432, %swap3A_433] {strides = array<i32>} : memref<32x768xf32, #tpu.memory_space<vmem>>, vector<1x16xf32>,
        %swap3A_435 = vector.shape_cast %swap3A_434 : vector<1x16xf32> to vector<16xf32>
        %swap3A_436 = vector.shape_cast %get3A_431 : vector<16xf32> to vector<1x16xf32>
        tpu.vector_store %arg10[%swap3A_432, %swap3A_433], %swap3A_436 {add = true, strides = array<i32>} : memref<32x768xf32, #tpu.memory_space<vmem>>, vector<1x16xf32>,
        %get3A_437 = arith.index_cast %scan3A_276 : i32 to index
        %get3A_438 = arith.constant 288 : index
        %get3A_439 = tpu.vector_load %arg8[%get3A_437, %get3A_438] {strides = array<i32>} : memref<32x768xf32, #tpu.memory_space<vmem>>, vector<1x16xf32>,
        %get3A_440 = vector.shape_cast %get3A_439 : vector<1x16xf32> to vector<16xf32>
        %swap3A_441 = arith.index_cast %scan3A_276 : i32 to index
        %swap3A_442 = arith.constant 288 : index
        %swap3A_443 = tpu.vector_load %arg10[%swap3A_441, %swap3A_442] {strides = array<i32>} : memref<32x768xf32, #tpu.memory_space<vmem>>, vector<1x16xf32>,
        %swap3A_444 = vector.shape_cast %swap3A_443 : vector<1x16xf32> to vector<16xf32>
        %swap3A_445 = vector.shape_cast %get3A_440 : vector<16xf32> to vector<1x16xf32>
        tpu.vector_store %arg10[%swap3A_441, %swap3A_442], %swap3A_445 {add = true, strides = array<i32>} : memref<32x768xf32, #tpu.memory_space<vmem>>, vector<1x16xf32>,
        %get3A_446 = arith.index_cast %scan3A_276 : i32 to index
        %get3A_447 = arith.constant 304 : index
        %get3A_448 = tpu.vector_load %arg8[%get3A_446, %get3A_447] {strides = array<i32>} : memref<32x768xf32, #tpu.memory_space<vmem>>, vector<1x16xf32>,
        %get3A_449 = vector.shape_cast %get3A_448 : vector<1x16xf32> to vector<16xf32>
        %swap3A_450 = arith.index_cast %scan3A_276 : i32 to index
        %swap3A_451 = arith.constant 304 : index
        %swap3A_452 = tpu.vector_load %arg10[%swap3A_450, %swap3A_451] {strides = array<i32>} : memref<32x768xf32, #tpu.memory_space<vmem>>, vector<1x16xf32>,
        %swap3A_453 = vector.shape_cast %swap3A_452 : vector<1x16xf32> to vector<16xf32>
        %swap3A_454 = vector.shape_cast %get3A_449 : vector<16xf32> to vector<1x16xf32>
        tpu.vector_store %arg10[%swap3A_450, %swap3A_451], %swap3A_454 {add = true, strides = array<i32>} : memref<32x768xf32, #tpu.memory_space<vmem>>, vector<1x16xf32>,
        %get3A_455 = arith.index_cast %scan3A_276 : i32 to index
        %get3A_456 = arith.constant 320 : index
        %get3A_457 = tpu.vector_load %arg8[%get3A_455, %get3A_456] {strides = array<i32>} : memref<32x768xf32, #tpu.memory_space<vmem>>, vector<1x16xf32>,
        %get3A_458 = vector.shape_cast %get3A_457 : vector<1x16xf32> to vector<16xf32>
        %swap3A_459 = arith.index_cast %scan3A_276 : i32 to index
        %swap3A_460 = arith.constant 320 : index
        %swap3A_461 = tpu.vector_load %arg10[%swap3A_459, %swap3A_460] {strides = array<i32>} : memref<32x768xf32, #tpu.memory_space<vmem>>, vector<1x16xf32>,
        %swap3A_462 = vector.shape_cast %swap3A_461 : vector<1x16xf32> to vector<16xf32>
        %swap3A_463 = vector.shape_cast %get3A_458 : vector<16xf32> to vector<1x16xf32>
        tpu.vector_store %arg10[%swap3A_459, %swap3A_460], %swap3A_463 {add = true, strides = array<i32>} : memref<32x768xf32, #tpu.memory_space<vmem>>, vector<1x16xf32>,
        %get3A_464 = arith.index_cast %scan3A_276 : i32 to index
        %get3A_465 = arith.constant 336 : index
        %get3A_466 = tpu.vector_load %arg8[%get3A_464, %get3A_465] {strides = array<i32>} : memref<32x768xf32, #tpu.memory_space<vmem>>, vector<1x16xf32>,
        %get3A_467 = vector.shape_cast %get3A_466 : vector<1x16xf32> to vector<16xf32>
        %swap3A_468 = arith.index_cast %scan3A_276 : i32 to index
        %swap3A_469 = arith.constant 336 : index
        %swap3A_470 = tpu.vector_load %arg10[%swap3A_468, %swap3A_469] {strides = array<i32>} : memref<32x768xf32, #tpu.memory_space<vmem>>, vector<1x16xf32>,
        %swap3A_471 = vector.shape_cast %swap3A_470 : vector<1x16xf32> to vector<16xf32>
        %swap3A_472 = vector.shape_cast %get3A_467 : vector<16xf32> to vector<1x16xf32>
        tpu.vector_store %arg10[%swap3A_468, %swap3A_469], %swap3A_472 {add = true, strides = array<i32>} : memref<32x768xf32, #tpu.memory_space<vmem>>, vector<1x16xf32>,
        %get3A_473 = arith.index_cast %scan3A_276 : i32 to index
        %get3A_474 = arith.constant 352 : index
        %get3A_475 = tpu.vector_load %arg8[%get3A_473, %get3A_474] {strides = array<i32>} : memref<32x768xf32, #tpu.memory_space<vmem>>, vector<1x16xf32>,
        %get3A_476 = vector.shape_cast %get3A_475 : vector<1x16xf32> to vector<16xf32>
        %swap3A_477 = arith.index_cast %scan3A_276 : i32 to index
        %swap3A_478 = arith.constant 352 : index
        %swap3A_479 = tpu.vector_load %arg10[%swap3A_477, %swap3A_478] {strides = array<i32>} : memref<32x768xf32, #tpu.memory_space<vmem>>, vector<1x16xf32>,
        %swap3A_480 = vector.shape_cast %swap3A_479 : vector<1x16xf32> to vector<16xf32>
        %swap3A_481 = vector.shape_cast %get3A_476 : vector<16xf32> to vector<1x16xf32>
        tpu.vector_store %arg10[%swap3A_477, %swap3A_478], %swap3A_481 {add = true, strides = array<i32>} : memref<32x768xf32, #tpu.memory_space<vmem>>, vector<1x16xf32>,
        %get3A_482 = arith.index_cast %scan3A_276 : i32 to index
        %get3A_483 = arith.constant 368 : index
        %get3A_484 = tpu.vector_load %arg8[%get3A_482, %get3A_483] {strides = array<i32>} : memref<32x768xf32, #tpu.memory_space<vmem>>, vector<1x16xf32>,
        %get3A_485 = vector.shape_cast %get3A_484 : vector<1x16xf32> to vector<16xf32>
        %swap3A_486 = arith.index_cast %scan3A_276 : i32 to index
        %swap3A_487 = arith.constant 368 : index
        %swap3A_488 = tpu.vector_load %arg10[%swap3A_486, %swap3A_487] {strides = array<i32>} : memref<32x768xf32, #tpu.memory_space<vmem>>, vector<1x16xf32>,
        %swap3A_489 = vector.shape_cast %swap3A_488 : vector<1x16xf32> to vector<16xf32>
        %swap3A_490 = vector.shape_cast %get3A_485 : vector<16xf32> to vector<1x16xf32>
        tpu.vector_store %arg10[%swap3A_486, %swap3A_487], %swap3A_490 {add = true, strides = array<i32>} : memref<32x768xf32, #tpu.memory_space<vmem>>, vector<1x16xf32>,
        %get3A_491 = arith.index_cast %scan3A_276 : i32 to index
        %get3A_492 = arith.constant 384 : index
        %get3A_493 = tpu.vector_load %arg8[%get3A_491, %get3A_492] {strides = array<i32>} : memref<32x768xf32, #tpu.memory_space<vmem>>, vector<1x16xf32>,
        %get3A_494 = vector.shape_cast %get3A_493 : vector<1x16xf32> to vector<16xf32>
        %swap3A_495 = arith.index_cast %scan3A_276 : i32 to index
        %swap3A_496 = arith.constant 384 : index
        %swap3A_497 = tpu.vector_load %arg10[%swap3A_495, %swap3A_496] {strides = array<i32>} : memref<32x768xf32, #tpu.memory_space<vmem>>, vector<1x16xf32>,
        %swap3A_498 = vector.shape_cast %swap3A_497 : vector<1x16xf32> to vector<16xf32>
        %swap3A_499 = vector.shape_cast %get3A_494 : vector<16xf32> to vector<1x16xf32>
        tpu.vector_store %arg10[%swap3A_495, %swap3A_496], %swap3A_499 {add = true, strides = array<i32>} : memref<32x768xf32, #tpu.memory_space<vmem>>, vector<1x16xf32>,
        %get3A_500 = arith.index_cast %scan3A_276 : i32 to index
        %get3A_501 = arith.constant 400 : index
        %get3A_502 = tpu.vector_load %arg8[%get3A_500, %get3A_501] {strides = array<i32>} : memref<32x768xf32, #tpu.memory_space<vmem>>, vector<1x16xf32>,
        %get3A_503 = vector.shape_cast %get3A_502 : vector<1x16xf32> to vector<16xf32>
        %swap3A_504 = arith.index_cast %scan3A_276 : i32 to index
        %swap3A_505 = arith.constant 400 : index
        %swap3A_506 = tpu.vector_load %arg10[%swap3A_504, %swap3A_505] {strides = array<i32>} : memref<32x768xf32, #tpu.memory_space<vmem>>, vector<1x16xf32>,
        %swap3A_507 = vector.shape_cast %swap3A_506 : vector<1x16xf32> to vector<16xf32>
        %swap3A_508 = vector.shape_cast %get3A_503 : vector<16xf32> to vector<1x16xf32>
        tpu.vector_store %arg10[%swap3A_504, %swap3A_505], %swap3A_508 {add = true, strides = array<i32>} : memref<32x768xf32, #tpu.memory_space<vmem>>, vector<1x16xf32>,
        %get3A_509 = arith.index_cast %scan3A_276 : i32 to index
        %get3A_510 = arith.constant 416 : index
        %get3A_511 = tpu.vector_load %arg8[%get3A_509, %get3A_510] {strides = array<i32>} : memref<32x768xf32, #tpu.memory_space<vmem>>, vector<1x16xf32>,
        %get3A_512 = vector.shape_cast %get3A_511 : vector<1x16xf32> to vector<16xf32>
        %swap3A_513 = arith.index_cast %scan3A_276 : i32 to index
        %swap3A_514 = arith.constant 416 : index
        %swap3A_515 = tpu.vector_load %arg10[%swap3A_513, %swap3A_514] {strides = array<i32>} : memref<32x768xf32, #tpu.memory_space<vmem>>, vector<1x16xf32>,
        %swap3A_516 = vector.shape_cast %swap3A_515 : vector<1x16xf32> to vector<16xf32>
        %swap3A_517 = vector.shape_cast %get3A_512 : vector<16xf32> to vector<1x16xf32>
        tpu.vector_store %arg10[%swap3A_513, %swap3A_514], %swap3A_517 {add = true, strides = array<i32>} : memref<32x768xf32, #tpu.memory_space<vmem>>, vector<1x16xf32>,
        %get3A_518 = arith.index_cast %scan3A_276 : i32 to index
        %get3A_519 = arith.constant 432 : index
        %get3A_520 = tpu.vector_load %arg8[%get3A_518, %get3A_519] {strides = array<i32>} : memref<32x768xf32, #tpu.memory_space<vmem>>, vector<1x16xf32>,
        %get3A_521 = vector.shape_cast %get3A_520 : vector<1x16xf32> to vector<16xf32>
        %swap3A_522 = arith.index_cast %scan3A_276 : i32 to index
        %swap3A_523 = arith.constant 432 : index
        %swap3A_524 = tpu.vector_load %arg10[%swap3A_522, %swap3A_523] {strides = array<i32>} : memref<32x768xf32, #tpu.memory_space<vmem>>, vector<1x16xf32>,
        %swap3A_525 = vector.shape_cast %swap3A_524 : vector<1x16xf32> to vector<16xf32>
        %swap3A_526 = vector.shape_cast %get3A_521 : vector<16xf32> to vector<1x16xf32>
        tpu.vector_store %arg10[%swap3A_522, %swap3A_523], %swap3A_526 {add = true, strides = array<i32>} : memref<32x768xf32, #tpu.memory_space<vmem>>, vector<1x16xf32>,
        %get3A_527 = arith.index_cast %scan3A_276 : i32 to index
        %get3A_528 = arith.constant 448 : index
        %get3A_529 = tpu.vector_load %arg8[%get3A_527, %get3A_528] {strides = array<i32>} : memref<32x768xf32, #tpu.memory_space<vmem>>, vector<1x16xf32>,
        %get3A_530 = vector.shape_cast %get3A_529 : vector<1x16xf32> to vector<16xf32>
        %swap3A_531 = arith.index_cast %scan3A_276 : i32 to index
        %swap3A_532 = arith.constant 448 : index
        %swap3A_533 = tpu.vector_load %arg10[%swap3A_531, %swap3A_532] {strides = array<i32>} : memref<32x768xf32, #tpu.memory_space<vmem>>, vector<1x16xf32>,
        %swap3A_534 = vector.shape_cast %swap3A_533 : vector<1x16xf32> to vector<16xf32>
        %swap3A_535 = vector.shape_cast %get3A_530 : vector<16xf32> to vector<1x16xf32>
        tpu.vector_store %arg10[%swap3A_531, %swap3A_532], %swap3A_535 {add = true, strides = array<i32>} : memref<32x768xf32, #tpu.memory_space<vmem>>, vector<1x16xf32>,
        %get3A_536 = arith.index_cast %scan3A_276 : i32 to index
        %get3A_537 = arith.constant 464 : index
        %get3A_538 = tpu.vector_load %arg8[%get3A_536, %get3A_537] {strides = array<i32>} : memref<32x768xf32, #tpu.memory_space<vmem>>, vector<1x16xf32>,
        %get3A_539 = vector.shape_cast %get3A_538 : vector<1x16xf32> to vector<16xf32>
        %swap3A_540 = arith.index_cast %scan3A_276 : i32 to index
        %swap3A_541 = arith.constant 464 : index
        %swap3A_542 = tpu.vector_load %arg10[%swap3A_540, %swap3A_541] {strides = array<i32>} : memref<32x768xf32, #tpu.memory_space<vmem>>, vector<1x16xf32>,
        %swap3A_543 = vector.shape_cast %swap3A_542 : vector<1x16xf32> to vector<16xf32>
        %swap3A_544 = vector.shape_cast %get3A_539 : vector<16xf32> to vector<1x16xf32>
        tpu.vector_store %arg10[%swap3A_540, %swap3A_541], %swap3A_544 {add = true, strides = array<i32>} : memref<32x768xf32, #tpu.memory_space<vmem>>, vector<1x16xf32>,
        %get3A_545 = arith.index_cast %scan3A_276 : i32 to index
        %get3A_546 = arith.constant 480 : index
        %get3A_547 = tpu.vector_load %arg8[%get3A_545, %get3A_546] {strides = array<i32>} : memref<32x768xf32, #tpu.memory_space<vmem>>, vector<1x16xf32>,
        %get3A_548 = vector.shape_cast %get3A_547 : vector<1x16xf32> to vector<16xf32>
        %swap3A_549 = arith.index_cast %scan3A_276 : i32 to index
        %swap3A_550 = arith.constant 480 : index
        %swap3A_551 = tpu.vector_load %arg10[%swap3A_549, %swap3A_550] {strides = array<i32>} : memref<32x768xf32, #tpu.memory_space<vmem>>, vector<1x16xf32>,
        %swap3A_552 = vector.shape_cast %swap3A_551 : vector<1x16xf32> to vector<16xf32>
        %swap3A_553 = vector.shape_cast %get3A_548 : vector<16xf32> to vector<1x16xf32>
        tpu.vector_store %arg10[%swap3A_549, %swap3A_550], %swap3A_553 {add = true, strides = array<i32>} : memref<32x768xf32, #tpu.memory_space<vmem>>, vector<1x16xf32>,
        %get3A_554 = arith.index_cast %scan3A_276 : i32 to index
        %get3A_555 = arith.constant 496 : index
        %get3A_556 = tpu.vector_load %arg8[%get3A_554, %get3A_555] {strides = array<i32>} : memref<32x768xf32, #tpu.memory_space<vmem>>, vector<1x16xf32>,
        %get3A_557 = vector.shape_cast %get3A_556 : vector<1x16xf32> to vector<16xf32>
        %swap3A_558 = arith.index_cast %scan3A_276 : i32 to index
        %swap3A_559 = arith.constant 496 : index
        %swap3A_560 = tpu.vector_load %arg10[%swap3A_558, %swap3A_559] {strides = array<i32>} : memref<32x768xf32, #tpu.memory_space<vmem>>, vector<1x16xf32>,
        %swap3A_561 = vector.shape_cast %swap3A_560 : vector<1x16xf32> to vector<16xf32>
        %swap3A_562 = vector.shape_cast %get3A_557 : vector<16xf32> to vector<1x16xf32>
        tpu.vector_store %arg10[%swap3A_558, %swap3A_559], %swap3A_562 {add = true, strides = array<i32>} : memref<32x768xf32, #tpu.memory_space<vmem>>, vector<1x16xf32>,
        %get3A_563 = arith.index_cast %scan3A_276 : i32 to index
        %get3A_564 = arith.constant 512 : index
        %get3A_565 = tpu.vector_load %arg8[%get3A_563, %get3A_564] {strides = array<i32>} : memref<32x768xf32, #tpu.memory_space<vmem>>, vector<1x16xf32>,
        %get3A_566 = vector.shape_cast %get3A_565 : vector<1x16xf32> to vector<16xf32>
        %swap3A_567 = arith.index_cast %scan3A_276 : i32 to index
        %swap3A_568 = arith.constant 512 : index
        %swap3A_569 = tpu.vector_load %arg10[%swap3A_567, %swap3A_568] {strides = array<i32>} : memref<32x768xf32, #tpu.memory_space<vmem>>, vector<1x16xf32>,
        %swap3A_570 = vector.shape_cast %swap3A_569 : vector<1x16xf32> to vector<16xf32>
        %swap3A_571 = vector.shape_cast %get3A_566 : vector<16xf32> to vector<1x16xf32>
        tpu.vector_store %arg10[%swap3A_567, %swap3A_568], %swap3A_571 {add = true, strides = array<i32>} : memref<32x768xf32, #tpu.memory_space<vmem>>, vector<1x16xf32>,
        %get3A_572 = arith.index_cast %scan3A_276 : i32 to index
        %get3A_573 = arith.constant 528 : index
        %get3A_574 = tpu.vector_load %arg8[%get3A_572, %get3A_573] {strides = array<i32>} : memref<32x768xf32, #tpu.memory_space<vmem>>, vector<1x16xf32>,
        %get3A_575 = vector.shape_cast %get3A_574 : vector<1x16xf32> to vector<16xf32>
        %swap3A_576 = arith.index_cast %scan3A_276 : i32 to index
        %swap3A_577 = arith.constant 528 : index
        %swap3A_578 = tpu.vector_load %arg10[%swap3A_576, %swap3A_577] {strides = array<i32>} : memref<32x768xf32, #tpu.memory_space<vmem>>, vector<1x16xf32>,
        %swap3A_579 = vector.shape_cast %swap3A_578 : vector<1x16xf32> to vector<16xf32>
        %swap3A_580 = vector.shape_cast %get3A_575 : vector<16xf32> to vector<1x16xf32>
        tpu.vector_store %arg10[%swap3A_576, %swap3A_577], %swap3A_580 {add = true, strides = array<i32>} : memref<32x768xf32, #tpu.memory_space<vmem>>, vector<1x16xf32>,
        %get3A_581 = arith.index_cast %scan3A_276 : i32 to index
        %get3A_582 = arith.constant 544 : index
        %get3A_583 = tpu.vector_load %arg8[%get3A_581, %get3A_582] {strides = array<i32>} : memref<32x768xf32, #tpu.memory_space<vmem>>, vector<1x16xf32>,
        %get3A_584 = vector.shape_cast %get3A_583 : vector<1x16xf32> to vector<16xf32>
        %swap3A_585 = arith.index_cast %scan3A_276 : i32 to index
        %swap3A_586 = arith.constant 544 : index
        %swap3A_587 = tpu.vector_load %arg10[%swap3A_585, %swap3A_586] {strides = array<i32>} : memref<32x768xf32, #tpu.memory_space<vmem>>, vector<1x16xf32>,
        %swap3A_588 = vector.shape_cast %swap3A_587 : vector<1x16xf32> to vector<16xf32>
        %swap3A_589 = vector.shape_cast %get3A_584 : vector<16xf32> to vector<1x16xf32>
        tpu.vector_store %arg10[%swap3A_585, %swap3A_586], %swap3A_589 {add = true, strides = array<i32>} : memref<32x768xf32, #tpu.memory_space<vmem>>, vector<1x16xf32>,
        %get3A_590 = arith.index_cast %scan3A_276 : i32 to index
        %get3A_591 = arith.constant 560 : index
        %get3A_592 = tpu.vector_load %arg8[%get3A_590, %get3A_591] {strides = array<i32>} : memref<32x768xf32, #tpu.memory_space<vmem>>, vector<1x16xf32>,
        %get3A_593 = vector.shape_cast %get3A_592 : vector<1x16xf32> to vector<16xf32>
        %swap3A_594 = arith.index_cast %scan3A_276 : i32 to index
        %swap3A_595 = arith.constant 560 : index
        %swap3A_596 = tpu.vector_load %arg10[%swap3A_594, %swap3A_595] {strides = array<i32>} : memref<32x768xf32, #tpu.memory_space<vmem>>, vector<1x16xf32>,
        %swap3A_597 = vector.shape_cast %swap3A_596 : vector<1x16xf32> to vector<16xf32>
        %swap3A_598 = vector.shape_cast %get3A_593 : vector<16xf32> to vector<1x16xf32>
        tpu.vector_store %arg10[%swap3A_594, %swap3A_595], %swap3A_598 {add = true, strides = array<i32>} : memref<32x768xf32, #tpu.memory_space<vmem>>, vector<1x16xf32>,
        %get3A_599 = arith.index_cast %scan3A_276 : i32 to index
        %get3A_600 = arith.constant 576 : index
        %get3A_601 = tpu.vector_load %arg8[%get3A_599, %get3A_600] {strides = array<i32>} : memref<32x768xf32, #tpu.memory_space<vmem>>, vector<1x16xf32>,
        %get3A_602 = vector.shape_cast %get3A_601 : vector<1x16xf32> to vector<16xf32>
        %swap3A_603 = arith.index_cast %scan3A_276 : i32 to index
        %swap3A_604 = arith.constant 576 : index
        %swap3A_605 = tpu.vector_load %arg10[%swap3A_603, %swap3A_604] {strides = array<i32>} : memref<32x768xf32, #tpu.memory_space<vmem>>, vector<1x16xf32>,
        %swap3A_606 = vector.shape_cast %swap3A_605 : vector<1x16xf32> to vector<16xf32>
        %swap3A_607 = vector.shape_cast %get3A_602 : vector<16xf32> to vector<1x16xf32>
        tpu.vector_store %arg10[%swap3A_603, %swap3A_604], %swap3A_607 {add = true, strides = array<i32>} : memref<32x768xf32, #tpu.memory_space<vmem>>, vector<1x16xf32>,
        %get3A_608 = arith.index_cast %scan3A_276 : i32 to index
        %get3A_609 = arith.constant 592 : index
        %get3A_610 = tpu.vector_load %arg8[%get3A_608, %get3A_609] {strides = array<i32>} : memref<32x768xf32, #tpu.memory_space<vmem>>, vector<1x16xf32>,
        %get3A_611 = vector.shape_cast %get3A_610 : vector<1x16xf32> to vector<16xf32>
        %swap3A_612 = arith.index_cast %scan3A_276 : i32 to index
        %swap3A_613 = arith.constant 592 : index
        %swap3A_614 = tpu.vector_load %arg10[%swap3A_612, %swap3A_613] {strides = array<i32>} : memref<32x768xf32, #tpu.memory_space<vmem>>, vector<1x16xf32>,
        %swap3A_615 = vector.shape_cast %swap3A_614 : vector<1x16xf32> to vector<16xf32>
        %swap3A_616 = vector.shape_cast %get3A_611 : vector<16xf32> to vector<1x16xf32>
        tpu.vector_store %arg10[%swap3A_612, %swap3A_613], %swap3A_616 {add = true, strides = array<i32>} : memref<32x768xf32, #tpu.memory_space<vmem>>, vector<1x16xf32>,
        %get3A_617 = arith.index_cast %scan3A_276 : i32 to index
        %get3A_618 = arith.constant 608 : index
        %get3A_619 = tpu.vector_load %arg8[%get3A_617, %get3A_618] {strides = array<i32>} : memref<32x768xf32, #tpu.memory_space<vmem>>, vector<1x16xf32>,
        %get3A_620 = vector.shape_cast %get3A_619 : vector<1x16xf32> to vector<16xf32>
        %swap3A_621 = arith.index_cast %scan3A_276 : i32 to index
        %swap3A_622 = arith.constant 608 : index
        %swap3A_623 = tpu.vector_load %arg10[%swap3A_621, %swap3A_622] {strides = array<i32>} : memref<32x768xf32, #tpu.memory_space<vmem>>, vector<1x16xf32>,
        %swap3A_624 = vector.shape_cast %swap3A_623 : vector<1x16xf32> to vector<16xf32>
        %swap3A_625 = vector.shape_cast %get3A_620 : vector<16xf32> to vector<1x16xf32>
        tpu.vector_store %arg10[%swap3A_621, %swap3A_622], %swap3A_625 {add = true, strides = array<i32>} : memref<32x768xf32, #tpu.memory_space<vmem>>, vector<1x16xf32>,
        %get3A_626 = arith.index_cast %scan3A_276 : i32 to index
        %get3A_627 = arith.constant 624 : index
        %get3A_628 = tpu.vector_load %arg8[%get3A_626, %get3A_627] {strides = array<i32>} : memref<32x768xf32, #tpu.memory_space<vmem>>, vector<1x16xf32>,
        %get3A_629 = vector.shape_cast %get3A_628 : vector<1x16xf32> to vector<16xf32>
        %swap3A_630 = arith.index_cast %scan3A_276 : i32 to index
        %swap3A_631 = arith.constant 624 : index
        %swap3A_632 = tpu.vector_load %arg10[%swap3A_630, %swap3A_631] {strides = array<i32>} : memref<32x768xf32, #tpu.memory_space<vmem>>, vector<1x16xf32>,
        %swap3A_633 = vector.shape_cast %swap3A_632 : vector<1x16xf32> to vector<16xf32>
        %swap3A_634 = vector.shape_cast %get3A_629 : vector<16xf32> to vector<1x16xf32>
        tpu.vector_store %arg10[%swap3A_630, %swap3A_631], %swap3A_634 {add = true, strides = array<i32>} : memref<32x768xf32, #tpu.memory_space<vmem>>, vector<1x16xf32>,
        %get3A_635 = arith.index_cast %scan3A_276 : i32 to index
        %get3A_636 = arith.constant 640 : index
        %get3A_637 = tpu.vector_load %arg8[%get3A_635, %get3A_636] {strides = array<i32>} : memref<32x768xf32, #tpu.memory_space<vmem>>, vector<1x16xf32>,
        %get3A_638 = vector.shape_cast %get3A_637 : vector<1x16xf32> to vector<16xf32>
        %swap3A_639 = arith.index_cast %scan3A_276 : i32 to index
        %swap3A_640 = arith.constant 640 : index
        %swap3A_641 = tpu.vector_load %arg10[%swap3A_639, %swap3A_640] {strides = array<i32>} : memref<32x768xf32, #tpu.memory_space<vmem>>, vector<1x16xf32>,
        %swap3A_642 = vector.shape_cast %swap3A_641 : vector<1x16xf32> to vector<16xf32>
        %swap3A_643 = vector.shape_cast %get3A_638 : vector<16xf32> to vector<1x16xf32>
        tpu.vector_store %arg10[%swap3A_639, %swap3A_640], %swap3A_643 {add = true, strides = array<i32>} : memref<32x768xf32, #tpu.memory_space<vmem>>, vector<1x16xf32>,
        %get3A_644 = arith.index_cast %scan3A_276 : i32 to index
        %get3A_645 = arith.constant 656 : index
        %get3A_646 = tpu.vector_load %arg8[%get3A_644, %get3A_645] {strides = array<i32>} : memref<32x768xf32, #tpu.memory_space<vmem>>, vector<1x16xf32>,
        %get3A_647 = vector.shape_cast %get3A_646 : vector<1x16xf32> to vector<16xf32>
        %swap3A_648 = arith.index_cast %scan3A_276 : i32 to index
        %swap3A_649 = arith.constant 656 : index
        %swap3A_650 = tpu.vector_load %arg10[%swap3A_648, %swap3A_649] {strides = array<i32>} : memref<32x768xf32, #tpu.memory_space<vmem>>, vector<1x16xf32>,
        %swap3A_651 = vector.shape_cast %swap3A_650 : vector<1x16xf32> to vector<16xf32>
        %swap3A_652 = vector.shape_cast %get3A_647 : vector<16xf32> to vector<1x16xf32>
        tpu.vector_store %arg10[%swap3A_648, %swap3A_649], %swap3A_652 {add = true, strides = array<i32>} : memref<32x768xf32, #tpu.memory_space<vmem>>, vector<1x16xf32>,
        %get3A_653 = arith.index_cast %scan3A_276 : i32 to index
        %get3A_654 = arith.constant 672 : index
        %get3A_655 = tpu.vector_load %arg8[%get3A_653, %get3A_654] {strides = array<i32>} : memref<32x768xf32, #tpu.memory_space<vmem>>, vector<1x16xf32>,
        %get3A_656 = vector.shape_cast %get3A_655 : vector<1x16xf32> to vector<16xf32>
        %swap3A_657 = arith.index_cast %scan3A_276 : i32 to index
        %swap3A_658 = arith.constant 672 : index
        %swap3A_659 = tpu.vector_load %arg10[%swap3A_657, %swap3A_658] {strides = array<i32>} : memref<32x768xf32, #tpu.memory_space<vmem>>, vector<1x16xf32>,
        %swap3A_660 = vector.shape_cast %swap3A_659 : vector<1x16xf32> to vector<16xf32>
        %swap3A_661 = vector.shape_cast %get3A_656 : vector<16xf32> to vector<1x16xf32>
        tpu.vector_store %arg10[%swap3A_657, %swap3A_658], %swap3A_661 {add = true, strides = array<i32>} : memref<32x768xf32, #tpu.memory_space<vmem>>, vector<1x16xf32>,
        %get3A_662 = arith.index_cast %scan3A_276 : i32 to index
        %get3A_663 = arith.constant 688 : index
        %get3A_664 = tpu.vector_load %arg8[%get3A_662, %get3A_663] {strides = array<i32>} : memref<32x768xf32, #tpu.memory_space<vmem>>, vector<1x16xf32>,
        %get3A_665 = vector.shape_cast %get3A_664 : vector<1x16xf32> to vector<16xf32>
        %swap3A_666 = arith.index_cast %scan3A_276 : i32 to index
        %swap3A_667 = arith.constant 688 : index
        %swap3A_668 = tpu.vector_load %arg10[%swap3A_666, %swap3A_667] {strides = array<i32>} : memref<32x768xf32, #tpu.memory_space<vmem>>, vector<1x16xf32>,
        %swap3A_669 = vector.shape_cast %swap3A_668 : vector<1x16xf32> to vector<16xf32>
        %swap3A_670 = vector.shape_cast %get3A_665 : vector<16xf32> to vector<1x16xf32>
        tpu.vector_store %arg10[%swap3A_666, %swap3A_667], %swap3A_670 {add = true, strides = array<i32>} : memref<32x768xf32, #tpu.memory_space<vmem>>, vector<1x16xf32>,
        %get3A_671 = arith.index_cast %scan3A_276 : i32 to index
        %get3A_672 = arith.constant 704 : index
        %get3A_673 = tpu.vector_load %arg8[%get3A_671, %get3A_672] {strides = array<i32>} : memref<32x768xf32, #tpu.memory_space<vmem>>, vector<1x16xf32>,
        %get3A_674 = vector.shape_cast %get3A_673 : vector<1x16xf32> to vector<16xf32>
        %swap3A_675 = arith.index_cast %scan3A_276 : i32 to index
        %swap3A_676 = arith.constant 704 : index
        %swap3A_677 = tpu.vector_load %arg10[%swap3A_675, %swap3A_676] {strides = array<i32>} : memref<32x768xf32, #tpu.memory_space<vmem>>, vector<1x16xf32>,
        %swap3A_678 = vector.shape_cast %swap3A_677 : vector<1x16xf32> to vector<16xf32>
        %swap3A_679 = vector.shape_cast %get3A_674 : vector<16xf32> to vector<1x16xf32>
        tpu.vector_store %arg10[%swap3A_675, %swap3A_676], %swap3A_679 {add = true, strides = array<i32>} : memref<32x768xf32, #tpu.memory_space<vmem>>, vector<1x16xf32>,
        %get3A_680 = arith.index_cast %scan3A_276 : i32 to index
        %get3A_681 = arith.constant 720 : index
        %get3A_682 = tpu.vector_load %arg8[%get3A_680, %get3A_681] {strides = array<i32>} : memref<32x768xf32, #tpu.memory_space<vmem>>, vector<1x16xf32>,
        %get3A_683 = vector.shape_cast %get3A_682 : vector<1x16xf32> to vector<16xf32>
        %swap3A_684 = arith.index_cast %scan3A_276 : i32 to index
        %swap3A_685 = arith.constant 720 : index
        %swap3A_686 = tpu.vector_load %arg10[%swap3A_684, %swap3A_685] {strides = array<i32>} : memref<32x768xf32, #tpu.memory_space<vmem>>, vector<1x16xf32>,
        %swap3A_687 = vector.shape_cast %swap3A_686 : vector<1x16xf32> to vector<16xf32>
        %swap3A_688 = vector.shape_cast %get3A_683 : vector<16xf32> to vector<1x16xf32>
        tpu.vector_store %arg10[%swap3A_684, %swap3A_685], %swap3A_688 {add = true, strides = array<i32>} : memref<32x768xf32, #tpu.memory_space<vmem>>, vector<1x16xf32>,
        %get3A_689 = arith.index_cast %scan3A_276 : i32 to index
        %get3A_690 = arith.constant 736 : index
        %get3A_691 = tpu.vector_load %arg8[%get3A_689, %get3A_690] {strides = array<i32>} : memref<32x768xf32, #tpu.memory_space<vmem>>, vector<1x16xf32>,
        %get3A_692 = vector.shape_cast %get3A_691 : vector<1x16xf32> to vector<16xf32>
        %swap3A_693 = arith.index_cast %scan3A_276 : i32 to index
        %swap3A_694 = arith.constant 736 : index
        %swap3A_695 = tpu.vector_load %arg10[%swap3A_693, %swap3A_694] {strides = array<i32>} : memref<32x768xf32, #tpu.memory_space<vmem>>, vector<1x16xf32>,
        %swap3A_696 = vector.shape_cast %swap3A_695 : vector<1x16xf32> to vector<16xf32>
        %swap3A_697 = vector.shape_cast %get3A_692 : vector<16xf32> to vector<1x16xf32>
        tpu.vector_store %arg10[%swap3A_693, %swap3A_694], %swap3A_697 {add = true, strides = array<i32>} : memref<32x768xf32, #tpu.memory_space<vmem>>, vector<1x16xf32>,
        %get3A_698 = arith.index_cast %scan3A_276 : i32 to index
        %get3A_699 = arith.constant 752 : index
        %get3A_700 = tpu.vector_load %arg8[%get3A_698, %get3A_699] {strides = array<i32>} : memref<32x768xf32, #tpu.memory_space<vmem>>, vector<1x16xf32>,
        %get3A_701 = vector.shape_cast %get3A_700 : vector<1x16xf32> to vector<16xf32>
        %swap3A_702 = arith.index_cast %scan3A_276 : i32 to index
        %swap3A_703 = arith.constant 752 : index
        %swap3A_704 = tpu.vector_load %arg10[%swap3A_702, %swap3A_703] {strides = array<i32>} : memref<32x768xf32, #tpu.memory_space<vmem>>, vector<1x16xf32>,
        %swap3A_705 = vector.shape_cast %swap3A_704 : vector<1x16xf32> to vector<16xf32>
        %swap3A_706 = vector.shape_cast %get3A_701 : vector<16xf32> to vector<1x16xf32>
        tpu.vector_store %arg10[%swap3A_702, %swap3A_703], %swap3A_706 {add = true, strides = array<i32>} : memref<32x768xf32, #tpu.memory_space<vmem>>, vector<1x16xf32>,
        %scan3A_707 = arith.constant 1 : i32
        %scan3A_708 = arith.addi %scan3A_276, %scan3A_707 : i32
        %get3A_709 = arith.index_cast %scan3A_708 : i32 to index
        %get3A_710 = arith.constant 0 : index
        %get3A_711 = tpu.vector_load %arg8[%get3A_709, %get3A_710] {strides = array<i32>} : memref<32x768xf32, #tpu.memory_space<vmem>>, vector<1x16xf32>,
        %get3A_712 = vector.shape_cast %get3A_711 : vector<1x16xf32> to vector<16xf32>
        %swap3A_713 = arith.index_cast %scan3A_708 : i32 to index
        %swap3A_714 = arith.constant 0 : index
        %swap3A_715 = tpu.vector_load %arg10[%swap3A_713, %swap3A_714] {strides = array<i32>} : memref<32x768xf32, #tpu.memory_space<vmem>>, vector<1x16xf32>,
        %swap3A_716 = vector.shape_cast %swap3A_715 : vector<1x16xf32> to vector<16xf32>
        %swap3A_717 = vector.shape_cast %get3A_712 : vector<16xf32> to vector<1x16xf32>
        tpu.vector_store %arg10[%swap3A_713, %swap3A_714], %swap3A_717 {add = true, strides = array<i32>} : memref<32x768xf32, #tpu.memory_space<vmem>>, vector<1x16xf32>,
        %get3A_718 = arith.index_cast %scan3A_708 : i32 to index
        %get3A_719 = arith.constant 16 : index
        %get3A_720 = tpu.vector_load %arg8[%get3A_718, %get3A_719] {strides = array<i32>} : memref<32x768xf32, #tpu.memory_space<vmem>>, vector<1x16xf32>,
        %get3A_721 = vector.shape_cast %get3A_720 : vector<1x16xf32> to vector<16xf32>
        %swap3A_722 = arith.index_cast %scan3A_708 : i32 to index
        %swap3A_723 = arith.constant 16 : index
        %swap3A_724 = tpu.vector_load %arg10[%swap3A_722, %swap3A_723] {strides = array<i32>} : memref<32x768xf32, #tpu.memory_space<vmem>>, vector<1x16xf32>,
        %swap3A_725 = vector.shape_cast %swap3A_724 : vector<1x16xf32> to vector<16xf32>
        %swap3A_726 = vector.shape_cast %get3A_721 : vector<16xf32> to vector<1x16xf32>
        tpu.vector_store %arg10[%swap3A_722, %swap3A_723], %swap3A_726 {add = true, strides = array<i32>} : memref<32x768xf32, #tpu.memory_space<vmem>>, vector<1x16xf32>,
        %get3A_727 = arith.index_cast %scan3A_708 : i32 to index
        %get3A_728 = arith.constant 32 : index
        %get3A_729 = tpu.vector_load %arg8[%get3A_727, %get3A_728] {strides = array<i32>} : memref<32x768xf32, #tpu.memory_space<vmem>>, vector<1x16xf32>,
        %get3A_730 = vector.shape_cast %get3A_729 : vector<1x16xf32> to vector<16xf32>
        %swap3A_731 = arith.index_cast %scan3A_708 : i32 to index
        %swap3A_732 = arith.constant 32 : index
        %swap3A_733 = tpu.vector_load %arg10[%swap3A_731, %swap3A_732] {strides = array<i32>} : memref<32x768xf32, #tpu.memory_space<vmem>>, vector<1x16xf32>,
        %swap3A_734 = vector.shape_cast %swap3A_733 : vector<1x16xf32> to vector<16xf32>
        %swap3A_735 = vector.shape_cast %get3A_730 : vector<16xf32> to vector<1x16xf32>
        tpu.vector_store %arg10[%swap3A_731, %swap3A_732], %swap3A_735 {add = true, strides = array<i32>} : memref<32x768xf32, #tpu.memory_space<vmem>>, vector<1x16xf32>,
        %get3A_736 = arith.index_cast %scan3A_708 : i32 to index
        %get3A_737 = arith.constant 48 : index
        %get3A_738 = tpu.vector_load %arg8[%get3A_736, %get3A_737] {strides = array<i32>} : memref<32x768xf32, #tpu.memory_space<vmem>>, vector<1x16xf32>,
        %get3A_739 = vector.shape_cast %get3A_738 : vector<1x16xf32> to vector<16xf32>
        %swap3A_740 = arith.index_cast %scan3A_708 : i32 to index
        %swap3A_741 = arith.constant 48 : index
        %swap3A_742 = tpu.vector_load %arg10[%swap3A_740, %swap3A_741] {strides = array<i32>} : memref<32x768xf32, #tpu.memory_space<vmem>>, vector<1x16xf32>,
        %swap3A_743 = vector.shape_cast %swap3A_742 : vector<1x16xf32> to vector<16xf32>
        %swap3A_744 = vector.shape_cast %get3A_739 : vector<16xf32> to vector<1x16xf32>
        tpu.vector_store %arg10[%swap3A_740, %swap3A_741], %swap3A_744 {add = true, strides = array<i32>} : memref<32x768xf32, #tpu.memory_space<vmem>>, vector<1x16xf32>,
        %get3A_745 = arith.index_cast %scan3A_708 : i32 to index
        %get3A_746 = arith.constant 64 : index
        %get3A_747 = tpu.vector_load %arg8[%get3A_745, %get3A_746] {strides = array<i32>} : memref<32x768xf32, #tpu.memory_space<vmem>>, vector<1x16xf32>,
        %get3A_748 = vector.shape_cast %get3A_747 : vector<1x16xf32> to vector<16xf32>
        %swap3A_749 = arith.index_cast %scan3A_708 : i32 to index
        %swap3A_750 = arith.constant 64 : index
        %swap3A_751 = tpu.vector_load %arg10[%swap3A_749, %swap3A_750] {strides = array<i32>} : memref<32x768xf32, #tpu.memory_space<vmem>>, vector<1x16xf32>,
        %swap3A_752 = vector.shape_cast %swap3A_751 : vector<1x16xf32> to vector<16xf32>
        %swap3A_753 = vector.shape_cast %get3A_748 : vector<16xf32> to vector<1x16xf32>
        tpu.vector_store %arg10[%swap3A_749, %swap3A_750], %swap3A_753 {add = true, strides = array<i32>} : memref<32x768xf32, #tpu.memory_space<vmem>>, vector<1x16xf32>,
        %get3A_754 = arith.index_cast %scan3A_708 : i32 to index
        %get3A_755 = arith.constant 80 : index
        %get3A_756 = tpu.vector_load %arg8[%get3A_754, %get3A_755] {strides = array<i32>} : memref<32x768xf32, #tpu.memory_space<vmem>>, vector<1x16xf32>,
        %get3A_757 = vector.shape_cast %get3A_756 : vector<1x16xf32> to vector<16xf32>
        %swap3A_758 = arith.index_cast %scan3A_708 : i32 to index
        %swap3A_759 = arith.constant 80 : index
        %swap3A_760 = tpu.vector_load %arg10[%swap3A_758, %swap3A_759] {strides = array<i32>} : memref<32x768xf32, #tpu.memory_space<vmem>>, vector<1x16xf32>,
        %swap3A_761 = vector.shape_cast %swap3A_760 : vector<1x16xf32> to vector<16xf32>
        %swap3A_762 = vector.shape_cast %get3A_757 : vector<16xf32> to vector<1x16xf32>
        tpu.vector_store %arg10[%swap3A_758, %swap3A_759], %swap3A_762 {add = true, strides = array<i32>} : memref<32x768xf32, #tpu.memory_space<vmem>>, vector<1x16xf32>,
        %get3A_763 = arith.index_cast %scan3A_708 : i32 to index
        %get3A_764 = arith.constant 96 : index
        %get3A_765 = tpu.vector_load %arg8[%get3A_763, %get3A_764] {strides = array<i32>} : memref<32x768xf32, #tpu.memory_space<vmem>>, vector<1x16xf32>,
        %get3A_766 = vector.shape_cast %get3A_765 : vector<1x16xf32> to vector<16xf32>
        %swap3A_767 = arith.index_cast %scan3A_708 : i32 to index
        %swap3A_768 = arith.constant 96 : index
        %swap3A_769 = tpu.vector_load %arg10[%swap3A_767, %swap3A_768] {strides = array<i32>} : memref<32x768xf32, #tpu.memory_space<vmem>>, vector<1x16xf32>,
        %swap3A_770 = vector.shape_cast %swap3A_769 : vector<1x16xf32> to vector<16xf32>
        %swap3A_771 = vector.shape_cast %get3A_766 : vector<16xf32> to vector<1x16xf32>
        tpu.vector_store %arg10[%swap3A_767, %swap3A_768], %swap3A_771 {add = true, strides = array<i32>} : memref<32x768xf32, #tpu.memory_space<vmem>>, vector<1x16xf32>,
        %get3A_772 = arith.index_cast %scan3A_708 : i32 to index
        %get3A_773 = arith.constant 112 : index
        %get3A_774 = tpu.vector_load %arg8[%get3A_772, %get3A_773] {strides = array<i32>} : memref<32x768xf32, #tpu.memory_space<vmem>>, vector<1x16xf32>,
        %get3A_775 = vector.shape_cast %get3A_774 : vector<1x16xf32> to vector<16xf32>
        %swap3A_776 = arith.index_cast %scan3A_708 : i32 to index
        %swap3A_777 = arith.constant 112 : index
        %swap3A_778 = tpu.vector_load %arg10[%swap3A_776, %swap3A_777] {strides = array<i32>} : memref<32x768xf32, #tpu.memory_space<vmem>>, vector<1x16xf32>,
        %swap3A_779 = vector.shape_cast %swap3A_778 : vector<1x16xf32> to vector<16xf32>
        %swap3A_780 = vector.shape_cast %get3A_775 : vector<16xf32> to vector<1x16xf32>
        tpu.vector_store %arg10[%swap3A_776, %swap3A_777], %swap3A_780 {add = true, strides = array<i32>} : memref<32x768xf32, #tpu.memory_space<vmem>>, vector<1x16xf32>,
        %get3A_781 = arith.index_cast %scan3A_708 : i32 to index
        %get3A_782 = arith.constant 128 : index
        %get3A_783 = tpu.vector_load %arg8[%get3A_781, %get3A_782] {strides = array<i32>} : memref<32x768xf32, #tpu.memory_space<vmem>>, vector<1x16xf32>,
        %get3A_784 = vector.shape_cast %get3A_783 : vector<1x16xf32> to vector<16xf32>
        %swap3A_785 = arith.index_cast %scan3A_708 : i32 to index
        %swap3A_786 = arith.constant 128 : index
        %swap3A_787 = tpu.vector_load %arg10[%swap3A_785, %swap3A_786] {strides = array<i32>} : memref<32x768xf32, #tpu.memory_space<vmem>>, vector<1x16xf32>,
        %swap3A_788 = vector.shape_cast %swap3A_787 : vector<1x16xf32> to vector<16xf32>
        %swap3A_789 = vector.shape_cast %get3A_784 : vector<16xf32> to vector<1x16xf32>
        tpu.vector_store %arg10[%swap3A_785, %swap3A_786], %swap3A_789 {add = true, strides = array<i32>} : memref<32x768xf32, #tpu.memory_space<vmem>>, vector<1x16xf32>,
        %get3A_790 = arith.index_cast %scan3A_708 : i32 to index
        %get3A_791 = arith.constant 144 : index
        %get3A_792 = tpu.vector_load %arg8[%get3A_790, %get3A_791] {strides = array<i32>} : memref<32x768xf32, #tpu.memory_space<vmem>>, vector<1x16xf32>,
        %get3A_793 = vector.shape_cast %get3A_792 : vector<1x16xf32> to vector<16xf32>
        %swap3A_794 = arith.index_cast %scan3A_708 : i32 to index
        %swap3A_795 = arith.constant 144 : index
        %swap3A_796 = tpu.vector_load %arg10[%swap3A_794, %swap3A_795] {strides = array<i32>} : memref<32x768xf32, #tpu.memory_space<vmem>>, vector<1x16xf32>,
        %swap3A_797 = vector.shape_cast %swap3A_796 : vector<1x16xf32> to vector<16xf32>
        %swap3A_798 = vector.shape_cast %get3A_793 : vector<16xf32> to vector<1x16xf32>
        tpu.vector_store %arg10[%swap3A_794, %swap3A_795], %swap3A_798 {add = true, strides = array<i32>} : memref<32x768xf32, #tpu.memory_space<vmem>>, vector<1x16xf32>,
        %get3A_799 = arith.index_cast %scan3A_708 : i32 to index
        %get3A_800 = arith.constant 160 : index
        %get3A_801 = tpu.vector_load %arg8[%get3A_799, %get3A_800] {strides = array<i32>} : memref<32x768xf32, #tpu.memory_space<vmem>>, vector<1x16xf32>,
        %get3A_802 = vector.shape_cast %get3A_801 : vector<1x16xf32> to vector<16xf32>
        %swap3A_803 = arith.index_cast %scan3A_708 : i32 to index
        %swap3A_804 = arith.constant 160 : index
        %swap3A_805 = tpu.vector_load %arg10[%swap3A_803, %swap3A_804] {strides = array<i32>} : memref<32x768xf32, #tpu.memory_space<vmem>>, vector<1x16xf32>,
        %swap3A_806 = vector.shape_cast %swap3A_805 : vector<1x16xf32> to vector<16xf32>
        %swap3A_807 = vector.shape_cast %get3A_802 : vector<16xf32> to vector<1x16xf32>
        tpu.vector_store %arg10[%swap3A_803, %swap3A_804], %swap3A_807 {add = true, strides = array<i32>} : memref<32x768xf32, #tpu.memory_space<vmem>>, vector<1x16xf32>,
        %get3A_808 = arith.index_cast %scan3A_708 : i32 to index
        %get3A_809 = arith.constant 176 : index
        %get3A_810 = tpu.vector_load %arg8[%get3A_808, %get3A_809] {strides = array<i32>} : memref<32x768xf32, #tpu.memory_space<vmem>>, vector<1x16xf32>,
        %get3A_811 = vector.shape_cast %get3A_810 : vector<1x16xf32> to vector<16xf32>
        %swap3A_812 = arith.index_cast %scan3A_708 : i32 to index
        %swap3A_813 = arith.constant 176 : index
        %swap3A_814 = tpu.vector_load %arg10[%swap3A_812, %swap3A_813] {strides = array<i32>} : memref<32x768xf32, #tpu.memory_space<vmem>>, vector<1x16xf32>,
        %swap3A_815 = vector.shape_cast %swap3A_814 : vector<1x16xf32> to vector<16xf32>
        %swap3A_816 = vector.shape_cast %get3A_811 : vector<16xf32> to vector<1x16xf32>
        tpu.vector_store %arg10[%swap3A_812, %swap3A_813], %swap3A_816 {add = true, strides = array<i32>} : memref<32x768xf32, #tpu.memory_space<vmem>>, vector<1x16xf32>,
        %get3A_817 = arith.index_cast %scan3A_708 : i32 to index
        %get3A_818 = arith.constant 192 : index
        %get3A_819 = tpu.vector_load %arg8[%get3A_817, %get3A_818] {strides = array<i32>} : memref<32x768xf32, #tpu.memory_space<vmem>>, vector<1x16xf32>,
        %get3A_820 = vector.shape_cast %get3A_819 : vector<1x16xf32> to vector<16xf32>
        %swap3A_821 = arith.index_cast %scan3A_708 : i32 to index
        %swap3A_822 = arith.constant 192 : index
        %swap3A_823 = tpu.vector_load %arg10[%swap3A_821, %swap3A_822] {strides = array<i32>} : memref<32x768xf32, #tpu.memory_space<vmem>>, vector<1x16xf32>,
        %swap3A_824 = vector.shape_cast %swap3A_823 : vector<1x16xf32> to vector<16xf32>
        %swap3A_825 = vector.shape_cast %get3A_820 : vector<16xf32> to vector<1x16xf32>
        tpu.vector_store %arg10[%swap3A_821, %swap3A_822], %swap3A_825 {add = true, strides = array<i32>} : memref<32x768xf32, #tpu.memory_space<vmem>>, vector<1x16xf32>,
        %get3A_826 = arith.index_cast %scan3A_708 : i32 to index
        %get3A_827 = arith.constant 208 : index
        %get3A_828 = tpu.vector_load %arg8[%get3A_826, %get3A_827] {strides = array<i32>} : memref<32x768xf32, #tpu.memory_space<vmem>>, vector<1x16xf32>,
        %get3A_829 = vector.shape_cast %get3A_828 : vector<1x16xf32> to vector<16xf32>
        %swap3A_830 = arith.index_cast %scan3A_708 : i32 to index
        %swap3A_831 = arith.constant 208 : index
        %swap3A_832 = tpu.vector_load %arg10[%swap3A_830, %swap3A_831] {strides = array<i32>} : memref<32x768xf32, #tpu.memory_space<vmem>>, vector<1x16xf32>,
        %swap3A_833 = vector.shape_cast %swap3A_832 : vector<1x16xf32> to vector<16xf32>
        %swap3A_834 = vector.shape_cast %get3A_829 : vector<16xf32> to vector<1x16xf32>
        tpu.vector_store %arg10[%swap3A_830, %swap3A_831], %swap3A_834 {add = true, strides = array<i32>} : memref<32x768xf32, #tpu.memory_space<vmem>>, vector<1x16xf32>,
        %get3A_835 = arith.index_cast %scan3A_708 : i32 to index
        %get3A_836 = arith.constant 224 : index
        %get3A_837 = tpu.vector_load %arg8[%get3A_835, %get3A_836] {strides = array<i32>} : memref<32x768xf32, #tpu.memory_space<vmem>>, vector<1x16xf32>,
        %get3A_838 = vector.shape_cast %get3A_837 : vector<1x16xf32> to vector<16xf32>
        %swap3A_839 = arith.index_cast %scan3A_708 : i32 to index
        %swap3A_840 = arith.constant 224 : index
        %swap3A_841 = tpu.vector_load %arg10[%swap3A_839, %swap3A_840] {strides = array<i32>} : memref<32x768xf32, #tpu.memory_space<vmem>>, vector<1x16xf32>,
        %swap3A_842 = vector.shape_cast %swap3A_841 : vector<1x16xf32> to vector<16xf32>
        %swap3A_843 = vector.shape_cast %get3A_838 : vector<16xf32> to vector<1x16xf32>
        tpu.vector_store %arg10[%swap3A_839, %swap3A_840], %swap3A_843 {add = true, strides = array<i32>} : memref<32x768xf32, #tpu.memory_space<vmem>>, vector<1x16xf32>,
        %get3A_844 = arith.index_cast %scan3A_708 : i32 to index
        %get3A_845 = arith.constant 240 : index
        %get3A_846 = tpu.vector_load %arg8[%get3A_844, %get3A_845] {strides = array<i32>} : memref<32x768xf32, #tpu.memory_space<vmem>>, vector<1x16xf32>,
        %get3A_847 = vector.shape_cast %get3A_846 : vector<1x16xf32> to vector<16xf32>
        %swap3A_848 = arith.index_cast %scan3A_708 : i32 to index
        %swap3A_849 = arith.constant 240 : index
        %swap3A_850 = tpu.vector_load %arg10[%swap3A_848, %swap3A_849] {strides = array<i32>} : memref<32x768xf32, #tpu.memory_space<vmem>>, vector<1x16xf32>,
        %swap3A_851 = vector.shape_cast %swap3A_850 : vector<1x16xf32> to vector<16xf32>
        %swap3A_852 = vector.shape_cast %get3A_847 : vector<16xf32> to vector<1x16xf32>
        tpu.vector_store %arg10[%swap3A_848, %swap3A_849], %swap3A_852 {add = true, strides = array<i32>} : memref<32x768xf32, #tpu.memory_space<vmem>>, vector<1x16xf32>,
        %get3A_853 = arith.index_cast %scan3A_708 : i32 to index
        %get3A_854 = arith.constant 256 : index
        %get3A_855 = tpu.vector_load %arg8[%get3A_853, %get3A_854] {strides = array<i32>} : memref<32x768xf32, #tpu.memory_space<vmem>>, vector<1x16xf32>,
        %get3A_856 = vector.shape_cast %get3A_855 : vector<1x16xf32> to vector<16xf32>
        %swap3A_857 = arith.index_cast %scan3A_708 : i32 to index
        %swap3A_858 = arith.constant 256 : index
        %swap3A_859 = tpu.vector_load %arg10[%swap3A_857, %swap3A_858] {strides = array<i32>} : memref<32x768xf32, #tpu.memory_space<vmem>>, vector<1x16xf32>,
        %swap3A_860 = vector.shape_cast %swap3A_859 : vector<1x16xf32> to vector<16xf32>
        %swap3A_861 = vector.shape_cast %get3A_856 : vector<16xf32> to vector<1x16xf32>
        tpu.vector_store %arg10[%swap3A_857, %swap3A_858], %swap3A_861 {add = true, strides = array<i32>} : memref<32x768xf32, #tpu.memory_space<vmem>>, vector<1x16xf32>,
        %get3A_862 = arith.index_cast %scan3A_708 : i32 to index
        %get3A_863 = arith.constant 272 : index
        %get3A_864 = tpu.vector_load %arg8[%get3A_862, %get3A_863] {strides = array<i32>} : memref<32x768xf32, #tpu.memory_space<vmem>>, vector<1x16xf32>,
        %get3A_865 = vector.shape_cast %get3A_864 : vector<1x16xf32> to vector<16xf32>
        %swap3A_866 = arith.index_cast %scan3A_708 : i32 to index
        %swap3A_867 = arith.constant 272 : index
        %swap3A_868 = tpu.vector_load %arg10[%swap3A_866, %swap3A_867] {strides = array<i32>} : memref<32x768xf32, #tpu.memory_space<vmem>>, vector<1x16xf32>,
        %swap3A_869 = vector.shape_cast %swap3A_868 : vector<1x16xf32> to vector<16xf32>
        %swap3A_870 = vector.shape_cast %get3A_865 : vector<16xf32> to vector<1x16xf32>
        tpu.vector_store %arg10[%swap3A_866, %swap3A_867], %swap3A_870 {add = true, strides = array<i32>} : memref<32x768xf32, #tpu.memory_space<vmem>>, vector<1x16xf32>,
        %get3A_871 = arith.index_cast %scan3A_708 : i32 to index
        %get3A_872 = arith.constant 288 : index
        %get3A_873 = tpu.vector_load %arg8[%get3A_871, %get3A_872] {strides = array<i32>} : memref<32x768xf32, #tpu.memory_space<vmem>>, vector<1x16xf32>,
        %get3A_874 = vector.shape_cast %get3A_873 : vector<1x16xf32> to vector<16xf32>
        %swap3A_875 = arith.index_cast %scan3A_708 : i32 to index
        %swap3A_876 = arith.constant 288 : index
        %swap3A_877 = tpu.vector_load %arg10[%swap3A_875, %swap3A_876] {strides = array<i32>} : memref<32x768xf32, #tpu.memory_space<vmem>>, vector<1x16xf32>,
        %swap3A_878 = vector.shape_cast %swap3A_877 : vector<1x16xf32> to vector<16xf32>
        %swap3A_879 = vector.shape_cast %get3A_874 : vector<16xf32> to vector<1x16xf32>
        tpu.vector_store %arg10[%swap3A_875, %swap3A_876], %swap3A_879 {add = true, strides = array<i32>} : memref<32x768xf32, #tpu.memory_space<vmem>>, vector<1x16xf32>,
        %get3A_880 = arith.index_cast %scan3A_708 : i32 to index
        %get3A_881 = arith.constant 304 : index
        %get3A_882 = tpu.vector_load %arg8[%get3A_880, %get3A_881] {strides = array<i32>} : memref<32x768xf32, #tpu.memory_space<vmem>>, vector<1x16xf32>,
        %get3A_883 = vector.shape_cast %get3A_882 : vector<1x16xf32> to vector<16xf32>
        %swap3A_884 = arith.index_cast %scan3A_708 : i32 to index
        %swap3A_885 = arith.constant 304 : index
        %swap3A_886 = tpu.vector_load %arg10[%swap3A_884, %swap3A_885] {strides = array<i32>} : memref<32x768xf32, #tpu.memory_space<vmem>>, vector<1x16xf32>,
        %swap3A_887 = vector.shape_cast %swap3A_886 : vector<1x16xf32> to vector<16xf32>
        %swap3A_888 = vector.shape_cast %get3A_883 : vector<16xf32> to vector<1x16xf32>
        tpu.vector_store %arg10[%swap3A_884, %swap3A_885], %swap3A_888 {add = true, strides = array<i32>} : memref<32x768xf32, #tpu.memory_space<vmem>>, vector<1x16xf32>,
        %get3A_889 = arith.index_cast %scan3A_708 : i32 to index
        %get3A_890 = arith.constant 320 : index
        %get3A_891 = tpu.vector_load %arg8[%get3A_889, %get3A_890] {strides = array<i32>} : memref<32x768xf32, #tpu.memory_space<vmem>>, vector<1x16xf32>,
        %get3A_892 = vector.shape_cast %get3A_891 : vector<1x16xf32> to vector<16xf32>
        %swap3A_893 = arith.index_cast %scan3A_708 : i32 to index
        %swap3A_894 = arith.constant 320 : index
        %swap3A_895 = tpu.vector_load %arg10[%swap3A_893, %swap3A_894] {strides = array<i32>} : memref<32x768xf32, #tpu.memory_space<vmem>>, vector<1x16xf32>,
        %swap3A_896 = vector.shape_cast %swap3A_895 : vector<1x16xf32> to vector<16xf32>
        %swap3A_897 = vector.shape_cast %get3A_892 : vector<16xf32> to vector<1x16xf32>
        tpu.vector_store %arg10[%swap3A_893, %swap3A_894], %swap3A_897 {add = true, strides = array<i32>} : memref<32x768xf32, #tpu.memory_space<vmem>>, vector<1x16xf32>,
        %get3A_898 = arith.index_cast %scan3A_708 : i32 to index
        %get3A_899 = arith.constant 336 : index
        %get3A_900 = tpu.vector_load %arg8[%get3A_898, %get3A_899] {strides = array<i32>} : memref<32x768xf32, #tpu.memory_space<vmem>>, vector<1x16xf32>,
        %get3A_901 = vector.shape_cast %get3A_900 : vector<1x16xf32> to vector<16xf32>
        %swap3A_902 = arith.index_cast %scan3A_708 : i32 to index
        %swap3A_903 = arith.constant 336 : index
        %swap3A_904 = tpu.vector_load %arg10[%swap3A_902, %swap3A_903] {strides = array<i32>} : memref<32x768xf32, #tpu.memory_space<vmem>>, vector<1x16xf32>,
        %swap3A_905 = vector.shape_cast %swap3A_904 : vector<1x16xf32> to vector<16xf32>
        %swap3A_906 = vector.shape_cast %get3A_901 : vector<16xf32> to vector<1x16xf32>
        tpu.vector_store %arg10[%swap3A_902, %swap3A_903], %swap3A_906 {add = true, strides = array<i32>} : memref<32x768xf32, #tpu.memory_space<vmem>>, vector<1x16xf32>,
        %get3A_907 = arith.index_cast %scan3A_708 : i32 to index
        %get3A_908 = arith.constant 352 : index
        %get3A_909 = tpu.vector_load %arg8[%get3A_907, %get3A_908] {strides = array<i32>} : memref<32x768xf32, #tpu.memory_space<vmem>>, vector<1x16xf32>,
        %get3A_910 = vector.shape_cast %get3A_909 : vector<1x16xf32> to vector<16xf32>
        %swap3A_911 = arith.index_cast %scan3A_708 : i32 to index
        %swap3A_912 = arith.constant 352 : index
        %swap3A_913 = tpu.vector_load %arg10[%swap3A_911, %swap3A_912] {strides = array<i32>} : memref<32x768xf32, #tpu.memory_space<vmem>>, vector<1x16xf32>,
        %swap3A_914 = vector.shape_cast %swap3A_913 : vector<1x16xf32> to vector<16xf32>
        %swap3A_915 = vector.shape_cast %get3A_910 : vector<16xf32> to vector<1x16xf32>
        tpu.vector_store %arg10[%swap3A_911, %swap3A_912], %swap3A_915 {add = true, strides = array<i32>} : memref<32x768xf32, #tpu.memory_space<vmem>>, vector<1x16xf32>,
        %get3A_916 = arith.index_cast %scan3A_708 : i32 to index
        %get3A_917 = arith.constant 368 : index
        %get3A_918 = tpu.vector_load %arg8[%get3A_916, %get3A_917] {strides = array<i32>} : memref<32x768xf32, #tpu.memory_space<vmem>>, vector<1x16xf32>,
        %get3A_919 = vector.shape_cast %get3A_918 : vector<1x16xf32> to vector<16xf32>
        %swap3A_920 = arith.index_cast %scan3A_708 : i32 to index
        %swap3A_921 = arith.constant 368 : index
        %swap3A_922 = tpu.vector_load %arg10[%swap3A_920, %swap3A_921] {strides = array<i32>} : memref<32x768xf32, #tpu.memory_space<vmem>>, vector<1x16xf32>,
        %swap3A_923 = vector.shape_cast %swap3A_922 : vector<1x16xf32> to vector<16xf32>
        %swap3A_924 = vector.shape_cast %get3A_919 : vector<16xf32> to vector<1x16xf32>
        tpu.vector_store %arg10[%swap3A_920, %swap3A_921], %swap3A_924 {add = true, strides = array<i32>} : memref<32x768xf32, #tpu.memory_space<vmem>>, vector<1x16xf32>,
        %get3A_925 = arith.index_cast %scan3A_708 : i32 to index
        %get3A_926 = arith.constant 384 : index
        %get3A_927 = tpu.vector_load %arg8[%get3A_925, %get3A_926] {strides = array<i32>} : memref<32x768xf32, #tpu.memory_space<vmem>>, vector<1x16xf32>,
        %get3A_928 = vector.shape_cast %get3A_927 : vector<1x16xf32> to vector<16xf32>
        %swap3A_929 = arith.index_cast %scan3A_708 : i32 to index
        %swap3A_930 = arith.constant 384 : index
        %swap3A_931 = tpu.vector_load %arg10[%swap3A_929, %swap3A_930] {strides = array<i32>} : memref<32x768xf32, #tpu.memory_space<vmem>>, vector<1x16xf32>,
        %swap3A_932 = vector.shape_cast %swap3A_931 : vector<1x16xf32> to vector<16xf32>
        %swap3A_933 = vector.shape_cast %get3A_928 : vector<16xf32> to vector<1x16xf32>
        tpu.vector_store %arg10[%swap3A_929, %swap3A_930], %swap3A_933 {add = true, strides = array<i32>} : memref<32x768xf32, #tpu.memory_space<vmem>>, vector<1x16xf32>,
        %get3A_934 = arith.index_cast %scan3A_708 : i32 to index
        %get3A_935 = arith.constant 400 : index
        %get3A_936 = tpu.vector_load %arg8[%get3A_934, %get3A_935] {strides = array<i32>} : memref<32x768xf32, #tpu.memory_space<vmem>>, vector<1x16xf32>,
        %get3A_937 = vector.shape_cast %get3A_936 : vector<1x16xf32> to vector<16xf32>
        %swap3A_938 = arith.index_cast %scan3A_708 : i32 to index
        %swap3A_939 = arith.constant 400 : index
        %swap3A_940 = tpu.vector_load %arg10[%swap3A_938, %swap3A_939] {strides = array<i32>} : memref<32x768xf32, #tpu.memory_space<vmem>>, vector<1x16xf32>,
        %swap3A_941 = vector.shape_cast %swap3A_940 : vector<1x16xf32> to vector<16xf32>
        %swap3A_942 = vector.shape_cast %get3A_937 : vector<16xf32> to vector<1x16xf32>
        tpu.vector_store %arg10[%swap3A_938, %swap3A_939], %swap3A_942 {add = true, strides = array<i32>} : memref<32x768xf32, #tpu.memory_space<vmem>>, vector<1x16xf32>,
        %get3A_943 = arith.index_cast %scan3A_708 : i32 to index
        %get3A_944 = arith.constant 416 : index
        %get3A_945 = tpu.vector_load %arg8[%get3A_943, %get3A_944] {strides = array<i32>} : memref<32x768xf32, #tpu.memory_space<vmem>>, vector<1x16xf32>,
        %get3A_946 = vector.shape_cast %get3A_945 : vector<1x16xf32> to vector<16xf32>
        %swap3A_947 = arith.index_cast %scan3A_708 : i32 to index
        %swap3A_948 = arith.constant 416 : index
        %swap3A_949 = tpu.vector_load %arg10[%swap3A_947, %swap3A_948] {strides = array<i32>} : memref<32x768xf32, #tpu.memory_space<vmem>>, vector<1x16xf32>,
        %swap3A_950 = vector.shape_cast %swap3A_949 : vector<1x16xf32> to vector<16xf32>
        %swap3A_951 = vector.shape_cast %get3A_946 : vector<16xf32> to vector<1x16xf32>
        tpu.vector_store %arg10[%swap3A_947, %swap3A_948], %swap3A_951 {add = true, strides = array<i32>} : memref<32x768xf32, #tpu.memory_space<vmem>>, vector<1x16xf32>,
        %get3A_952 = arith.index_cast %scan3A_708 : i32 to index
        %get3A_953 = arith.constant 432 : index
        %get3A_954 = tpu.vector_load %arg8[%get3A_952, %get3A_953] {strides = array<i32>} : memref<32x768xf32, #tpu.memory_space<vmem>>, vector<1x16xf32>,
        %get3A_955 = vector.shape_cast %get3A_954 : vector<1x16xf32> to vector<16xf32>
        %swap3A_956 = arith.index_cast %scan3A_708 : i32 to index
        %swap3A_957 = arith.constant 432 : index
        %swap3A_958 = tpu.vector_load %arg10[%swap3A_956, %swap3A_957] {strides = array<i32>} : memref<32x768xf32, #tpu.memory_space<vmem>>, vector<1x16xf32>,
        %swap3A_959 = vector.shape_cast %swap3A_958 : vector<1x16xf32> to vector<16xf32>
        %swap3A_960 = vector.shape_cast %get3A_955 : vector<16xf32> to vector<1x16xf32>
        tpu.vector_store %arg10[%swap3A_956, %swap3A_957], %swap3A_960 {add = true, strides = array<i32>} : memref<32x768xf32, #tpu.memory_space<vmem>>, vector<1x16xf32>,
        %get3A_961 = arith.index_cast %scan3A_708 : i32 to index
        %get3A_962 = arith.constant 448 : index
        %get3A_963 = tpu.vector_load %arg8[%get3A_961, %get3A_962] {strides = array<i32>} : memref<32x768xf32, #tpu.memory_space<vmem>>, vector<1x16xf32>,
        %get3A_964 = vector.shape_cast %get3A_963 : vector<1x16xf32> to vector<16xf32>
        %swap3A_965 = arith.index_cast %scan3A_708 : i32 to index
        %swap3A_966 = arith.constant 448 : index
        %swap3A_967 = tpu.vector_load %arg10[%swap3A_965, %swap3A_966] {strides = array<i32>} : memref<32x768xf32, #tpu.memory_space<vmem>>, vector<1x16xf32>,
        %swap3A_968 = vector.shape_cast %swap3A_967 : vector<1x16xf32> to vector<16xf32>
        %swap3A_969 = vector.shape_cast %get3A_964 : vector<16xf32> to vector<1x16xf32>
        tpu.vector_store %arg10[%swap3A_965, %swap3A_966], %swap3A_969 {add = true, strides = array<i32>} : memref<32x768xf32, #tpu.memory_space<vmem>>, vector<1x16xf32>,
        %get3A_970 = arith.index_cast %scan3A_708 : i32 to index
        %get3A_971 = arith.constant 464 : index
        %get3A_972 = tpu.vector_load %arg8[%get3A_970, %get3A_971] {strides = array<i32>} : memref<32x768xf32, #tpu.memory_space<vmem>>, vector<1x16xf32>,
        %get3A_973 = vector.shape_cast %get3A_972 : vector<1x16xf32> to vector<16xf32>
        %swap3A_974 = arith.index_cast %scan3A_708 : i32 to index
        %swap3A_975 = arith.constant 464 : index
        %swap3A_976 = tpu.vector_load %arg10[%swap3A_974, %swap3A_975] {strides = array<i32>} : memref<32x768xf32, #tpu.memory_space<vmem>>, vector<1x16xf32>,
        %swap3A_977 = vector.shape_cast %swap3A_976 : vector<1x16xf32> to vector<16xf32>
        %swap3A_978 = vector.shape_cast %get3A_973 : vector<16xf32> to vector<1x16xf32>
        tpu.vector_store %arg10[%swap3A_974, %swap3A_975], %swap3A_978 {add = true, strides = array<i32>} : memref<32x768xf32, #tpu.memory_space<vmem>>, vector<1x16xf32>,
        %get3A_979 = arith.index_cast %scan3A_708 : i32 to index
        %get3A_980 = arith.constant 480 : index
        %get3A_981 = tpu.vector_load %arg8[%get3A_979, %get3A_980] {strides = array<i32>} : memref<32x768xf32, #tpu.memory_space<vmem>>, vector<1x16xf32>,
        %get3A_982 = vector.shape_cast %get3A_981 : vector<1x16xf32> to vector<16xf32>
        %swap3A_983 = arith.index_cast %scan3A_708 : i32 to index
        %swap3A_984 = arith.constant 480 : index
        %swap3A_985 = tpu.vector_load %arg10[%swap3A_983, %swap3A_984] {strides = array<i32>} : memref<32x768xf32, #tpu.memory_space<vmem>>, vector<1x16xf32>,
        %swap3A_986 = vector.shape_cast %swap3A_985 : vector<1x16xf32> to vector<16xf32>
        %swap3A_987 = vector.shape_cast %get3A_982 : vector<16xf32> to vector<1x16xf32>
        tpu.vector_store %arg10[%swap3A_983, %swap3A_984], %swap3A_987 {add = true, strides = array<i32>} : memref<32x768xf32, #tpu.memory_space<vmem>>, vector<1x16xf32>,
        %get3A_988 = arith.index_cast %scan3A_708 : i32 to index
        %get3A_989 = arith.constant 496 : index
        %get3A_990 = tpu.vector_load %arg8[%get3A_988, %get3A_989] {strides = array<i32>} : memref<32x768xf32, #tpu.memory_space<vmem>>, vector<1x16xf32>,
        %get3A_991 = vector.shape_cast %get3A_990 : vector<1x16xf32> to vector<16xf32>
        %swap3A_992 = arith.index_cast %scan3A_708 : i32 to index
        %swap3A_993 = arith.constant 496 : index
        %swap3A_994 = tpu.vector_load %arg10[%swap3A_992, %swap3A_993] {strides = array<i32>} : memref<32x768xf32, #tpu.memory_space<vmem>>, vector<1x16xf32>,
        %swap3A_995 = vector.shape_cast %swap3A_994 : vector<1x16xf32> to vector<16xf32>
        %swap3A_996 = vector.shape_cast %get3A_991 : vector<16xf32> to vector<1x16xf32>
        tpu.vector_store %arg10[%swap3A_992, %swap3A_993], %swap3A_996 {add = true, strides = array<i32>} : memref<32x768xf32, #tpu.memory_space<vmem>>, vector<1x16xf32>,
        %get3A_997 = arith.index_cast %scan3A_708 : i32 to index
        %get3A_998 = arith.constant 512 : index
        %get3A_999 = tpu.vector_load %arg8[%get3A_997, %get3A_998] {strides = array<i32>} : memref<32x768xf32, #tpu.memory_space<vmem>>, vector<1x16xf32>,
        %get3A_1000 = vector.shape_cast %get3A_999 : vector<1x16xf32> to vector<16xf32>
        %swap3A_1001 = arith.index_cast %scan3A_708 : i32 to index
        %swap3A_1002 = arith.constant 512 : index
        %swap3A_1003 = tpu.vector_load %arg10[%swap3A_1001, %swap3A_1002] {strides = array<i32>} : memref<32x768xf32, #tpu.memory_space<vmem>>, vector<1x16xf32>,
        %swap3A_1004 = vector.shape_cast %swap3A_1003 : vector<1x16xf32> to vector<16xf32>
        %swap3A_1005 = vector.shape_cast %get3A_1000 : vector<16xf32> to vector<1x16xf32>
        tpu.vector_store %arg10[%swap3A_1001, %swap3A_1002], %swap3A_1005 {add = true, strides = array<i32>} : memref<32x768xf32, #tpu.memory_space<vmem>>, vector<1x16xf32>,
        %get3A_1006 = arith.index_cast %scan3A_708 : i32 to index
        %get3A_1007 = arith.constant 528 : index
        %get3A_1008 = tpu.vector_load %arg8[%get3A_1006, %get3A_1007] {strides = array<i32>} : memref<32x768xf32, #tpu.memory_space<vmem>>, vector<1x16xf32>,
        %get3A_1009 = vector.shape_cast %get3A_1008 : vector<1x16xf32> to vector<16xf32>
        %swap3A_1010 = arith.index_cast %scan3A_708 : i32 to index
        %swap3A_1011 = arith.constant 528 : index
        %swap3A_1012 = tpu.vector_load %arg10[%swap3A_1010, %swap3A_1011] {strides = array<i32>} : memref<32x768xf32, #tpu.memory_space<vmem>>, vector<1x16xf32>,
        %swap3A_1013 = vector.shape_cast %swap3A_1012 : vector<1x16xf32> to vector<16xf32>
        %swap3A_1014 = vector.shape_cast %get3A_1009 : vector<16xf32> to vector<1x16xf32>
        tpu.vector_store %arg10[%swap3A_1010, %swap3A_1011], %swap3A_1014 {add = true, strides = array<i32>} : memref<32x768xf32, #tpu.memory_space<vmem>>, vector<1x16xf32>,
        %get3A_1015 = arith.index_cast %scan3A_708 : i32 to index
        %get3A_1016 = arith.constant 544 : index
        %get3A_1017 = tpu.vector_load %arg8[%get3A_1015, %get3A_1016] {strides = array<i32>} : memref<32x768xf32, #tpu.memory_space<vmem>>, vector<1x16xf32>,
        %get3A_1018 = vector.shape_cast %get3A_1017 : vector<1x16xf32> to vector<16xf32>
        %swap3A_1019 = arith.index_cast %scan3A_708 : i32 to index
        %swap3A_1020 = arith.constant 544 : index
        %swap3A_1021 = tpu.vector_load %arg10[%swap3A_1019, %swap3A_1020] {strides = array<i32>} : memref<32x768xf32, #tpu.memory_space<vmem>>, vector<1x16xf32>,
        %swap3A_1022 = vector.shape_cast %swap3A_1021 : vector<1x16xf32> to vector<16xf32>
        %swap3A_1023 = vector.shape_cast %get3A_1018 : vector<16xf32> to vector<1x16xf32>
        tpu.vector_store %arg10[%swap3A_1019, %swap3A_1020], %swap3A_1023 {add = true, strides = array<i32>} : memref<32x768xf32, #tpu.memory_space<vmem>>, vector<1x16xf32>,
        %get3A_1024 = arith.index_cast %scan3A_708 : i32 to index
        %get3A_1025 = arith.constant 560 : index
        %get3A_1026 = tpu.vector_load %arg8[%get3A_1024, %get3A_1025] {strides = array<i32>} : memref<32x768xf32, #tpu.memory_space<vmem>>, vector<1x16xf32>,
        %get3A_1027 = vector.shape_cast %get3A_1026 : vector<1x16xf32> to vector<16xf32>
        %swap3A_1028 = arith.index_cast %scan3A_708 : i32 to index
        %swap3A_1029 = arith.constant 560 : index
        %swap3A_1030 = tpu.vector_load %arg10[%swap3A_1028, %swap3A_1029] {strides = array<i32>} : memref<32x768xf32, #tpu.memory_space<vmem>>, vector<1x16xf32>,
        %swap3A_1031 = vector.shape_cast %swap3A_1030 : vector<1x16xf32> to vector<16xf32>
        %swap3A_1032 = vector.shape_cast %get3A_1027 : vector<16xf32> to vector<1x16xf32>
        tpu.vector_store %arg10[%swap3A_1028, %swap3A_1029], %swap3A_1032 {add = true, strides = array<i32>} : memref<32x768xf32, #tpu.memory_space<vmem>>, vector<1x16xf32>,
        %get3A_1033 = arith.index_cast %scan3A_708 : i32 to index
        %get3A_1034 = arith.constant 576 : index
        %get3A_1035 = tpu.vector_load %arg8[%get3A_1033, %get3A_1034] {strides = array<i32>} : memref<32x768xf32, #tpu.memory_space<vmem>>, vector<1x16xf32>,
        %get3A_1036 = vector.shape_cast %get3A_1035 : vector<1x16xf32> to vector<16xf32>
        %swap3A_1037 = arith.index_cast %scan3A_708 : i32 to index
        %swap3A_1038 = arith.constant 576 : index
        %swap3A_1039 = tpu.vector_load %arg10[%swap3A_1037, %swap3A_1038] {strides = array<i32>} : memref<32x768xf32, #tpu.memory_space<vmem>>, vector<1x16xf32>,
        %swap3A_1040 = vector.shape_cast %swap3A_1039 : vector<1x16xf32> to vector<16xf32>
        %swap3A_1041 = vector.shape_cast %get3A_1036 : vector<16xf32> to vector<1x16xf32>
        tpu.vector_store %arg10[%swap3A_1037, %swap3A_1038], %swap3A_1041 {add = true, strides = array<i32>} : memref<32x768xf32, #tpu.memory_space<vmem>>, vector<1x16xf32>,
        %get3A_1042 = arith.index_cast %scan3A_708 : i32 to index
        %get3A_1043 = arith.constant 592 : index
        %get3A_1044 = tpu.vector_load %arg8[%get3A_1042, %get3A_1043] {strides = array<i32>} : memref<32x768xf32, #tpu.memory_space<vmem>>, vector<1x16xf32>,
        %get3A_1045 = vector.shape_cast %get3A_1044 : vector<1x16xf32> to vector<16xf32>
        %swap3A_1046 = arith.index_cast %scan3A_708 : i32 to index
        %swap3A_1047 = arith.constant 592 : index
        %swap3A_1048 = tpu.vector_load %arg10[%swap3A_1046, %swap3A_1047] {strides = array<i32>} : memref<32x768xf32, #tpu.memory_space<vmem>>, vector<1x16xf32>,
        %swap3A_1049 = vector.shape_cast %swap3A_1048 : vector<1x16xf32> to vector<16xf32>
        %swap3A_1050 = vector.shape_cast %get3A_1045 : vector<16xf32> to vector<1x16xf32>
        tpu.vector_store %arg10[%swap3A_1046, %swap3A_1047], %swap3A_1050 {add = true, strides = array<i32>} : memref<32x768xf32, #tpu.memory_space<vmem>>, vector<1x16xf32>,
        %get3A_1051 = arith.index_cast %scan3A_708 : i32 to index
        %get3A_1052 = arith.constant 608 : index
        %get3A_1053 = tpu.vector_load %arg8[%get3A_1051, %get3A_1052] {strides = array<i32>} : memref<32x768xf32, #tpu.memory_space<vmem>>, vector<1x16xf32>,
        %get3A_1054 = vector.shape_cast %get3A_1053 : vector<1x16xf32> to vector<16xf32>
        %swap3A_1055 = arith.index_cast %scan3A_708 : i32 to index
        %swap3A_1056 = arith.constant 608 : index
        %swap3A_1057 = tpu.vector_load %arg10[%swap3A_1055, %swap3A_1056] {strides = array<i32>} : memref<32x768xf32, #tpu.memory_space<vmem>>, vector<1x16xf32>,
        %swap3A_1058 = vector.shape_cast %swap3A_1057 : vector<1x16xf32> to vector<16xf32>
        %swap3A_1059 = vector.shape_cast %get3A_1054 : vector<16xf32> to vector<1x16xf32>
        tpu.vector_store %arg10[%swap3A_1055, %swap3A_1056], %swap3A_1059 {add = true, strides = array<i32>} : memref<32x768xf32, #tpu.memory_space<vmem>>, vector<1x16xf32>,
        %get3A_1060 = arith.index_cast %scan3A_708 : i32 to index
        %get3A_1061 = arith.constant 624 : index
        %get3A_1062 = tpu.vector_load %arg8[%get3A_1060, %get3A_1061] {strides = array<i32>} : memref<32x768xf32, #tpu.memory_space<vmem>>, vector<1x16xf32>,
        %get3A_1063 = vector.shape_cast %get3A_1062 : vector<1x16xf32> to vector<16xf32>
        %swap3A_1064 = arith.index_cast %scan3A_708 : i32 to index
        %swap3A_1065 = arith.constant 624 : index
        %swap3A_1066 = tpu.vector_load %arg10[%swap3A_1064, %swap3A_1065] {strides = array<i32>} : memref<32x768xf32, #tpu.memory_space<vmem>>, vector<1x16xf32>,
        %swap3A_1067 = vector.shape_cast %swap3A_1066 : vector<1x16xf32> to vector<16xf32>
        %swap3A_1068 = vector.shape_cast %get3A_1063 : vector<16xf32> to vector<1x16xf32>
        tpu.vector_store %arg10[%swap3A_1064, %swap3A_1065], %swap3A_1068 {add = true, strides = array<i32>} : memref<32x768xf32, #tpu.memory_space<vmem>>, vector<1x16xf32>,
        %get3A_1069 = arith.index_cast %scan3A_708 : i32 to index
        %get3A_1070 = arith.constant 640 : index
        %get3A_1071 = tpu.vector_load %arg8[%get3A_1069, %get3A_1070] {strides = array<i32>} : memref<32x768xf32, #tpu.memory_space<vmem>>, vector<1x16xf32>,
        %get3A_1072 = vector.shape_cast %get3A_1071 : vector<1x16xf32> to vector<16xf32>
        %swap3A_1073 = arith.index_cast %scan3A_708 : i32 to index
        %swap3A_1074 = arith.constant 640 : index
        %swap3A_1075 = tpu.vector_load %arg10[%swap3A_1073, %swap3A_1074] {strides = array<i32>} : memref<32x768xf32, #tpu.memory_space<vmem>>, vector<1x16xf32>,
        %swap3A_1076 = vector.shape_cast %swap3A_1075 : vector<1x16xf32> to vector<16xf32>
        %swap3A_1077 = vector.shape_cast %get3A_1072 : vector<16xf32> to vector<1x16xf32>
        tpu.vector_store %arg10[%swap3A_1073, %swap3A_1074], %swap3A_1077 {add = true, strides = array<i32>} : memref<32x768xf32, #tpu.memory_space<vmem>>, vector<1x16xf32>,
        %get3A_1078 = arith.index_cast %scan3A_708 : i32 to index
        %get3A_1079 = arith.constant 656 : index
        %get3A_1080 = tpu.vector_load %arg8[%get3A_1078, %get3A_1079] {strides = array<i32>} : memref<32x768xf32, #tpu.memory_space<vmem>>, vector<1x16xf32>,
        %get3A_1081 = vector.shape_cast %get3A_1080 : vector<1x16xf32> to vector<16xf32>
        %swap3A_1082 = arith.index_cast %scan3A_708 : i32 to index
        %swap3A_1083 = arith.constant 656 : index
        %swap3A_1084 = tpu.vector_load %arg10[%swap3A_1082, %swap3A_1083] {strides = array<i32>} : memref<32x768xf32, #tpu.memory_space<vmem>>, vector<1x16xf32>,
        %swap3A_1085 = vector.shape_cast %swap3A_1084 : vector<1x16xf32> to vector<16xf32>
        %swap3A_1086 = vector.shape_cast %get3A_1081 : vector<16xf32> to vector<1x16xf32>
        tpu.vector_store %arg10[%swap3A_1082, %swap3A_1083], %swap3A_1086 {add = true, strides = array<i32>} : memref<32x768xf32, #tpu.memory_space<vmem>>, vector<1x16xf32>,
        %get3A_1087 = arith.index_cast %scan3A_708 : i32 to index
        %get3A_1088 = arith.constant 672 : index
        %get3A_1089 = tpu.vector_load %arg8[%get3A_1087, %get3A_1088] {strides = array<i32>} : memref<32x768xf32, #tpu.memory_space<vmem>>, vector<1x16xf32>,
        %get3A_1090 = vector.shape_cast %get3A_1089 : vector<1x16xf32> to vector<16xf32>
        %swap3A_1091 = arith.index_cast %scan3A_708 : i32 to index
        %swap3A_1092 = arith.constant 672 : index
        %swap3A_1093 = tpu.vector_load %arg10[%swap3A_1091, %swap3A_1092] {strides = array<i32>} : memref<32x768xf32, #tpu.memory_space<vmem>>, vector<1x16xf32>,
        %swap3A_1094 = vector.shape_cast %swap3A_1093 : vector<1x16xf32> to vector<16xf32>
        %swap3A_1095 = vector.shape_cast %get3A_1090 : vector<16xf32> to vector<1x16xf32>
        tpu.vector_store %arg10[%swap3A_1091, %swap3A_1092], %swap3A_1095 {add = true, strides = array<i32>} : memref<32x768xf32, #tpu.memory_space<vmem>>, vector<1x16xf32>,
        %get3A_1096 = arith.index_cast %scan3A_708 : i32 to index
        %get3A_1097 = arith.constant 688 : index
        %get3A_1098 = tpu.vector_load %arg8[%get3A_1096, %get3A_1097] {strides = array<i32>} : memref<32x768xf32, #tpu.memory_space<vmem>>, vector<1x16xf32>,
        %get3A_1099 = vector.shape_cast %get3A_1098 : vector<1x16xf32> to vector<16xf32>
        %swap3A_1100 = arith.index_cast %scan3A_708 : i32 to index
        %swap3A_1101 = arith.constant 688 : index
        %swap3A_1102 = tpu.vector_load %arg10[%swap3A_1100, %swap3A_1101] {strides = array<i32>} : memref<32x768xf32, #tpu.memory_space<vmem>>, vector<1x16xf32>,
        %swap3A_1103 = vector.shape_cast %swap3A_1102 : vector<1x16xf32> to vector<16xf32>
        %swap3A_1104 = vector.shape_cast %get3A_1099 : vector<16xf32> to vector<1x16xf32>
        tpu.vector_store %arg10[%swap3A_1100, %swap3A_1101], %swap3A_1104 {add = true, strides = array<i32>} : memref<32x768xf32, #tpu.memory_space<vmem>>, vector<1x16xf32>,
        %get3A_1105 = arith.index_cast %scan3A_708 : i32 to index
        %get3A_1106 = arith.constant 704 : index
        %get3A_1107 = tpu.vector_load %arg8[%get3A_1105, %get3A_1106] {strides = array<i32>} : memref<32x768xf32, #tpu.memory_space<vmem>>, vector<1x16xf32>,
        %get3A_1108 = vector.shape_cast %get3A_1107 : vector<1x16xf32> to vector<16xf32>
        %swap3A_1109 = arith.index_cast %scan3A_708 : i32 to index
        %swap3A_1110 = arith.constant 704 : index
        %swap3A_1111 = tpu.vector_load %arg10[%swap3A_1109, %swap3A_1110] {strides = array<i32>} : memref<32x768xf32, #tpu.memory_space<vmem>>, vector<1x16xf32>,
        %swap3A_1112 = vector.shape_cast %swap3A_1111 : vector<1x16xf32> to vector<16xf32>
        %swap3A_1113 = vector.shape_cast %get3A_1108 : vector<16xf32> to vector<1x16xf32>
        tpu.vector_store %arg10[%swap3A_1109, %swap3A_1110], %swap3A_1113 {add = true, strides = array<i32>} : memref<32x768xf32, #tpu.memory_space<vmem>>, vector<1x16xf32>,
        %get3A_1114 = arith.index_cast %scan3A_708 : i32 to index
        %get3A_1115 = arith.constant 720 : index
        %get3A_1116 = tpu.vector_load %arg8[%get3A_1114, %get3A_1115] {strides = array<i32>} : memref<32x768xf32, #tpu.memory_space<vmem>>, vector<1x16xf32>,
        %get3A_1117 = vector.shape_cast %get3A_1116 : vector<1x16xf32> to vector<16xf32>
        %swap3A_1118 = arith.index_cast %scan3A_708 : i32 to index
        %swap3A_1119 = arith.constant 720 : index
        %swap3A_1120 = tpu.vector_load %arg10[%swap3A_1118, %swap3A_1119] {strides = array<i32>} : memref<32x768xf32, #tpu.memory_space<vmem>>, vector<1x16xf32>,
        %swap3A_1121 = vector.shape_cast %swap3A_1120 : vector<1x16xf32> to vector<16xf32>
        %swap3A_1122 = vector.shape_cast %get3A_1117 : vector<16xf32> to vector<1x16xf32>
        tpu.vector_store %arg10[%swap3A_1118, %swap3A_1119], %swap3A_1122 {add = true, strides = array<i32>} : memref<32x768xf32, #tpu.memory_space<vmem>>, vector<1x16xf32>,
        %get3A_1123 = arith.index_cast %scan3A_708 : i32 to index
        %get3A_1124 = arith.constant 736 : index
        %get3A_1125 = tpu.vector_load %arg8[%get3A_1123, %get3A_1124] {strides = array<i32>} : memref<32x768xf32, #tpu.memory_space<vmem>>, vector<1x16xf32>,
        %get3A_1126 = vector.shape_cast %get3A_1125 : vector<1x16xf32> to vector<16xf32>
        %swap3A_1127 = arith.index_cast %scan3A_708 : i32 to index
        %swap3A_1128 = arith.constant 736 : index
        %swap3A_1129 = tpu.vector_load %arg10[%swap3A_1127, %swap3A_1128] {strides = array<i32>} : memref<32x768xf32, #tpu.memory_space<vmem>>, vector<1x16xf32>,
        %swap3A_1130 = vector.shape_cast %swap3A_1129 : vector<1x16xf32> to vector<16xf32>
        %swap3A_1131 = vector.shape_cast %get3A_1126 : vector<16xf32> to vector<1x16xf32>
        tpu.vector_store %arg10[%swap3A_1127, %swap3A_1128], %swap3A_1131 {add = true, strides = array<i32>} : memref<32x768xf32, #tpu.memory_space<vmem>>, vector<1x16xf32>,
        %get3A_1132 = arith.index_cast %scan3A_708 : i32 to index
        %get3A_1133 = arith.constant 752 : index
        %get3A_1134 = tpu.vector_load %arg8[%get3A_1132, %get3A_1133] {strides = array<i32>} : memref<32x768xf32, #tpu.memory_space<vmem>>, vector<1x16xf32>,
        %get3A_1135 = vector.shape_cast %get3A_1134 : vector<1x16xf32> to vector<16xf32>
        %swap3A_1136 = arith.index_cast %scan3A_708 : i32 to index
        %swap3A_1137 = arith.constant 752 : index
        %swap3A_1138 = tpu.vector_load %arg10[%swap3A_1136, %swap3A_1137] {strides = array<i32>} : memref<32x768xf32, #tpu.memory_space<vmem>>, vector<1x16xf32>,
        %swap3A_1139 = vector.shape_cast %swap3A_1138 : vector<1x16xf32> to vector<16xf32>
        %swap3A_1140 = vector.shape_cast %get3A_1135 : vector<16xf32> to vector<1x16xf32>
        tpu.vector_store %arg10[%swap3A_1136, %swap3A_1137], %swap3A_1140 {add = true, strides = array<i32>} : memref<32x768xf32, #tpu.memory_space<vmem>>, vector<1x16xf32>,
      }
      %scan3A_175 = arith.constant 32 : i32
      %add3A_176 = arith.constant 1 : i32
      %add3A_177 = arith.addi %mul3A_33, %add3A_176 : i32
      %dma_wait3A_178 = arith.constant 0 : i32
      %dma_wait3A_179 = arith.constant 0 : i32
      %dma_wait3A_180 = tpu.memref_slice %arg5[%mul3A_2, %dma_wait3A_179] : memref<32768x768xf32, #tpu.memory_space<hbm>> -> memref<16x768xf32, #tpu.memory_space<hbm>>
      %dma_wait3A_181 = arith.constant 0 : i32
      %dma_wait3A_182 = arith.constant 0 : i32
      %dma_wait3A_183 = tpu.memref_slice %arg11[%arg1, %dma_wait3A_178, %dma_wait3A_181, %dma_wait3A_182] : memref<16x2x16x768xf32, #tpu.memory_space<vmem_shared>> -> memref<1x1x16x768xf32, #tpu.memory_space<vmem_shared>>
      %dma_wait3A_184 = tpu.memref_squeeze %dma_wait3A_183 : memref<1x1x16x768xf32, #tpu.memory_space<vmem_shared>> -> memref<16x768xf32, #tpu.memory_space<vmem_shared>>
      tpu.wait_dma2 semaphore(%arg18 : memref<!tpu.dma_semaphore, #tpu.memory_space<semaphore_mem>>) src(%dma_wait3A_184 : memref<16x768xf32, #tpu.memory_space<vmem_shared>>) dst(%dma_wait3A_180 : memref<16x768xf32, #tpu.memory_space<hbm>>)
      %dma_start3A_185 = arith.constant 0 : i32
      %dma_start3A_186 = arith.constant 0 : i32
      %dma_start3A_187 = arith.constant 0 : i32
      %dma_start3A_188 = tpu.memref_slice %arg10[%dma_start3A_186, %dma_start3A_187] : memref<32x768xf32, #tpu.memory_space<vmem>> -> memref<16x768xf32, #tpu.memory_space<vmem>>
      %dma_start3A_189 = arith.constant 0 : i32
      %dma_start3A_190 = arith.constant 0 : i32
      %dma_start3A_191 = tpu.memref_slice %arg11[%arg1, %dma_start3A_185, %dma_start3A_189, %dma_start3A_190] : memref<16x2x16x768xf32, #tpu.memory_space<vmem_shared>> -> memref<1x1x16x768xf32, #tpu.memory_space<vmem_shared>>
      %dma_start3A_192 = tpu.memref_squeeze %dma_start3A_191 : memref<1x1x16x768xf32, #tpu.memory_space<vmem_shared>> -> memref<16x768xf32, #tpu.memory_space<vmem_shared>>
      %dma_start3A_193 = arith.constant 0 : i32
      %dma_start3A_194 = arith.constant 0 : i32
      %dma_start3A_195 = tpu.memref_slice %arg11[%arg1, %dma_start3A_185, %dma_start3A_193, %dma_start3A_194] : memref<16x2x16x768xf32, #tpu.memory_space<vmem_shared>> -> memref<1x1x16x768xf32, #tpu.memory_space<vmem_shared>>
      %dma_start3A_196 = tpu.memref_squeeze %dma_start3A_195 : memref<1x1x16x768xf32, #tpu.memory_space<vmem_shared>> -> memref<16x768xf32, #tpu.memory_space<vmem_shared>>
      %dma_start3A_197 = arith.constant 0 : i32
      %dma_start3A_198 = arith.constant 0 : i32
      %dma_start3A_199 = tpu.memref_slice %arg10[%dma_start3A_197, %dma_start3A_198] : memref<32x768xf32, #tpu.memory_space<vmem>> -> memref<16x768xf32, #tpu.memory_space<vmem>>
      tpu.enqueue_dma source(%dma_start3A_199 : memref<16x768xf32, #tpu.memory_space<vmem>>) target(%dma_start3A_196 : memref<16x768xf32, #tpu.memory_space<vmem_shared>>) target_semaphore(%arg16 : memref<!tpu.dma_semaphore, #tpu.memory_space<semaphore_mem>>)
      %dma_wait3A_200 = arith.constant 1 : i32
      %dma_wait3A_201 = arith.constant 0 : i32
      %dma_wait3A_202 = tpu.memref_slice %arg5[%mul3A_2, %dma_wait3A_201] : memref<32768x768xf32, #tpu.memory_space<hbm>> -> memref<16x768xf32, #tpu.memory_space<hbm>>
      %dma_wait3A_203 = arith.constant 0 : i32
      %dma_wait3A_204 = arith.constant 0 : i32
      %dma_wait3A_205 = tpu.memref_slice %arg11[%arg1, %dma_wait3A_200, %dma_wait3A_203, %dma_wait3A_204] : memref<16x2x16x768xf32, #tpu.memory_space<vmem_shared>> -> memref<1x1x16x768xf32, #tpu.memory_space<vmem_shared>>
      %dma_wait3A_206 = tpu.memref_squeeze %dma_wait3A_205 : memref<1x1x16x768xf32, #tpu.memory_space<vmem_shared>> -> memref<16x768xf32, #tpu.memory_space<vmem_shared>>
      tpu.wait_dma2 semaphore(%arg19 : memref<!tpu.dma_semaphore, #tpu.memory_space<semaphore_mem>>) src(%dma_wait3A_206 : memref<16x768xf32, #tpu.memory_space<vmem_shared>>) dst(%dma_wait3A_202 : memref<16x768xf32, #tpu.memory_space<hbm>>)
      %dma_start3A_207 = arith.constant 1 : i32
      %dma_start3A_208 = arith.constant 16 : i32
      %dma_start3A_209 = arith.constant 0 : i32
      %dma_start3A_210 = tpu.memref_slice %arg10[%dma_start3A_208, %dma_start3A_209] : memref<32x768xf32, #tpu.memory_space<vmem>> -> memref<16x768xf32, #tpu.memory_space<vmem>>
      %dma_start3A_211 = arith.constant 0 : i32
      %dma_start3A_212 = arith.constant 0 : i32
      %dma_start3A_213 = tpu.memref_slice %arg11[%arg1, %dma_start3A_207, %dma_start3A_211, %dma_start3A_212] : memref<16x2x16x768xf32, #tpu.memory_space<vmem_shared>> -> memref<1x1x16x768xf32, #tpu.memory_space<vmem_shared>>
      %dma_start3A_214 = tpu.memref_squeeze %dma_start3A_213 : memref<1x1x16x768xf32, #tpu.memory_space<vmem_shared>> -> memref<16x768xf32, #tpu.memory_space<vmem_shared>>
      %dma_start3A_215 = arith.constant 0 : i32
      %dma_start3A_216 = arith.constant 0 : i32
      %dma_start3A_217 = tpu.memref_slice %arg11[%arg1, %dma_start3A_207, %dma_start3A_215, %dma_start3A_216] : memref<16x2x16x768xf32, #tpu.memory_space<vmem_shared>> -> memref<1x1x16x768xf32, #tpu.memory_space<vmem_shared>>
      %dma_start3A_218 = tpu.memref_squeeze %dma_start3A_217 : memref<1x1x16x768xf32, #tpu.memory_space<vmem_shared>> -> memref<16x768xf32, #tpu.memory_space<vmem_shared>>
      %dma_start3A_219 = arith.constant 16 : i32
      %dma_start3A_220 = arith.constant 0 : i32
      %dma_start3A_221 = tpu.memref_slice %arg10[%dma_start3A_219, %dma_start3A_220] : memref<32x768xf32, #tpu.memory_space<vmem>> -> memref<16x768xf32, #tpu.memory_space<vmem>>
      tpu.enqueue_dma source(%dma_start3A_221 : memref<16x768xf32, #tpu.memory_space<vmem>>) target(%dma_start3A_218 : memref<16x768xf32, #tpu.memory_space<vmem_shared>>) target_semaphore(%arg17 : memref<!tpu.dma_semaphore, #tpu.memory_space<semaphore_mem>>)
      %dma_wait3A_222 = arith.constant 0 : i32
      %dma_wait3A_223 = arith.constant 0 : i32
      %dma_wait3A_224 = arith.constant 0 : i32
      %dma_wait3A_225 = tpu.memref_slice %arg9[%dma_wait3A_223, %dma_wait3A_224] : memref<32x768xf32, #tpu.memory_space<vmem>> -> memref<16x768xf32, #tpu.memory_space<vmem>>
      %dma_wait3A_226 = arith.constant 0 : i32
      %dma_wait3A_227 = arith.constant 0 : i32
      %dma_wait3A_228 = tpu.memref_slice %arg11[%arg1, %dma_wait3A_222, %dma_wait3A_226, %dma_wait3A_227] : memref<16x2x16x768xf32, #tpu.memory_space<vmem_shared>> -> memref<1x1x16x768xf32, #tpu.memory_space<vmem_shared>>
      %dma_wait3A_229 = tpu.memref_squeeze %dma_wait3A_228 : memref<1x1x16x768xf32, #tpu.memory_space<vmem_shared>> -> memref<16x768xf32, #tpu.memory_space<vmem_shared>>
      %dma_wait3A_230 = arith.constant 0 : i32
      %dma_wait3A_231 = arith.constant 0 : i32
      %dma_wait3A_232 = tpu.memref_slice %arg11[%arg1, %dma_wait3A_222, %dma_wait3A_230, %dma_wait3A_231] : memref<16x2x16x768xf32, #tpu.memory_space<vmem_shared>> -> memref<1x1x16x768xf32, #tpu.memory_space<vmem_shared>>
      %dma_wait3A_233 = tpu.memref_squeeze %dma_wait3A_232 : memref<1x1x16x768xf32, #tpu.memory_space<vmem_shared>> -> memref<16x768xf32, #tpu.memory_space<vmem_shared>>
      %dma_wait3A_234 = arith.constant 0 : i32
      %dma_wait3A_235 = arith.constant 0 : i32
      %dma_wait3A_236 = tpu.memref_slice %arg9[%dma_wait3A_234, %dma_wait3A_235] : memref<32x768xf32, #tpu.memory_space<vmem>> -> memref<16x768xf32, #tpu.memory_space<vmem>>
      tpu.wait_dma2 semaphore(%arg16 : memref<!tpu.dma_semaphore, #tpu.memory_space<semaphore_mem>>) src(%dma_wait3A_236 : memref<16x768xf32, #tpu.memory_space<vmem>>) dst(%dma_wait3A_233 : memref<16x768xf32, #tpu.memory_space<vmem_shared>>)
      %mul3A_237 = arith.constant 32 : i32
      %mul3A_238 = arith.muli %add3A_177, %mul3A_237 : i32
      %add3A_239 = arith.addi %mul3A_2, %mul3A_238 : i32
      %add3A_240 = arith.constant 0 : i32
      %add3A_241 = arith.addi %add3A_239, %add3A_240 : i32
      %dma_start3A_242 = arith.constant 0 : i32
      %dma_start3A_243 = arith.constant 0 : i32
      %dma_start3A_244 = tpu.memref_slice %arg5[%add3A_241, %dma_start3A_243] : memref<32768x768xf32, #tpu.memory_space<hbm>> -> memref<16x768xf32, #tpu.memory_space<hbm>>
      %dma_start3A_245 = arith.constant 0 : i32
      %dma_start3A_246 = arith.constant 0 : i32
      %dma_start3A_247 = tpu.memref_slice %arg11[%arg1, %dma_start3A_242, %dma_start3A_245, %dma_start3A_246] : memref<16x2x16x768xf32, #tpu.memory_space<vmem_shared>> -> memref<1x1x16x768xf32, #tpu.memory_space<vmem_shared>>
      %dma_start3A_248 = tpu.memref_squeeze %dma_start3A_247 : memref<1x1x16x768xf32, #tpu.memory_space<vmem_shared>> -> memref<16x768xf32, #tpu.memory_space<vmem_shared>>
      tpu.enqueue_dma source(%dma_start3A_248 : memref<16x768xf32, #tpu.memory_space<vmem_shared>>) target(%dma_start3A_244 : memref<16x768xf32, #tpu.memory_space<hbm>>) target_semaphore(%arg18 : memref<!tpu.dma_semaphore, #tpu.memory_space<semaphore_mem>>)
      %dma_wait3A_249 = arith.constant 1 : i32
      %dma_wait3A_250 = arith.constant 0 : i32
      %dma_wait3A_251 = arith.constant 0 : i32
      %dma_wait3A_252 = tpu.memref_slice %arg9[%dma_wait3A_250, %dma_wait3A_251] : memref<32x768xf32, #tpu.memory_space<vmem>> -> memref<16x768xf32, #tpu.memory_space<vmem>>
      %dma_wait3A_253 = arith.constant 0 : i32
      %dma_wait3A_254 = arith.constant 0 : i32
      %dma_wait3A_255 = tpu.memref_slice %arg11[%arg1, %dma_wait3A_249, %dma_wait3A_253, %dma_wait3A_254] : memref<16x2x16x768xf32, #tpu.memory_space<vmem_shared>> -> memref<1x1x16x768xf32, #tpu.memory_space<vmem_shared>>
      %dma_wait3A_256 = tpu.memref_squeeze %dma_wait3A_255 : memref<1x1x16x768xf32, #tpu.memory_space<vmem_shared>> -> memref<16x768xf32, #tpu.memory_space<vmem_shared>>
      %dma_wait3A_257 = arith.constant 0 : i32
      %dma_wait3A_258 = arith.constant 0 : i32
      %dma_wait3A_259 = tpu.memref_slice %arg11[%arg1, %dma_wait3A_249, %dma_wait3A_257, %dma_wait3A_258] : memref<16x2x16x768xf32, #tpu.memory_space<vmem_shared>> -> memref<1x1x16x768xf32, #tpu.memory_space<vmem_shared>>
      %dma_wait3A_260 = tpu.memref_squeeze %dma_wait3A_259 : memref<1x1x16x768xf32, #tpu.memory_space<vmem_shared>> -> memref<16x768xf32, #tpu.memory_space<vmem_shared>>
      %dma_wait3A_261 = arith.constant 0 : i32
      %dma_wait3A_262 = arith.constant 0 : i32
      %dma_wait3A_263 = tpu.memref_slice %arg9[%dma_wait3A_261, %dma_wait3A_262] : memref<32x768xf32, #tpu.memory_space<vmem>> -> memref<16x768xf32, #tpu.memory_space<vmem>>
      tpu.wait_dma2 semaphore(%arg17 : memref<!tpu.dma_semaphore, #tpu.memory_space<semaphore_mem>>) src(%dma_wait3A_263 : memref<16x768xf32, #tpu.memory_space<vmem>>) dst(%dma_wait3A_260 : memref<16x768xf32, #tpu.memory_space<vmem_shared>>)
      %mul3A_264 = arith.constant 32 : i32
      %mul3A_265 = arith.muli %add3A_177, %mul3A_264 : i32
      %add3A_266 = arith.addi %mul3A_2, %mul3A_265 : i32
      %add3A_267 = arith.constant 16 : i32
      %add3A_268 = arith.addi %add3A_266, %add3A_267 : i32
      %dma_start3A_269 = arith.constant 1 : i32
      %dma_start3A_270 = arith.constant 0 : i32
      %dma_start3A_271 = tpu.memref_slice %arg5[%add3A_268, %dma_start3A_270] : memref<32768x768xf32, #tpu.memory_space<hbm>> -> memref<16x768xf32, #tpu.memory_space<hbm>>
      %dma_start3A_272 = arith.constant 0 : i32
      %dma_start3A_273 = arith.constant 0 : i32
      %dma_start3A_274 = tpu.memref_slice %arg11[%arg1, %dma_start3A_269, %dma_start3A_272, %dma_start3A_273] : memref<16x2x16x768xf32, #tpu.memory_space<vmem_shared>> -> memref<1x1x16x768xf32, #tpu.memory_space<vmem_shared>>
      %dma_start3A_275 = tpu.memref_squeeze %dma_start3A_274 : memref<1x1x16x768xf32, #tpu.memory_space<vmem_shared>> -> memref<16x768xf32, #tpu.memory_space<vmem_shared>>
      tpu.enqueue_dma source(%dma_start3A_275 : memref<16x768xf32, #tpu.memory_space<vmem_shared>>) target(%dma_start3A_271 : memref<16x768xf32, #tpu.memory_space<hbm>>) target_semaphore(%arg19 : memref<!tpu.dma_semaphore, #tpu.memory_space<semaphore_mem>>)
    }
    %scan3A_17 = arith.constant 16 : i32
    %dma_wait3A = arith.constant 0 : i32
    %dma_wait3A_18 = arith.constant 0 : i32
    %dma_wait3A_19 = tpu.memref_slice %arg5[%mul3A_2, %dma_wait3A_18] : memref<32768x768xf32, #tpu.memory_space<hbm>> -> memref<16x768xf32, #tpu.memory_space<hbm>>
    %dma_wait3A_20 = arith.constant 0 : i32
    %dma_wait3A_21 = arith.constant 0 : i32
    %dma_wait3A_22 = tpu.memref_slice %arg11[%arg1, %dma_wait3A, %dma_wait3A_20, %dma_wait3A_21] : memref<16x2x16x768xf32, #tpu.memory_space<vmem_shared>> -> memref<1x1x16x768xf32, #tpu.memory_space<vmem_shared>>
    %dma_wait3A_23 = tpu.memref_squeeze %dma_wait3A_22 : memref<1x1x16x768xf32, #tpu.memory_space<vmem_shared>> -> memref<16x768xf32, #tpu.memory_space<vmem_shared>>
    tpu.wait_dma2 semaphore(%arg18 : memref<!tpu.dma_semaphore, #tpu.memory_space<semaphore_mem>>) src(%dma_wait3A_23 : memref<16x768xf32, #tpu.memory_space<vmem_shared>>) dst(%dma_wait3A_19 : memref<16x768xf32, #tpu.memory_space<hbm>>)
    %dma_wait3A_24 = arith.constant 1 : i32
    %dma_wait3A_25 = arith.constant 0 : i32
    %dma_wait3A_26 = tpu.memref_slice %arg5[%mul3A_2, %dma_wait3A_25] : memref<32768x768xf32, #tpu.memory_space<hbm>> -> memref<16x768xf32, #tpu.memory_space<hbm>>
    %dma_wait3A_27 = arith.constant 0 : i32
    %dma_wait3A_28 = arith.constant 0 : i32
    %dma_wait3A_29 = tpu.memref_slice %arg11[%arg1, %dma_wait3A_24, %dma_wait3A_27, %dma_wait3A_28] : memref<16x2x16x768xf32, #tpu.memory_space<vmem_shared>> -> memref<1x1x16x768xf32, #tpu.memory_space<vmem_shared>>
    %dma_wait3A_30 = tpu.memref_squeeze %dma_wait3A_29 : memref<1x1x16x768xf32, #tpu.memory_space<vmem_shared>> -> memref<16x768xf32, #tpu.memory_space<vmem_shared>>
    tpu.wait_dma2 semaphore(%arg19 : memref<!tpu.dma_semaphore, #tpu.memory_space<semaphore_mem>>) src(%dma_wait3A_30 : memref<16x768xf32, #tpu.memory_space<vmem_shared>>) dst(%dma_wait3A_26 : memref<16x768xf32, #tpu.memory_space<hbm>>)
    return
  }
}

</mosaic_0001>

<sc_bundles>
// kernel: kernel.3.cloned.1.call-start
scs
__scs_entry_jumppad:
0x0: {  	(pc) =	sbr.rel $0x88, $3  }
0x1: {  	(tag) =	ssettag $0x0;
	lr =	simm.s32 $0x1  }
0x2: {  	[smem:$0x3F9E] =	sst lr;
	_ =	strace $0xD0000000  }
0x3: {  	_ = 	snop  }
0x4: {  	_ = 	snop  }
0x5: {  	_ = 	snop  }
0x6: {  	_ = 	snop  }
0x7: {  	_ = 	snop  }
__scs_overlays_trampoline_lowered:
0x8: {  	[smem:$0x3FAD] =	sst s0  }
0x9: {  	[smem:$0x3FAE] =	sst s1  }
0xa: {  	[smem:$0x3FAF] =	sst s2  }
0xb: {  	[smem:$0x3FB0] =	sst s3  }
0xc: {  	[smem:$0x3FB1] =	sst s4  }
0xd: {  	[smem:$0x3FB2] =	sst s5  }
0xe: {  	[smem:$0x3FB3] =	sst s6  }
0xf: {  	[smem:$0x3FB4] =	sst s7  }
0x10: {  	[smem:$0x3FB5] =	sst s8  }
0x11: {  	[smem:$0x3FB6] =	sst s9;
	s0 =	simm.s32 @!p0 $0x0  }
0x12: {  	s1 =	sld [smem:$0x3F9C];
	s0 =	simm.s32 @p0 $0x1  }
0x13: {  	[smem:$0x3FB7] =	sst s0;
	s0 =	simm.s32 @!p1 $0x0  }
0x14: {  	s2 =	sld [smem:$0x3F9B];
	s0 =	simm.s32 @p1 $0x1  }
0x15: {  	[smem:$0x3FB8] =	sst s0;
	s0 =	simm.s32 @!p2 $0x0  }
0x16: {  	s3 =	sld [smem:$0x3FDB];
	s0 =	simm.s32 @p2 $0x1  }
0x17: {  	s4 =	simm.s32 $0x1BF5;
	[smem:$0x3FBA] =	sst s0  }
0x18: {  	s0 =	sld [smem:$0x3F9D];
	_ =	swait.ge [sflag:s4], $0x0  }
0x19: {  	s7 =	sld [smem:$0x3F9E]  }
0x1a: {  	s8 =	sadd.s32 $0xFFFFE003, lr  }
0x1b: {  	s9 =	sadd.s32 $0xFFFFFEF7, lr;
	s5 =	simm.s32 $0xFFFFFFFF;
	p2 =	slt.u32 s8, $0xFFFFF086  }
0x1c: {  	p1 =	slt.u32 s9, $0xF7A;
	s5 =	simm.s32 @!p2 $0x0  }
0x1d: {  	s5 =	simm.s32 @p1 $0x1;
	p0 =	seq.s32 s7, s2  }
0x1e: {  	s7 =	smul.u32 @!p0 $0xF7A, s2;
	p2 =	seq.s32 @!p0 s5, $0x0  }
0x1f: {  	s9 =	smul.u32 $0xF7A, s1;
	s8 =	simm.s32 @!p0 $0x1BF5;
	p2 =	por !p2, p0  }
0x20: {  	[sflag:s8] =	ssyncset.s32 @!p0 $0xFFFFF086;
	s6 =	sadd.s32 @!p0 s3, s7;
	s7 =	simm.s32 @!p0 $0x108  }
0x21: {  	s3 =	sadd.s32 s3, s9;
	s6 =	sadd.s32 @!p0 $0x88, s6;
	s7 =	simm.s32 @p2 $0x1082  }
0x22: {  	[simem:s7], [sflag:s8] =	dma.local @!p0 [hbm:s6], $0xF7A  }
0x23: {  	s9 =	sor.u32 $0xD0000000, s2;
	s6 =	simm.s32 $0x108;
	_ =	swait.ge @!p0 [sflag:s8], $0x0  }
0x24: {  	s3 =	sadd.s32 $0x88, s3;
	s6 =	simm.s32 @!p1 $0x1082;
	[sflag:s4] =	ssyncset.s32 $0xFFFFF086  }
0x25: {  	[simem:s6], [sflag:s4] =	dma.local [hbm:s3], $0xF7A  }
0x26: {  	[smem:$0x3F9E] =	sst s1;
	(tag) =	ssettag s2;
	_ =	strace s9  }
0x27: {  	s1 =	sld [smem:$0x3FAE]  }
0x28: {  	s2 =	sld [smem:$0x3FAF]  }
0x29: {  	s4 =	sld [smem:$0x3FB1]  }
0x2a: {  	p0 =	seq.s32 s5, $0x0;
	s5 =	sld [smem:$0x3FB2]  }
0x2b: {  	s6 =	sld [smem:$0x3FB3]  }
0x2c: {  	s7 =	sld [smem:$0x3FB4]  }
0x2d: {  	s3 =	simm.s32 $0x108;
	s8 =	sld [smem:$0x3FB5]  }
0x2e: {  	s3 =	simm.s32 @!p0 $0x1082;
	s9 =	sld [smem:$0x3FB6]  }
0x2f: {  	lr =	sadd.s32 s0, s3;
	s0 =	sld [smem:$0x3FAD]  }
0x30: {  	s3 =	sld [smem:$0x3FB0]  }
0x31: {  	[smem:$0x3FB9] =	sst s10  }
0x32: {  	s10 =	sld [smem:$0x3FB7];
	_ =	sdelay $0x3  }
0x33: {  	p0 =	seq.s32 s10, $0x1;
	s10 =	sld [smem:$0x3FB9];
	_ =	sdelay $0x3  }
0x34: {  	[smem:$0x3FB9] =	sst s10  }
0x35: {  	s10 =	sld [smem:$0x3FB8];
	_ =	sdelay $0x3  }
0x36: {  	p1 =	seq.s32 s10, $0x1;
	s10 =	sld [smem:$0x3FB9];
	_ =	sdelay $0x3  }
0x37: {  	[smem:$0x3FB9] =	sst s10  }
0x38: {  	s10 =	sld [smem:$0x3FBA]  }
0x39: {  	_ = 	snop;
	(pc) =	sbr.ind lr, $3  }
0x3a: {  	_ = 	snop  }
0x3b: {  	_ = 	snop  }
0x3c: {  	p2 =	seq.s32 s10, $0x1;
	s10 =	sld [smem:$0x3FB9]  }
0x3d: {  	_ =	shalt  }
0x3e: {  	_ =	shalt  }
0x3f: {  	_ =	shalt  }
0x40: {  	_ =	shalt  }
0x41: {  	_ =	shalt  }
0x42: {  	_ =	shalt  }
0x43: {  	_ =	shalt  }
0x44: {  	_ =	shalt  }
0x45: {  	_ =	shalt  }
0x46: {  	_ =	shalt  }
0x47: {  	_ =	shalt  }
0x48: {  	_ =	shalt  }
0x49: {  	_ =	shalt  }
0x4a: {  	_ =	shalt  }
0x4b: {  	_ =	shalt  }
0x4c: {  	_ =	shalt  }
0x4d: {  	_ =	shalt  }
0x4e: {  	_ =	shalt  }
0x4f: {  	_ =	shalt  }
0x50: {  	_ =	shalt  }
0x51: {  	_ =	shalt  }
0x52: {  	_ =	shalt  }
0x53: {  	_ =	shalt  }
0x54: {  	_ =	shalt  }
0x55: {  	_ =	shalt  }
0x56: {  	_ =	shalt  }
0x57: {  	_ =	shalt  }
0x58: {  	_ =	shalt  }
0x59: {  	_ =	shalt  }
0x5a: {  	_ =	shalt  }
0x5b: {  	_ =	shalt  }
0x5c: {  	_ =	shalt  }
0x5d: {  	_ =	shalt  }
0x5e: {  	_ =	shalt  }
0x5f: {  	_ =	shalt  }
0x60: {  	_ =	shalt  }
0x61: {  	_ =	shalt  }
0x62: {  	_ =	shalt  }
0x63: {  	_ =	shalt  }
0x64: {  	_ =	shalt  }
0x65: {  	_ =	shalt  }
0x66: {  	_ =	shalt  }
0x67: {  	_ =	shalt  }
0x68: {  	_ =	shalt  }
0x69: {  	_ =	shalt  }
0x6a: {  	_ =	shalt  }
0x6b: {  	_ =	shalt  }
0x6c: {  	_ =	shalt  }
0x6d: {  	_ =	shalt  }
0x6e: {  	_ =	shalt  }
0x6f: {  	_ =	shalt  }
0x70: {  	_ =	shalt  }
0x71: {  	_ =	shalt  }
0x72: {  	_ =	shalt  }
0x73: {  	_ =	shalt  }
0x74: {  	_ =	shalt  }
0x75: {  	_ =	shalt  }
0x76: {  	_ =	shalt  }
0x77: {  	_ =	shalt  }
0x78: {  	_ =	shalt  }
0x79: {  	_ =	shalt  }
0x7a: {  	_ =	shalt  }
0x7b: {  	_ =	shalt  }
0x7c: {  	_ =	shalt  }
0x7d: {  	_ =	shalt  }
0x7e: {  	_ =	shalt  }
0x7f: {  	_ =	shalt  }
0x80: {  	_ =	shalt  }
0x81: {  	_ =	shalt  }
0x82: {  	_ =	shalt  }
0x83: {  	_ =	shalt  }
0x84: {  	_ =	shalt  }
0x85: {  	_ =	shalt  }
0x86: {  	_ =	shalt  }
0x87: {  	_ =	shalt  }
.Lfunc_end0:
.L_simem_size_0:
called_computation_lowered:
.L_overlay_start_0:
0x88: {  	s2 =	sld [smem:$0x3FD9]  }
0x89: {  	s3 =	sld [smem:$0x3FFE];
	_ =	sdelay $0x1  }
0x8a: {  	s1 =	srdreg.scid  }
0x8b: {  	s0 =	sand.u32 $0x1, s1  }
0x8c: {  	s17 =	sshll.u32 s0, $0xA;
	s2 =	sadd.s32 s3, s2  }
0x8d: {  	s2 =	sadd.s32 s2, s17  }
0x8e: {  	[smem:$0x3FC5] =	sst s2  }
0x8f: {  	_ = 	snop  }
0x90: {  	s2 =	sld [smem:$0x3FC9]  }
0x91: {  	s18 =	sld [smem:$0x3FC7]  }
0x92: {  	s4 =	sld [smem:$0x3FD0];
	(tm) =	ssettm $0x1  }
0x93: {  	s5 =	sld [smem:$0x3FFB];
	_ =	sdelay $0x3  }
0x94: {  	_ =	strace s5  }
0x95: {  	s5 =	sld [smem:$0x3FFC];
	_ =	sdelay $0x3  }
0x96: {  	_ =	strace s5  }
0x97: {  	s5 =	sld [smem:$0x3FFD];
	_ =	sdelay $0x3  }
0x98: {  	_ =	strace s5  }
0x99: {  	_ =	strace $0x8FFFFFFF  }
0x9a: {  	s19 =	sld [smem:$0x3FDB];
	_ =	sdelay $0x1  }
0x9b: {  	s6 =	simm.s32 $_scs_section_size  }
0x9c: {  	s7 =	simm.s32 $_size__tile_overlayer_lowered;
	s8 =	simm.s32 $_tile_overlayer_lowered  }
0x9d: {  	s22 =	simm.s32 $0x1BFF;
	s21 =	sshll.u32 s8, $0x1;
	s5 =	sadd.s32 s6, s19  }
0x9e: {  	s9 =	simm.s32 $0x0;
	s20 =	sshll.u32 s7, $0x1;
	s7 =	sadd.s32 s21, s5  }
0x9f: {  	[timem:s9], [sflag:s22] =	dma.local [hbm:s7], s20  }
0xa0: {  	_ =	swait.ge [sflag:s22], s20  }
0xa1: {  	s6 =	ssub.s32 $0x0, s20;
	[sflag:s22] =	ssyncset.done $0x0  }
0xa2: {  	[sflag:s22] =	ssyncadd.s32 s6;
	_ =	sdelay $0x1  }
0xa3: {  	s23 =	simm.s32 $0x1B8B  }
0xa4: {  	_ =	swait.ge [sflag:s23], $0x1  }
0xa5: {  	[sflag:s23] =	ssyncset.done $0x0  }
0xa6: {  	s25 =	simm.s32 $0x1B8E;
	s24 =	sld [smem:$0x3FFE];
	[sflag:s23] =	ssyncadd.s32 $0xFFFFFFFF  }
0xa7: {  	s26 =	simm.s32 $execute0_lowered;
	[smem:$0x3FD2] =	sst s25  }
0xa8: {  	s7 =	sshll.u32 s26, $0x1;
	_ =	strace $0x80000046;
	[dreg:$0x1] =	wrdreg $0xFFFFFFFF  }
0xa9: {  	s28 =	simm.s32 $_size_execute0_lowered;
	s5 =	sadd.s32 s5, s7;
	[dreg:$0x0] =	wrdreg $0x0  }
0xaa: {  	s7 =	sshll.u32 s28, $0x1;
	[dreg:$0x2] =	wrdreg s5  }
0xab: {  	[dreg:$0x3] =	wrdreg s7  }
0xac: {  	[dreg:$0x4] =	wrdreg $0xC0  }
0xad: {  	_ =	task [dreg:s9], $0x5FFFF  }
0xae: {  	[dreg:$0x1] =	wrdreg $0xFFFFFFFF  }
0xaf: {  	[dreg:$0x0] =	wrdreg $0x60  }
0xb0: {  	[dreg:$0x2] =	wrdreg s2  }
0xb1: {  	[dreg:$0x3] =	wrdreg s24  }
0xb2: {  	[dreg:$0x4] =	wrdreg s18  }
0xb3: {  	[dreg:$0x5] =	wrdreg s4  }
0xb4: {  	[dreg:$0x6] =	wrdreg $0x184000  }
0xb5: {  	[dreg:$0x7] =	wrdreg $0x9  }
0xb6: {  	_ =	task.clear_ibuf [dreg:s9], $0x8FFFF;
	_ =	strace $0x90000046  }
0xb7: {  	s29 =	simm.s32 $0x9;
	_ =	strace $0x80000048  }
0xb8: {  	_ =	swait.ge [sflag:s29], $0x1  }
0xb9: {  	[sflag:s29] =	ssyncadd.s32 $0xFFFFFFFF  }
0xba: {  	_ =	strace $0x90000048  }
0xbb: {  	_ =	sfence  }
0xbc: {  	s30 =	sld [smem:$0x0];
	_ =	sdelay $0x2  }
0xbd: {  	s31 =	sshll.u32 s1, $0xD;
	s1 =	sshrl.u32 s1, $0x2  }
0xbe: {  	s3 =	sand.u32 $0x4000, s31;
	s1 =	sadd.s32 s1, s30  }
0xbf: {  	s0 =	sor.u32 s3, s0;
	s1 =	sshll.u32 s1, $0x11  }
0xc0: {  	s0 =	sor.u32 s1, s0  }
0xc1: {  	s0 =	sadd.s32 $0x8F2B, s0  }
0xc2: {  	[sflag:s0] =	ssyncadd.remote.s32 $0x1  }
0xc3: {  	_ =	sfence.sel $0xFFFF  }
0xc4: {  	[dreg:$0x0] =	wrdreg $0xFFFFFFFF;
	(pc) =	sbr.abs _section_cstart, $3  }
0xc5: {  	[dreg:$0x1] =	wrdreg $0xFFFFFFFF  }
0xc6: {  	_ =	task.clear_ibuf [dreg:s9], $0x2FFFF;
	_ =	strace $0x9FFFFFFF  }
0xc7: {  	(tm) =	ssettm $0x7FFFFFFF  }
tec
execute0_lowered:
.L_overlay_start_1:
0x0: {  	(tag) =	ssettag $0x1  }
0x1: {  	s25 =	rddreg [dreg:$0x0]  }
0x2: {  	s0 =	rddreg [dreg:$0x1]  }
0x3: {  	s2 =	rddreg [dreg:$0x2]  }
0x4: {  	s1 =	srdreg.scid;
	s30 =	rddreg [dreg:$0x3]  }
0x5: {  	s4 =	stileid.u32;
	s3 =	rddreg [dreg:$0x4]  }
0x6: {  	s7 =	simm.s32 $0x0;
	s12 =	simm.s32 $0x12400;
	s28 =	simm.s32 $0x3  }
0x7: {  	s13 =	simm.s32 $0x2;
	s15 =	simm.s32 $0x4;
	s1 =	sand.u32 $0x1, s1  }
0x8: {  	s5 =	sshll.u32 s4, $0xB;
	[smem:$0x7FF] =	sst s7;
	s10 =	smul.u32 $0x18000, s4  }
0x9: {  	s8 =	sadd.s32 $0x100, s2;
	s9 =	sadd.s32 $0x200, s2;
	s29 =	sadd.s32 $0x600, s30  }
0xa: {  	s7 =	simm.s32 $0x5;
	s6 =	sshll.u32 s1, $0xA;
	_ =	strace $0x80000047  }
0xb: {  	s1 =	ssub.s32 $0x2, s1;
	[dreg:$0x8] =	wrdreg s29;
	s6 =	sor.u32 s6, s5  }
0xc: {  	s23 =	sshrl.u32 s1, $0x1;
	s26 =	sshrl.u32 s10, $0x2;
	s10 =	simm.s32 $0x6  }
0xd: {  	s5 =	sshrl.u32 s6, $0x3;
	s1 =	ssub.s32 s1, s23;
	s11 =	sadd.s32 s26, s3  }
0xe: {  	s22 =	smul.u32 $0x300, s5;
	s0 =	sadd.s32 s5, s0;
	s31 =	smax.u32 s1, $0x1  }
0xf: {  	v2 =	vlaneseq.u32;
	s3 =	simm.s32 $0x0;
	s0 =	sadd.s32 $0x400, s0;
	[dreg:$0x9] =	wrdreg s31  }
0x10: {  	vm0 =	vmmov $0xffff;
	v1 =	vshrl.u32 v2, $0x3;
	s14 =	sadd.s32 $0x3000, s11;
	[dreg:$0x6] =	wrdreg s0;
	s24 =	sadd.s32 s25, s22  }
0x11: {  	v0 =	vand.u32 $0x7, v2;
	v2 =	vor.u32 $0x8, v2;
	v1 =	vmul.u32 $0x8, v1;
	s5 =	simm.s32 $0x7;
	s1 =	simm.s32 $0x8;
	[dreg:$0x7] =	wrdreg s24  }
.LBB2_1:
0x12: {  	[dreg:$0xa] =	wrdreg s3  }
0x13: {  	s0 =	simm.s32 $0x0;
	s24 =	rddreg [dreg:$0x6];
	s26 =	simm.s32 $0x9  }
0x14: {  	[tilespmem:s0], [sflag:$0x9] =	stream.linear.gather [hbm4b:s24+s0], $0x400, $0x38;
	[tilespmem:$0x1E400] =	vst v63  }
0x15: {  	_ =	swait.ge [sflag:s26], $0x400  }
0x16: {  	[sflag:s26] =	ssyncset.done $0x0  }
0x17: {  	[sflag:s26] =	ssyncadd.s32 $0xFFFFFC00  }
0x18: {  	v3 =	vld [tilespmem:$0x0];
	_ =	sdelay $0x4  }
0x19: {  	v4 =	vshrl.u32 v3, $0x3  }
0x1a: {  	v4 =	vmul.u32 $0x30, v4  }
0x1b: {  	v3 =	vand.u32 $0x7, v3  }
0x1c: {  	v3 =	vor.u32 v3, v4  }
0x1d: {  	v4 =	vperm.xlane v3, v0;
	_ =	sdelay $0x1  }
0x1e: {  	v4 =	vadd.s32 v1, v4;
	_ =	sdelay $0x3  }
0x1f: {  	s29 =	simm.s32 $0x400;
	v3 =	vperm.xlane v3, v2  }
0x20: {  	[tilespmem:s29], [sflag:$0x1] =	stream.indirect_vreg.gather [hbm4b:s2+s0], $0x80, v4, vm0, $0xb8;
	[tilespmem:$0x1E400] =	vst v63  }
0x21: {  	s4 =	simm.s32 $0xC00;
	v3 =	vadd.s32 v1, v3  }
0x22: {  	[tilespmem:s4], [sflag:$0x1] =	stream.indirect_vreg.gather [hbm4b:s8+s0], $0x80, v4, vm0, $0xb8;
	[tilespmem:$0x1E400] =	vst v63  }
0x23: {  	s16 =	simm.s32 $0x1400  }
0x24: {  	[tilespmem:s16], [sflag:$0x1] =	stream.indirect_vreg.gather [hbm4b:s9+s0], $0x80, v4, vm0, $0xb8;
	[tilespmem:$0x1E400] =	vst v63  }
0x25: {  	s17 =	simm.s32 $0x1C00  }
0x26: {  	[tilespmem:s17], [sflag:$0x1] =	stream.indirect_vreg.gather [hbm4b:s2+s0], $0x80, v3, vm0, $0xb8;
	[tilespmem:$0x1E400] =	vst v63  }
0x27: {  	s18 =	simm.s32 $0x2400  }
0x28: {  	[tilespmem:s18], [sflag:$0x1] =	stream.indirect_vreg.gather [hbm4b:s8+s0], $0x80, v3, vm0, $0xb8;
	[tilespmem:$0x1E400] =	vst v63  }
0x29: {  	s19 =	simm.s32 $0x2C00  }
0x2a: {  	[tilespmem:s19], [sflag:$0x1] =	stream.indirect_vreg.gather [hbm4b:s9+s0], $0x80, v3, vm0, $0xb8;
	[tilespmem:$0x1E400] =	vst v63  }
0x2b: {  	v3 =	vld [tilespmem:$0x10];
	_ =	sdelay $0x4  }
0x2c: {  	v63 =	vshrl.u32 v3, $0x3  }
0x2d: {  	v4 =	vmul.u32 $0x30, v63  }
0x2e: {  	v3 =	vand.u32 $0x7, v3  }
0x2f: {  	v3 =	vor.u32 v3, v4  }
0x30: {  	v4 =	vperm.xlane v3, v0;
	_ =	sdelay $0x1  }
0x31: {  	v4 =	vadd.s32 v1, v4;
	_ =	sdelay $0x3  }
0x32: {  	s20 =	simm.s32 $0x3400;
	v3 =	vperm.xlane v3, v2  }
0x33: {  	[tilespmem:s20], [sflag:$0x1] =	stream.indirect_vreg.gather [hbm4b:s2+s0], $0x80, v4, vm0, $0xb8;
	[tilespmem:$0x1E400] =	vst v63  }
0x34: {  	s21 =	simm.s32 $0x3C00;
	v3 =	vadd.s32 v1, v3  }
0x35: {  	[tilespmem:s21], [sflag:$0x1] =	stream.indirect_vreg.gather [hbm4b:s8+s0], $0x80, v4, vm0, $0xb8;
	[tilespmem:$0x1E400] =	vst v63  }
0x36: {  	s22 =	simm.s32 $0x4400  }
0x37: {  	[tilespmem:s22], [sflag:$0x1] =	stream.indirect_vreg.gather [hbm4b:s9+s0], $0x80, v4, vm0, $0xb8;
	[tilespmem:$0x1E400] =	vst v63  }
0x38: {  	s23 =	simm.s32 $0x4C00  }
0x39: {  	[tilespmem:s23], [sflag:$0x1] =	stream.indirect_vreg.gather [hbm4b:s2+s0], $0x80, v3, vm0, $0xb8;
	[tilespmem:$0x1E400] =	vst v63  }
0x3a: {  	s24 =	simm.s32 $0x5400  }
0x3b: {  	[tilespmem:s24], [sflag:$0x1] =	stream.indirect_vreg.gather [hbm4b:s8+s0], $0x80, v3, vm0, $0xb8;
	[tilespmem:$0x1E400] =	vst v63  }
0x3c: {  	s26 =	simm.s32 $0x5C00  }
0x3d: {  	[tilespmem:s26], [sflag:$0x1] =	stream.indirect_vreg.gather [hbm4b:s9+s0], $0x80, v3, vm0, $0xb8;
	[tilespmem:$0x1E400] =	vst v63  }
0x3e: {  	s31 =	simm.s32 $0x0;
	s29 =	rddreg [dreg:$0x7];
	s4 =	simm.s32 $0xC400  }
0x3f: {  	[tilespmem:s4], [sflag:$0x3] =	stream.linear.gather [hbm4b:s29+s0], $0x6000, $0x38;
	[tilespmem:$0x1E400] =	vst v63  }
.LBB2_2:
0x40: {  	s17 =	sshll.u32 s31, $0x6  }
0x41: {  	v3 =	vld [tilespmem:s17+$0x20];
	_ =	sdelay $0x4  }
0x42: {  	v4 =	vshrl.u32 v3, $0x3  }
0x43: {  	v4 =	vmul.u32 $0x30, v4  }
0x44: {  	v3 =	vand.u32 $0x7, v3  }
0x45: {  	v3 =	vor.u32 v3, v4  }
0x46: {  	v4 =	vperm.xlane v3, v0;
	_ =	sdelay $0x1  }
0x47: {  	v4 =	vadd.s32 v1, v4;
	_ =	sdelay $0x3  }
0x48: {  	s18 =	simm.s32 $0x0;
	s0 =	simm.s32 $0x6400;
	v3 =	vperm.xlane v3, v2  }
0x49: {  	[tilespmem:s0], [sflag:$0x2] =	stream.indirect_vreg.gather [hbm4b:s2+s18], $0x80, v4, vm0, $0xb8;
	[tilespmem:$0x1E400] =	vst v63  }
0x4a: {  	s26 =	simm.s32 $0x6C00;
	v3 =	vadd.s32 v1, v3  }
0x4b: {  	[tilespmem:s26], [sflag:$0x2] =	stream.indirect_vreg.gather [hbm4b:s8+s18], $0x80, v4, vm0, $0xb8;
	[tilespmem:$0x1E400] =	vst v63  }
0x4c: {  	s29 =	simm.s32 $0x7400  }
0x4d: {  	[tilespmem:s29], [sflag:$0x2] =	stream.indirect_vreg.gather [hbm4b:s9+s18], $0x80, v4, vm0, $0xb8;
	[tilespmem:$0x1E400] =	vst v63  }
0x4e: {  	s3 =	simm.s32 $0x7C00  }
0x4f: {  	[tilespmem:s3], [sflag:$0x2] =	stream.indirect_vreg.gather [hbm4b:s2+s18], $0x80, v3, vm0, $0xb8;
	[tilespmem:$0x1E400] =	vst v63  }
0x50: {  	s4 =	simm.s32 $0x8400  }
0x51: {  	[tilespmem:s4], [sflag:$0x2] =	stream.indirect_vreg.gather [hbm4b:s8+s18], $0x80, v3, vm0, $0xb8;
	[tilespmem:$0x1E400] =	vst v63  }
0x52: {  	s16 =	simm.s32 $0x8C00  }
0x53: {  	[tilespmem:s16], [sflag:$0x2] =	stream.indirect_vreg.gather [hbm4b:s9+s18], $0x80, v3, vm0, $0xb8;
	[tilespmem:$0x1E400] =	vst v63  }
0x54: {  	v3 =	vld [tilespmem:s17+$0x30];
	_ =	sdelay $0x4  }
0x55: {  	v63 =	vshrl.u32 v3, $0x3  }
0x56: {  	v4 =	vmul.u32 $0x30, v63  }
0x57: {  	v3 =	vand.u32 $0x7, v3  }
0x58: {  	v3 =	vor.u32 v3, v4  }
0x59: {  	v4 =	vperm.xlane v3, v0;
	_ =	sdelay $0x1  }
0x5a: {  	v4 =	vadd.s32 v1, v4;
	_ =	sdelay $0x3  }
0x5b: {  	s19 =	simm.s32 $0x9400;
	v3 =	vperm.xlane v3, v2  }
0x5c: {  	[tilespmem:s19], [sflag:$0x2] =	stream.indirect_vreg.gather [hbm4b:s2+s18], $0x80, v4, vm0, $0xb8;
	[tilespmem:$0x1E400] =	vst v63  }
0x5d: {  	s20 =	simm.s32 $0x9C00;
	v3 =	vadd.s32 v1, v3  }
0x5e: {  	[tilespmem:s20], [sflag:$0x2] =	stream.indirect_vreg.gather [hbm4b:s8+s18], $0x80, v4, vm0, $0xb8;
	[tilespmem:$0x1E400] =	vst v63  }
0x5f: {  	s21 =	simm.s32 $0xA400  }
0x60: {  	[tilespmem:s21], [sflag:$0x2] =	stream.indirect_vreg.gather [hbm4b:s9+s18], $0x80, v4, vm0, $0xb8;
	[tilespmem:$0x1E400] =	vst v63  }
0x61: {  	s22 =	simm.s32 $0xAC00;
	s23 =	sor.u32 $0x20, s17  }
0x62: {  	[tilespmem:s22], [sflag:$0x2] =	stream.indirect_vreg.gather [hbm4b:s2+s18], $0x80, v3, vm0, $0xb8;
	[tilespmem:$0x1E400] =	vst v63  }
0x63: {  	s0 =	sor.u32 s6, s23;
	s3 =	simm.s32 $0xB400  }
0x64: {  	[tilespmem:s3], [sflag:$0x2] =	stream.indirect_vreg.gather [hbm4b:s8+s18], $0x80, v3, vm0, $0xb8;
	[tilespmem:$0x1E400] =	vst v63  }
0x65: {  	s3 =	sshrl.u32 s0, $0x3  }
0x66: {  	s24 =	simm.s32 $0xBC00;
	s16 =	smul.u32 $0x300, s3  }
0x67: {  	[tilespmem:s24], [sflag:$0x2] =	stream.indirect_vreg.gather [hbm4b:s9+s18], $0x80, v3, vm0, $0xb8;
	[tilespmem:$0x1E400] =	vst v63  }
0x68: {  	s29 =	simm.s32 $0x1;
	s26 =	sadd.s32 s25, s16  }
0x69: {  	[tilespmem:s12], [sflag:$0x4] =	stream.linear.gather [hbm4b:s26+s18], $0x6000, $0x38;
	[tilespmem:$0x1E400] =	vst v63  }
0x6a: {  	_ =	swait.ge [sflag:s29], $0x6000  }
0x6b: {  	[sflag:s29] =	ssyncset.done $0x0  }
0x6c: {  	[sflag:s29] =	ssyncadd.s32 $0xFFFFA000  }
0x6d: {  	_ =	swait.ge [sflag:s28], $0x6000  }
0x6e: {  	[sflag:s28] =	ssyncset.done $0x0  }
0x6f: {  	s19 =	simm.s32 $0xFFFFFFFE;
	[sflag:s28] =	ssyncadd.s32 $0xFFFFA000  }
.LBB2_3:
0x70: {  	s19 =	sadd.s32 $0x2, s19  }
0x71: {  	s0 =	sshrl.u32 s19, $0x3  }
0x72: {  	s20 =	smul.u32 $0x1800, s0  }
0x73: {  	s23 =	sand.u32 $0x300, s18  }
0x74: {  	s0 =	sor.u32 s23, s20  }
0x75: {  	v3 =	vld [tilespmem:s0+$0x400]  }
0x76: {  	v4 =	vld [tilespmem:s0+$0x420]  }
0x77: {  	v5 =	vld [tilespmem:s0+$0x430]  }
0x78: {  	v6 =	vld [tilespmem:s0+$0x440]  }
0x79: {  	v7 =	vld [tilespmem:s0+$0x450]  }
0x7a: {  	v32 =	vld [tilespmem:s0+$0x470]  }
0x7b: {  	v33 =	vld [tilespmem:s0+$0x800]  }
0x7c: {  	v34 =	vld [tilespmem:s0+$0x810]  }
0x7d: {  	v35 =	vld [tilespmem:s0+$0x820]  }
0x7e: {  	v36 =	vld [tilespmem:s0+$0x840]  }
0x7f: {  	v37 =	vld [tilespmem:s0+$0x850]  }
0x80: {  	v38 =	vld [tilespmem:s0+$0x860]  }
0x81: {  	v39 =	vld [tilespmem:s0+$0x870]  }
0x82: {  	[tilespmem:s0+$0xC400] =	vst.add.f32.msk $0xffff, v3  }
0x83: {  	v3 =	vld [tilespmem:s0+$0x410]  }
0x84: {  	[tilespmem:s0+$0xC420] =	vst.add.f32.msk $0xffff, v4  }
0x85: {  	[tilespmem:s0+$0xC430] =	vst.add.f32.msk $0xffff, v5  }
0x86: {  	[tilespmem:s0+$0xC440] =	vst.add.f32.msk $0xffff, v6  }
0x87: {  	[tilespmem:s0+$0xC450] =	vst.add.f32.msk $0xffff, v7  }
0x88: {  	[tilespmem:s0+$0xC410] =	vst.add.f32.msk $0xffff, v3  }
0x89: {  	v3 =	vld [tilespmem:s0+$0x460]  }
0x8a: {  	[tilespmem:s0+$0xC470] =	vst.add.f32.msk $0xffff, v32  }
0x8b: {  	[tilespmem:s0+$0xC800] =	vst.add.f32.msk $0xffff, v33  }
0x8c: {  	[tilespmem:s0+$0xC810] =	vst.add.f32.msk $0xffff, v34  }
0x8d: {  	[tilespmem:s0+$0xC820] =	vst.add.f32.msk $0xffff, v35  }
0x8e: {  	[tilespmem:s0+$0xC460] =	vst.add.f32.msk $0xffff, v3  }
0x8f: {  	v3 =	vld [tilespmem:s0+$0x830]  }
0x90: {  	[tilespmem:s0+$0xC840] =	vst.add.f32.msk $0xffff, v36  }
0x91: {  	[tilespmem:s0+$0xC850] =	vst.add.f32.msk $0xffff, v37  }
0x92: {  	[tilespmem:s0+$0xC860] =	vst.add.f32.msk $0xffff, v38  }
0x93: {  	s21 =	sadd.s32 $0x800, s20;
	[tilespmem:s0+$0xC870] =	vst.add.f32.msk $0xffff, v39  }
0x94: {  	s26 =	sor.u32 s23, s21;
	[tilespmem:s0+$0xC830] =	vst.add.f32.msk $0xffff, v3  }
0x95: {  	v3 =	vld [tilespmem:s26+$0x400]  }
0x96: {  	v4 =	vld [tilespmem:s26+$0x410]  }
0x97: {  	v5 =	vld [tilespmem:s26+$0x420]  }
0x98: {  	v40 =	vld [tilespmem:s26+$0x440]  }
0x99: {  	v41 =	vld [tilespmem:s26+$0x450]  }
0x9a: {  	v6 =	vld [tilespmem:s26+$0x460]  }
0x9b: {  	v7 =	vld [tilespmem:s26+$0x470]  }
0x9c: {  	[tilespmem:s26+$0xC400] =	vst.add.f32.msk $0xffff, v3  }
0x9d: {  	[tilespmem:s26+$0xC410] =	vst.add.f32.msk $0xffff, v4  }
0x9e: {  	[tilespmem:s26+$0xC420] =	vst.add.f32.msk $0xffff, v5  }
0x9f: {  	v3 =	vld [tilespmem:s26+$0x430]  }
0xa0: {  	[tilespmem:s26+$0xC440] =	vst.add.f32.msk $0xffff, v40  }
0xa1: {  	[tilespmem:s26+$0xC450] =	vst.add.f32.msk $0xffff, v41  }
0xa2: {  	[tilespmem:s26+$0xC460] =	vst.add.f32.msk $0xffff, v6  }
0xa3: {  	s22 =	sadd.s32 $0xC00, s20;
	[tilespmem:s26+$0xC470] =	vst.add.f32.msk $0xffff, v7  }
0xa4: {  	s29 =	sor.u32 s23, s22;
	[tilespmem:s26+$0xC430] =	vst.add.f32.msk $0xffff, v3  }
0xa5: {  	v3 =	vld [tilespmem:s29+$0x400]  }
0xa6: {  	v4 =	vld [tilespmem:s29+$0x410]  }
0xa7: {  	v5 =	vld [tilespmem:s29+$0x420]  }
0xa8: {  	v42 =	vld [tilespmem:s29+$0x440]  }
0xa9: {  	v43 =	vld [tilespmem:s29+$0x450]  }
0xaa: {  	v6 =	vld [tilespmem:s29+$0x460]  }
0xab: {  	v7 =	vld [tilespmem:s29+$0x470]  }
0xac: {  	[tilespmem:s29+$0xC400] =	vst.add.f32.msk $0xffff, v3  }
0xad: {  	[tilespmem:s29+$0xC410] =	vst.add.f32.msk $0xffff, v4  }
0xae: {  	[tilespmem:s29+$0xC420] =	vst.add.f32.msk $0xffff, v5  }
0xaf: {  	v3 =	vld [tilespmem:s29+$0x430]  }
0xb0: {  	[tilespmem:s29+$0xC440] =	vst.add.f32.msk $0xffff, v42  }
0xb1: {  	[tilespmem:s29+$0xC450] =	vst.add.f32.msk $0xffff, v43  }
0xb2: {  	[tilespmem:s29+$0xC460] =	vst.add.f32.msk $0xffff, v6  }
0xb3: {  	s24 =	sadd.s32 $0x1000, s20;
	[tilespmem:s29+$0xC470] =	vst.add.f32.msk $0xffff, v7  }
0xb4: {  	s12 =	sor.u32 s23, s24;
	[tilespmem:s29+$0xC430] =	vst.add.f32.msk $0xffff, v3  }
0xb5: {  	v3 =	vld [tilespmem:s12+$0x400]  }
0xb6: {  	v4 =	vld [tilespmem:s12+$0x410]  }
0xb7: {  	v5 =	vld [tilespmem:s12+$0x420]  }
0xb8: {  	v44 =	vld [tilespmem:s12+$0x440]  }
0xb9: {  	v45 =	vld [tilespmem:s12+$0x450]  }
0xba: {  	v6 =	vld [tilespmem:s12+$0x460]  }
0xbb: {  	v7 =	vld [tilespmem:s12+$0x470]  }
0xbc: {  	[tilespmem:s12+$0xC400] =	vst.add.f32.msk $0xffff, v3  }
0xbd: {  	[tilespmem:s12+$0xC410] =	vst.add.f32.msk $0xffff, v4  }
0xbe: {  	[tilespmem:s12+$0xC420] =	vst.add.f32.msk $0xffff, v5  }
0xbf: {  	v3 =	vld [tilespmem:s12+$0x430]  }
0xc0: {  	[tilespmem:s12+$0xC440] =	vst.add.f32.msk $0xffff, v44  }
0xc1: {  	[tilespmem:s12+$0xC450] =	vst.add.f32.msk $0xffff, v45  }
0xc2: {  	[tilespmem:s12+$0xC460] =	vst.add.f32.msk $0xffff, v6  }
0xc3: {  	s0 =	sadd.s32 $0x1400, s20;
	[tilespmem:s12+$0xC470] =	vst.add.f32.msk $0xffff, v7  }
0xc4: {  	s29 =	sor.u32 s23, s0;
	[tilespmem:s12+$0xC430] =	vst.add.f32.msk $0xffff, v3  }
0xc5: {  	v3 =	vld [tilespmem:s29+$0x400]  }
0xc6: {  	v4 =	vld [tilespmem:s29+$0x410]  }
0xc7: {  	v5 =	vld [tilespmem:s29+$0x420]  }
0xc8: {  	v46 =	vld [tilespmem:s29+$0x440]  }
0xc9: {  	v47 =	vld [tilespmem:s29+$0x450]  }
0xca: {  	v6 =	vld [tilespmem:s29+$0x460]  }
0xcb: {  	v7 =	vld [tilespmem:s29+$0x470]  }
0xcc: {  	[tilespmem:s29+$0xC400] =	vst.add.f32.msk $0xffff, v3  }
0xcd: {  	[tilespmem:s29+$0xC410] =	vst.add.f32.msk $0xffff, v4  }
0xce: {  	[tilespmem:s29+$0xC420] =	vst.add.f32.msk $0xffff, v5  }
0xcf: {  	v3 =	vld [tilespmem:s29+$0x430]  }
0xd0: {  	[tilespmem:s29+$0xC440] =	vst.add.f32.msk $0xffff, v46  }
0xd1: {  	[tilespmem:s29+$0xC450] =	vst.add.f32.msk $0xffff, v47  }
0xd2: {  	[tilespmem:s29+$0xC460] =	vst.add.f32.msk $0xffff, v6  }
0xd3: {  	s4 =	sor.u32 $0x80, s23;
	[tilespmem:s29+$0xC470] =	vst.add.f32.msk $0xffff, v7  }
0xd4: {  	s20 =	sor.u32 s20, s4;
	[tilespmem:s29+$0xC430] =	vst.add.f32.msk $0xffff, v3  }
0xd5: {  	v3 =	vld [tilespmem:s20+$0x400]  }
0xd6: {  	v4 =	vld [tilespmem:s20+$0x420]  }
0xd7: {  	v5 =	vld [tilespmem:s20+$0x430]  }
0xd8: {  	v6 =	vld [tilespmem:s20+$0x440]  }
0xd9: {  	v7 =	vld [tilespmem:s20+$0x450]  }
0xda: {  	v48 =	vld [tilespmem:s20+$0x470]  }
0xdb: {  	v49 =	vld [tilespmem:s20+$0x800]  }
0xdc: {  	v50 =	vld [tilespmem:s20+$0x810]  }
0xdd: {  	v51 =	vld [tilespmem:s20+$0x820]  }
0xde: {  	v52 =	vld [tilespmem:s20+$0x840]  }
0xdf: {  	v53 =	vld [tilespmem:s20+$0x850]  }
0xe0: {  	v54 =	vld [tilespmem:s20+$0x860]  }
0xe1: {  	v55 =	vld [tilespmem:s20+$0x870]  }
0xe2: {  	[tilespmem:s20+$0xC400] =	vst.add.f32.msk $0xffff, v3  }
0xe3: {  	v3 =	vld [tilespmem:s20+$0x410]  }
0xe4: {  	[tilespmem:s20+$0xC420] =	vst.add.f32.msk $0xffff, v4  }
0xe5: {  	[tilespmem:s20+$0xC430] =	vst.add.f32.msk $0xffff, v5  }
0xe6: {  	[tilespmem:s20+$0xC440] =	vst.add.f32.msk $0xffff, v6  }
0xe7: {  	[tilespmem:s20+$0xC450] =	vst.add.f32.msk $0xffff, v7  }
0xe8: {  	[tilespmem:s20+$0xC410] =	vst.add.f32.msk $0xffff, v3  }
0xe9: {  	v3 =	vld [tilespmem:s20+$0x460]  }
0xea: {  	[tilespmem:s20+$0xC470] =	vst.add.f32.msk $0xffff, v48  }
0xeb: {  	[tilespmem:s20+$0xC800] =	vst.add.f32.msk $0xffff, v49  }
0xec: {  	[tilespmem:s20+$0xC810] =	vst.add.f32.msk $0xffff, v50  }
0xed: {  	[tilespmem:s20+$0xC820] =	vst.add.f32.msk $0xffff, v51  }
0xee: {  	[tilespmem:s20+$0xC460] =	vst.add.f32.msk $0xffff, v3  }
0xef: {  	v3 =	vld [tilespmem:s20+$0x830]  }
0xf0: {  	[tilespmem:s20+$0xC840] =	vst.add.f32.msk $0xffff, v52  }
0xf1: {  	[tilespmem:s20+$0xC850] =	vst.add.f32.msk $0xffff, v53  }
0xf2: {  	[tilespmem:s20+$0xC860] =	vst.add.f32.msk $0xffff, v54  }
0xf3: {  	[tilespmem:s20+$0xC870] =	vst.add.f32.msk $0xffff, v55  }
0xf4: {  	s23 =	sor.u32 s4, s21;
	[tilespmem:s20+$0xC830] =	vst.add.f32.msk $0xffff, v3  }
0xf5: {  	v3 =	vld [tilespmem:s23+$0x400]  }
0xf6: {  	v4 =	vld [tilespmem:s23+$0x410]  }
0xf7: {  	v5 =	vld [tilespmem:s23+$0x420]  }
0xf8: {  	v56 =	vld [tilespmem:s23+$0x440]  }
0xf9: {  	v57 =	vld [tilespmem:s23+$0x450]  }
0xfa: {  	v6 =	vld [tilespmem:s23+$0x460]  }
0xfb: {  	v7 =	vld [tilespmem:s23+$0x470]  }
0xfc: {  	[tilespmem:s23+$0xC400] =	vst.add.f32.msk $0xffff, v3  }
0xfd: {  	[tilespmem:s23+$0xC410] =	vst.add.f32.msk $0xffff, v4  }
0xfe: {  	[tilespmem:s23+$0xC420] =	vst.add.f32.msk $0xffff, v5  }
0xff: {  	v3 =	vld [tilespmem:s23+$0x430]  }
0x100: {  	[tilespmem:s23+$0xC440] =	vst.add.f32.msk $0xffff, v56  }
0x101: {  	[tilespmem:s23+$0xC450] =	vst.add.f32.msk $0xffff, v57  }
0x102: {  	[tilespmem:s23+$0xC460] =	vst.add.f32.msk $0xffff, v6  }
0x103: {  	[tilespmem:s23+$0xC470] =	vst.add.f32.msk $0xffff, v7  }
0x104: {  	s26 =	sor.u32 s4, s22;
	[tilespmem:s23+$0xC430] =	vst.add.f32.msk $0xffff, v3  }
0x105: {  	v3 =	vld [tilespmem:s26+$0x400]  }
0x106: {  	v4 =	vld [tilespmem:s26+$0x410]  }
0x107: {  	v5 =	vld [tilespmem:s26+$0x420]  }
0x108: {  	v58 =	vld [tilespmem:s26+$0x440]  }
0x109: {  	v59 =	vld [tilespmem:s26+$0x450]  }
0x10a: {  	v6 =	vld [tilespmem:s26+$0x460]  }
0x10b: {  	v7 =	vld [tilespmem:s26+$0x470]  }
0x10c: {  	[tilespmem:s26+$0xC400] =	vst.add.f32.msk $0xffff, v3  }
0x10d: {  	[tilespmem:s26+$0xC410] =	vst.add.f32.msk $0xffff, v4  }
0x10e: {  	[tilespmem:s26+$0xC420] =	vst.add.f32.msk $0xffff, v5  }
0x10f: {  	v3 =	vld [tilespmem:s26+$0x430]  }
0x110: {  	[tilespmem:s26+$0xC440] =	vst.add.f32.msk $0xffff, v58  }
0x111: {  	[tilespmem:s26+$0xC450] =	vst.add.f32.msk $0xffff, v59  }
0x112: {  	[tilespmem:s26+$0xC460] =	vst.add.f32.msk $0xffff, v6  }
0x113: {  	[tilespmem:s26+$0xC470] =	vst.add.f32.msk $0xffff, v7  }
0x114: {  	s29 =	sor.u32 s4, s24;
	[tilespmem:s26+$0xC430] =	vst.add.f32.msk $0xffff, v3  }
0x115: {  	v3 =	vld [tilespmem:s29+$0x400]  }
0x116: {  	v4 =	vld [tilespmem:s29+$0x410]  }
0x117: {  	v5 =	vld [tilespmem:s29+$0x420]  }
0x118: {  	v60 =	vld [tilespmem:s29+$0x440]  }
0x119: {  	v61 =	vld [tilespmem:s29+$0x450]  }
0x11a: {  	v6 =	vld [tilespmem:s29+$0x460]  }
0x11b: {  	v7 =	vld [tilespmem:s29+$0x470]  }
0x11c: {  	[tilespmem:s29+$0xC400] =	vst.add.f32.msk $0xffff, v3  }
0x11d: {  	[tilespmem:s29+$0xC410] =	vst.add.f32.msk $0xffff, v4  }
0x11e: {  	[tilespmem:s29+$0xC420] =	vst.add.f32.msk $0xffff, v5  }
0x11f: {  	v3 =	vld [tilespmem:s29+$0x430]  }
0x120: {  	[tilespmem:s29+$0xC440] =	vst.add.f32.msk $0xffff, v60  }
0x121: {  	[tilespmem:s29+$0xC450] =	vst.add.f32.msk $0xffff, v61  }
0x122: {  	[tilespmem:s29+$0xC460] =	vst.add.f32.msk $0xffff, v6  }
0x123: {  	[tilespmem:s29+$0xC470] =	vst.add.f32.msk $0xffff, v7  }
0x124: {  	s0 =	sor.u32 s4, s0;
	[tilespmem:s29+$0xC430] =	vst.add.f32.msk $0xffff, v3  }
0x125: {  	v3 =	vld [tilespmem:s0+$0x400]  }
0x126: {  	v4 =	vld [tilespmem:s0+$0x410]  }
0x127: {  	v5 =	vld [tilespmem:s0+$0x420]  }
0x128: {  	v62 =	vld [tilespmem:s0+$0x440]  }
0x129: {  	v63 =	vld [tilespmem:s0+$0x450]  }
0x12a: {  	v6 =	vld [tilespmem:s0+$0x460]  }
0x12b: {  	v7 =	vld [tilespmem:s0+$0x470]  }
0x12c: {  	[tilespmem:s0+$0xC400] =	vst.add.f32.msk $0xffff, v3  }
0x12d: {  	[tilespmem:s0+$0xC410] =	vst.add.f32.msk $0xffff, v4  }
0x12e: {  	[tilespmem:s0+$0xC420] =	vst.add.f32.msk $0xffff, v5  }
0x12f: {  	p0 =	slt.u32 s19, $0x1E;
	v3 =	vld [tilespmem:s0+$0x430]  }
.Ltmp0:
0x130: {  	[tilespmem:s0+$0xC440] =	vst.add.f32.msk $0xffff, v62;
	(pc) =	sbr.rel @p0 .LBB2_3-.Ltmp0, $4  }
0x131: {  	[tilespmem:s0+$0xC450] =	vst.add.f32.msk $0xffff, v63  }
0x132: {  	[tilespmem:s0+$0xC460] =	vst.add.f32.msk $0xffff, v6  }
0x133: {  	[tilespmem:s0+$0xC470] =	vst.add.f32.msk $0xffff, v7  }
0x134: {  	s18 =	sadd.s32 $0x100, s18;
	[tilespmem:s0+$0xC430] =	vst.add.f32.msk $0xffff, v3  }
0x135: {  	p0 =	sne.s32 s31, $0x0  }
0x136: {  	s0 =	simm.s32 @p0 $0x7  }
0x137: {  	_ =	swait.ge @p0 [sflag:s0], $0x600  }
0x138: {  	[sflag:s0] =	ssyncset.done @p0 $0x0  }
0x139: {  	[sflag:s0] =	ssyncadd.s32 @p0 $0xFFFFFA00;
	s0 =	simm.s32 @p0 $0xC400  }
0x13a: {  	[spmem:s11] =	stream.linear.scatter @p0 [tilespmem:s0], [sflag:$0x5], $0x3000, $0x38;
	[tilespmem:$0x1E400] =	vst v63  }
0x13b: {  	s0 =	simm.s32 @p0 $0x8  }
0x13c: {  	_ =	swait.ge @p0 [sflag:s0], $0x600  }
0x13d: {  	[sflag:s0] =	ssyncset.done @p0 $0x0  }
0x13e: {  	s29 =	sor.u32 s6, s17;
	[sflag:s0] =	ssyncadd.s32 @p0 $0xFFFFFA00;
	s0 =	simm.s32 @!p0 $0xC400  }
0x13f: {  	[spmem:s11] =	stream.linear.scatter @!p0 [tilespmem:s0], [sflag:$0x5], $0x3000, $0x38;
	[tilespmem:$0x1E400] =	vst v63  }
0x140: {  	s26 =	simm.s32 $0xF400;
	s0 =	sshrl.u32 s29, $0x3  }
0x141: {  	[spmem:s14] =	stream.linear.scatter [tilespmem:s26], [sflag:$0x6], $0x3000, $0x38;
	[tilespmem:$0x1E400] =	vst v63  }
0x142: {  	s4 =	stileid.u32;
	s0 =	smul.u32 $0x300, s0;
	_ =	swait.ge [sflag:s7], $0x3000  }
0x143: {  	s20 =	sshrl.u32 s11, $0x3;
	s12 =	sshll.u32 s4, $0x6;
	[sflag:s7] =	ssyncset.done $0x0  }
0x144: {  	s18 =	sor.u32 $0x1C07, s12;
	s19 =	sadd.s32 s30, s0;
	[sflag:s7] =	ssyncadd.s32 $0xFFFFD000  }
0x145: {  	[hbm:s19], [sflag:s18] =	dma.local [spmem:s20], $0x600  }
0x146: {  	s21 =	sshrl.u32 s14, $0x3;
	p0 =	seq.s32 s31, $0xF;
	_ =	swait.ge [sflag:s10], $0x3000  }
0x147: {  	s26 =	smov.u32 s30;
	[sflag:s10] =	ssyncset.done $0x0;
	s30 =	rddreg [dreg:$0x8]  }
0x148: {  	s19 =	sor.u32 $0x1C08, s12;
	[sflag:s10] =	ssyncadd.s32 $0xFFFFD000;
	s0 =	sadd.s32 s0, s30  }
0x149: {  	[hbm:s0], [sflag:s19] =	dma.local [spmem:s21], $0x600  }
0x14a: {  	v3 =	vld @!p0 [tilespmem:s17+$0x40];
	_ =	sdelay $0x4  }
0x14b: {  	v4 =	vshrl.u32 @!p0 v3, $0x3  }
0x14c: {  	v4 =	vmul.u32 @!p0 $0x30, v4  }
0x14d: {  	v5 =	vlaneseq.u32 @!p0;
	v3 =	vand.u32 @!p0 $0x7, v3  }
0x14e: {  	v6 =	vshrl.u32 @!p0 v5, $0x3;
	v3 =	vor.u32 @!p0 v3, v4;
	v4 =	vand.u32 @!p0 $0x7, v5  }
0x14f: {  	v6 =	vmul.u32 @!p0 $0x8, v6;
	v7 =	vperm.xlane @!p0 v3, v4;
	_ =	sdelay $0x1  }
0x150: {  	v7 =	vadd.s32 @!p0 v6, v7;
	_ =	sdelay $0x2  }
0x151: {  	v5 =	vor.u32 @!p0 $0x8, v5  }
0x152: {  	vm1 =	vmmov @!p0 $0xffff;
	s12 =	simm.s32 @!p0 $0x400;
	s0 =	simm.s32 @!p0 $0x0;
	v3 =	vperm.xlane @!p0 v3, v5  }
0x153: {  	[tilespmem:s12], [sflag:$0x1] =	stream.indirect_vreg.gather @!p0 [hbm4b:s2+s0], $0x80, v7, vm1, $0xb8;
	[tilespmem:$0x1E400] =	vst v63  }
0x154: {  	v3 =	vadd.s32 @!p0 v6, v3;
	s12 =	simm.s32 @!p0 $0xC00  }
0x155: {  	[tilespmem:s12], [sflag:$0x1] =	stream.indirect_vreg.gather @!p0 [hbm4b:s8+s0], $0x80, v7, vm1, $0xb8;
	[tilespmem:$0x1E400] =	vst v63  }
0x156: {  	s12 =	simm.s32 @!p0 $0x1400  }
0x157: {  	[tilespmem:s12], [sflag:$0x1] =	stream.indirect_vreg.gather @!p0 [hbm4b:s9+s0], $0x80, v7, vm1, $0xb8;
	[tilespmem:$0x1E400] =	vst v63  }
0x158: {  	s12 =	simm.s32 @!p0 $0x1C00  }
0x159: {  	[tilespmem:s12], [sflag:$0x1] =	stream.indirect_vreg.gather @!p0 [hbm4b:s2+s0], $0x80, v3, vm1, $0xb8;
	[tilespmem:$0x1E400] =	vst v63  }
0x15a: {  	s12 =	simm.s32 @!p0 $0x2400  }
0x15b: {  	[tilespmem:s12], [sflag:$0x1] =	stream.indirect_vreg.gather @!p0 [hbm4b:s8+s0], $0x80, v3, vm1, $0xb8;
	[tilespmem:$0x1E400] =	vst v63  }
0x15c: {  	s12 =	simm.s32 @!p0 $0x2C00  }
0x15d: {  	[tilespmem:s12], [sflag:$0x1] =	stream.indirect_vreg.gather @!p0 [hbm4b:s9+s0], $0x80, v3, vm1, $0xb8;
	[tilespmem:$0x1E400] =	vst v63  }
0x15e: {  	v3 =	vld @!p0 [tilespmem:s17+$0x50];
	_ =	sdelay $0x4  }
0x15f: {  	v7 =	vshrl.u32 @!p0 v3, $0x3  }
0x160: {  	v7 =	vmul.u32 @!p0 $0x30, v7  }
0x161: {  	v3 =	vand.u32 @!p0 $0x7, v3  }
0x162: {  	v3 =	vor.u32 @!p0 v3, v7  }
0x163: {  	v4 =	vperm.xlane @!p0 v3, v4;
	_ =	sdelay $0x1  }
0x164: {  	v4 =	vadd.s32 @!p0 v6, v4;
	_ =	sdelay $0x3  }
0x165: {  	s12 =	simm.s32 @!p0 $0x3400;
	v3 =	vperm.xlane @!p0 v3, v5  }
0x166: {  	[tilespmem:s12], [sflag:$0x1] =	stream.indirect_vreg.gather @!p0 [hbm4b:s2+s0], $0x80, v4, vm1, $0xb8;
	[tilespmem:$0x1E400] =	vst v63  }
0x167: {  	v3 =	vadd.s32 @!p0 v6, v3;
	s12 =	simm.s32 @!p0 $0x3C00  }
0x168: {  	[tilespmem:s12], [sflag:$0x1] =	stream.indirect_vreg.gather @!p0 [hbm4b:s8+s0], $0x80, v4, vm1, $0xb8;
	[tilespmem:$0x1E400] =	vst v63  }
0x169: {  	s12 =	simm.s32 @!p0 $0x4400  }
0x16a: {  	[tilespmem:s12], [sflag:$0x1] =	stream.indirect_vreg.gather @!p0 [hbm4b:s9+s0], $0x80, v4, vm1, $0xb8;
	[tilespmem:$0x1E400] =	vst v63  }
0x16b: {  	s12 =	simm.s32 @!p0 $0x4C00  }
0x16c: {  	[tilespmem:s12], [sflag:$0x1] =	stream.indirect_vreg.gather @!p0 [hbm4b:s2+s0], $0x80, v3, vm1, $0xb8;
	[tilespmem:$0x1E400] =	vst v63  }
0x16d: {  	s12 =	sadd.s32 @!p0 $0x40, s17  }
0x16e: {  	s17 =	simm.s32 @!p0 $0x5400;
	s12 =	sadd.s32 @!p0 s6, s12  }
0x16f: {  	[tilespmem:s17], [sflag:$0x1] =	stream.indirect_vreg.gather @!p0 [hbm4b:s8+s0], $0x80, v3, vm1, $0xb8;
	[tilespmem:$0x1E400] =	vst v63  }
0x170: {  	s12 =	sshrl.u32 @!p0 s12, $0x3  }
0x171: {  	s17 =	simm.s32 @!p0 $0x5C00;
	s12 =	smul.u32 @!p0 $0x300, s12  }
0x172: {  	[tilespmem:s17], [sflag:$0x1] =	stream.indirect_vreg.gather @!p0 [hbm4b:s9+s0], $0x80, v3, vm1, $0xb8;
	[tilespmem:$0x1E400] =	vst v63  }
0x173: {  	s17 =	simm.s32 @!p0 $0xC400;
	s12 =	sadd.s32 @!p0 s25, s12  }
0x174: {  	[tilespmem:s17], [sflag:$0x3] =	stream.linear.gather @!p0 [hbm4b:s12+s0], $0x6000, $0x38;
	[tilespmem:$0x1E400] =	vst v63  }
0x175: {  	_ =	swait.ge [sflag:s13], $0x6000  }
0x176: {  	[sflag:s13] =	ssyncset.done $0x0  }
0x177: {  	[sflag:s13] =	ssyncadd.s32 $0xFFFFA000  }
0x178: {  	_ =	swait.ge [sflag:s15], $0x6000  }
0x179: {  	s22 =	simm.s32 $0x0;
	[sflag:s15] =	ssyncset.done $0x0  }
0x17a: {  	s4 =	smov.u32 s25;
	s17 =	simm.s32 $0xFFFFFFFE;
	[sflag:s15] =	ssyncadd.s32 $0xFFFFA000  }
.LBB2_5:
0x17b: {  	s17 =	sadd.s32 $0x2, s17  }
0x17c: {  	s0 =	sshrl.u32 s17, $0x3  }
0x17d: {  	s23 =	smul.u32 $0x1800, s0  }
0x17e: {  	s30 =	sand.u32 $0x300, s22  }
0x17f: {  	s0 =	sor.u32 s30, s23  }
0x180: {  	v3 =	vld [tilespmem:s0+$0x6400]  }
0x181: {  	v4 =	vld [tilespmem:s0+$0x6420]  }
0x182: {  	v5 =	vld [tilespmem:s0+$0x6430]  }
0x183: {  	v6 =	vld [tilespmem:s0+$0x6440]  }
0x184: {  	v7 =	vld [tilespmem:s0+$0x6450]  }
0x185: {  	v32 =	vld [tilespmem:s0+$0x6470]  }
0x186: {  	v33 =	vld [tilespmem:s0+$0x6800]  }
0x187: {  	v34 =	vld [tilespmem:s0+$0x6810]  }
0x188: {  	v35 =	vld [tilespmem:s0+$0x6820]  }
0x189: {  	v36 =	vld [tilespmem:s0+$0x6840]  }
0x18a: {  	v37 =	vld [tilespmem:s0+$0x6850]  }
0x18b: {  	v38 =	vld [tilespmem:s0+$0x6860]  }
0x18c: {  	v39 =	vld [tilespmem:s0+$0x6870]  }
0x18d: {  	[tilespmem:s0+$0x12400] =	vst.add.f32.msk $0xffff, v3  }
0x18e: {  	v3 =	vld [tilespmem:s0+$0x6410]  }
0x18f: {  	[tilespmem:s0+$0x12420] =	vst.add.f32.msk $0xffff, v4  }
0x190: {  	[tilespmem:s0+$0x12430] =	vst.add.f32.msk $0xffff, v5  }
0x191: {  	[tilespmem:s0+$0x12440] =	vst.add.f32.msk $0xffff, v6  }
0x192: {  	[tilespmem:s0+$0x12450] =	vst.add.f32.msk $0xffff, v7  }
0x193: {  	[tilespmem:s0+$0x12410] =	vst.add.f32.msk $0xffff, v3  }
0x194: {  	v3 =	vld [tilespmem:s0+$0x6460]  }
0x195: {  	[tilespmem:s0+$0x12470] =	vst.add.f32.msk $0xffff, v32  }
0x196: {  	[tilespmem:s0+$0x12800] =	vst.add.f32.msk $0xffff, v33  }
0x197: {  	[tilespmem:s0+$0x12810] =	vst.add.f32.msk $0xffff, v34  }
0x198: {  	[tilespmem:s0+$0x12820] =	vst.add.f32.msk $0xffff, v35  }
0x199: {  	[tilespmem:s0+$0x12460] =	vst.add.f32.msk $0xffff, v3  }
0x19a: {  	v3 =	vld [tilespmem:s0+$0x6830]  }
0x19b: {  	[tilespmem:s0+$0x12840] =	vst.add.f32.msk $0xffff, v36  }
0x19c: {  	[tilespmem:s0+$0x12850] =	vst.add.f32.msk $0xffff, v37  }
0x19d: {  	[tilespmem:s0+$0x12860] =	vst.add.f32.msk $0xffff, v38  }
0x19e: {  	s24 =	sadd.s32 $0x800, s23;
	[tilespmem:s0+$0x12870] =	vst.add.f32.msk $0xffff, v39  }
0x19f: {  	s12 =	sor.u32 s30, s24;
	[tilespmem:s0+$0x12830] =	vst.add.f32.msk $0xffff, v3  }
0x1a0: {  	v3 =	vld [tilespmem:s12+$0x6400]  }
0x1a1: {  	v4 =	vld [tilespmem:s12+$0x6410]  }
0x1a2: {  	v5 =	vld [tilespmem:s12+$0x6420]  }
0x1a3: {  	v40 =	vld [tilespmem:s12+$0x6440]  }
0x1a4: {  	v41 =	vld [tilespmem:s12+$0x6450]  }
0x1a5: {  	v6 =	vld [tilespmem:s12+$0x6460]  }
0x1a6: {  	v7 =	vld [tilespmem:s12+$0x6470]  }
0x1a7: {  	[tilespmem:s12+$0x12400] =	vst.add.f32.msk $0xffff, v3  }
0x1a8: {  	[tilespmem:s12+$0x12410] =	vst.add.f32.msk $0xffff, v4  }
0x1a9: {  	[tilespmem:s12+$0x12420] =	vst.add.f32.msk $0xffff, v5  }
0x1aa: {  	v3 =	vld [tilespmem:s12+$0x6430]  }
0x1ab: {  	[tilespmem:s12+$0x12440] =	vst.add.f32.msk $0xffff, v40  }
0x1ac: {  	[tilespmem:s12+$0x12450] =	vst.add.f32.msk $0xffff, v41  }
0x1ad: {  	[tilespmem:s12+$0x12460] =	vst.add.f32.msk $0xffff, v6  }
0x1ae: {  	s29 =	sadd.s32 $0xC00, s23;
	[tilespmem:s12+$0x12470] =	vst.add.f32.msk $0xffff, v7  }
0x1af: {  	[tilespmem:s12+$0x12430] =	vst.add.f32.msk $0xffff, v3;
	s12 =	sor.u32 s30, s29  }
0x1b0: {  	v3 =	vld [tilespmem:s12+$0x6400]  }
0x1b1: {  	v4 =	vld [tilespmem:s12+$0x6410]  }
0x1b2: {  	v5 =	vld [tilespmem:s12+$0x6420]  }
0x1b3: {  	v42 =	vld [tilespmem:s12+$0x6440]  }
0x1b4: {  	v43 =	vld [tilespmem:s12+$0x6450]  }
0x1b5: {  	v6 =	vld [tilespmem:s12+$0x6460]  }
0x1b6: {  	v7 =	vld [tilespmem:s12+$0x6470]  }
0x1b7: {  	[tilespmem:s12+$0x12400] =	vst.add.f32.msk $0xffff, v3  }
0x1b8: {  	[tilespmem:s12+$0x12410] =	vst.add.f32.msk $0xffff, v4  }
0x1b9: {  	[tilespmem:s12+$0x12420] =	vst.add.f32.msk $0xffff, v5  }
0x1ba: {  	v3 =	vld [tilespmem:s12+$0x6430]  }
0x1bb: {  	[tilespmem:s12+$0x12440] =	vst.add.f32.msk $0xffff, v42  }
0x1bc: {  	[tilespmem:s12+$0x12450] =	vst.add.f32.msk $0xffff, v43  }
0x1bd: {  	[tilespmem:s12+$0x12460] =	vst.add.f32.msk $0xffff, v6  }
0x1be: {  	s0 =	sadd.s32 $0x1000, s23;
	[tilespmem:s12+$0x12470] =	vst.add.f32.msk $0xffff, v7  }
0x1bf: {  	s25 =	sor.u32 s30, s0;
	[tilespmem:s12+$0x12430] =	vst.add.f32.msk $0xffff, v3  }
0x1c0: {  	v3 =	vld [tilespmem:s25+$0x6400]  }
0x1c1: {  	v4 =	vld [tilespmem:s25+$0x6410]  }
0x1c2: {  	v5 =	vld [tilespmem:s25+$0x6420]  }
0x1c3: {  	v44 =	vld [tilespmem:s25+$0x6440]  }
0x1c4: {  	v45 =	vld [tilespmem:s25+$0x6450]  }
0x1c5: {  	v6 =	vld [tilespmem:s25+$0x6460]  }
0x1c6: {  	v7 =	vld [tilespmem:s25+$0x6470]  }
0x1c7: {  	[tilespmem:s25+$0x12400] =	vst.add.f32.msk $0xffff, v3  }
0x1c8: {  	[tilespmem:s25+$0x12410] =	vst.add.f32.msk $0xffff, v4  }
0x1c9: {  	[tilespmem:s25+$0x12420] =	vst.add.f32.msk $0xffff, v5  }
0x1ca: {  	v3 =	vld [tilespmem:s25+$0x6430]  }
0x1cb: {  	[tilespmem:s25+$0x12440] =	vst.add.f32.msk $0xffff, v44  }
0x1cc: {  	[tilespmem:s25+$0x12450] =	vst.add.f32.msk $0xffff, v45  }
0x1cd: {  	[tilespmem:s25+$0x12460] =	vst.add.f32.msk $0xffff, v6  }
0x1ce: {  	s12 =	sadd.s32 $0x1400, s23;
	[tilespmem:s25+$0x12470] =	vst.add.f32.msk $0xffff, v7  }
0x1cf: {  	[tilespmem:s25+$0x12430] =	vst.add.f32.msk $0xffff, v3;
	s25 =	sor.u32 s30, s12  }
0x1d0: {  	v3 =	vld [tilespmem:s25+$0x6400]  }
0x1d1: {  	v4 =	vld [tilespmem:s25+$0x6410]  }
0x1d2: {  	v5 =	vld [tilespmem:s25+$0x6420]  }
0x1d3: {  	v46 =	vld [tilespmem:s25+$0x6440]  }
0x1d4: {  	v47 =	vld [tilespmem:s25+$0x6450]  }
0x1d5: {  	v6 =	vld [tilespmem:s25+$0x6460]  }
0x1d6: {  	v7 =	vld [tilespmem:s25+$0x6470]  }
0x1d7: {  	[tilespmem:s25+$0x12400] =	vst.add.f32.msk $0xffff, v3  }
0x1d8: {  	[tilespmem:s25+$0x12410] =	vst.add.f32.msk $0xffff, v4  }
0x1d9: {  	[tilespmem:s25+$0x12420] =	vst.add.f32.msk $0xffff, v5  }
0x1da: {  	v3 =	vld [tilespmem:s25+$0x6430]  }
0x1db: {  	[tilespmem:s25+$0x12440] =	vst.add.f32.msk $0xffff, v46  }
0x1dc: {  	[tilespmem:s25+$0x12450] =	vst.add.f32.msk $0xffff, v47  }
0x1dd: {  	[tilespmem:s25+$0x12460] =	vst.add.f32.msk $0xffff, v6  }
0x1de: {  	s30 =	sor.u32 $0x80, s30;
	[tilespmem:s25+$0x12470] =	vst.add.f32.msk $0xffff, v7  }
0x1df: {  	s23 =	sor.u32 s23, s30;
	[tilespmem:s25+$0x12430] =	vst.add.f32.msk $0xffff, v3  }
0x1e0: {  	v3 =	vld [tilespmem:s23+$0x6400]  }
0x1e1: {  	v4 =	vld [tilespmem:s23+$0x6420]  }
0x1e2: {  	v5 =	vld [tilespmem:s23+$0x6430]  }
0x1e3: {  	v6 =	vld [tilespmem:s23+$0x6440]  }
0x1e4: {  	v7 =	vld [tilespmem:s23+$0x6450]  }
0x1e5: {  	v48 =	vld [tilespmem:s23+$0x6470]  }
0x1e6: {  	v49 =	vld [tilespmem:s23+$0x6800]  }
0x1e7: {  	v50 =	vld [tilespmem:s23+$0x6810]  }
0x1e8: {  	v51 =	vld [tilespmem:s23+$0x6820]  }
0x1e9: {  	v52 =	vld [tilespmem:s23+$0x6840]  }
0x1ea: {  	v53 =	vld [tilespmem:s23+$0x6850]  }
0x1eb: {  	v54 =	vld [tilespmem:s23+$0x6860]  }
0x1ec: {  	v55 =	vld [tilespmem:s23+$0x6870]  }
0x1ed: {  	[tilespmem:s23+$0x12400] =	vst.add.f32.msk $0xffff, v3  }
0x1ee: {  	v3 =	vld [tilespmem:s23+$0x6410]  }
0x1ef: {  	[tilespmem:s23+$0x12420] =	vst.add.f32.msk $0xffff, v4  }
0x1f0: {  	[tilespmem:s23+$0x12430] =	vst.add.f32.msk $0xffff, v5  }
0x1f1: {  	[tilespmem:s23+$0x12440] =	vst.add.f32.msk $0xffff, v6  }
0x1f2: {  	[tilespmem:s23+$0x12450] =	vst.add.f32.msk $0xffff, v7  }
0x1f3: {  	[tilespmem:s23+$0x12410] =	vst.add.f32.msk $0xffff, v3  }
0x1f4: {  	v3 =	vld [tilespmem:s23+$0x6460]  }
0x1f5: {  	[tilespmem:s23+$0x12470] =	vst.add.f32.msk $0xffff, v48  }
0x1f6: {  	[tilespmem:s23+$0x12800] =	vst.add.f32.msk $0xffff, v49  }
0x1f7: {  	[tilespmem:s23+$0x12810] =	vst.add.f32.msk $0xffff, v50  }
0x1f8: {  	[tilespmem:s23+$0x12820] =	vst.add.f32.msk $0xffff, v51  }
0x1f9: {  	[tilespmem:s23+$0x12460] =	vst.add.f32.msk $0xffff, v3  }
0x1fa: {  	v3 =	vld [tilespmem:s23+$0x6830]  }
0x1fb: {  	[tilespmem:s23+$0x12840] =	vst.add.f32.msk $0xffff, v52  }
0x1fc: {  	[tilespmem:s23+$0x12850] =	vst.add.f32.msk $0xffff, v53  }
0x1fd: {  	[tilespmem:s23+$0x12860] =	vst.add.f32.msk $0xffff, v54  }
0x1fe: {  	[tilespmem:s23+$0x12870] =	vst.add.f32.msk $0xffff, v55  }
0x1ff: {  	s25 =	sor.u32 s30, s24;
	[tilespmem:s23+$0x12830] =	vst.add.f32.msk $0xffff, v3  }
0x200: {  	v3 =	vld [tilespmem:s25+$0x6400]  }
0x201: {  	v4 =	vld [tilespmem:s25+$0x6410]  }
0x202: {  	v5 =	vld [tilespmem:s25+$0x6420]  }
0x203: {  	v56 =	vld [tilespmem:s25+$0x6440]  }
0x204: {  	v57 =	vld [tilespmem:s25+$0x6450]  }
0x205: {  	v6 =	vld [tilespmem:s25+$0x6460]  }
0x206: {  	v7 =	vld [tilespmem:s25+$0x6470]  }
0x207: {  	[tilespmem:s25+$0x12400] =	vst.add.f32.msk $0xffff, v3  }
0x208: {  	[tilespmem:s25+$0x12410] =	vst.add.f32.msk $0xffff, v4  }
0x209: {  	[tilespmem:s25+$0x12420] =	vst.add.f32.msk $0xffff, v5  }
0x20a: {  	v3 =	vld [tilespmem:s25+$0x6430]  }
0x20b: {  	[tilespmem:s25+$0x12440] =	vst.add.f32.msk $0xffff, v56  }
0x20c: {  	[tilespmem:s25+$0x12450] =	vst.add.f32.msk $0xffff, v57  }
0x20d: {  	[tilespmem:s25+$0x12460] =	vst.add.f32.msk $0xffff, v6  }
0x20e: {  	[tilespmem:s25+$0x12470] =	vst.add.f32.msk $0xffff, v7  }
0x20f: {  	s29 =	sor.u32 s30, s29;
	[tilespmem:s25+$0x12430] =	vst.add.f32.msk $0xffff, v3  }
0x210: {  	v3 =	vld [tilespmem:s29+$0x6400]  }
0x211: {  	v4 =	vld [tilespmem:s29+$0x6410]  }
0x212: {  	v5 =	vld [tilespmem:s29+$0x6420]  }
0x213: {  	v58 =	vld [tilespmem:s29+$0x6440]  }
0x214: {  	v59 =	vld [tilespmem:s29+$0x6450]  }
0x215: {  	v6 =	vld [tilespmem:s29+$0x6460]  }
0x216: {  	v7 =	vld [tilespmem:s29+$0x6470]  }
0x217: {  	[tilespmem:s29+$0x12400] =	vst.add.f32.msk $0xffff, v3  }
0x218: {  	[tilespmem:s29+$0x12410] =	vst.add.f32.msk $0xffff, v4  }
0x219: {  	[tilespmem:s29+$0x12420] =	vst.add.f32.msk $0xffff, v5  }
0x21a: {  	v3 =	vld [tilespmem:s29+$0x6430]  }
0x21b: {  	[tilespmem:s29+$0x12440] =	vst.add.f32.msk $0xffff, v58  }
0x21c: {  	[tilespmem:s29+$0x12450] =	vst.add.f32.msk $0xffff, v59  }
0x21d: {  	[tilespmem:s29+$0x12460] =	vst.add.f32.msk $0xffff, v6  }
0x21e: {  	[tilespmem:s29+$0x12470] =	vst.add.f32.msk $0xffff, v7  }
0x21f: {  	s0 =	sor.u32 s30, s0;
	[tilespmem:s29+$0x12430] =	vst.add.f32.msk $0xffff, v3  }
0x220: {  	v3 =	vld [tilespmem:s0+$0x6400]  }
0x221: {  	v4 =	vld [tilespmem:s0+$0x6410]  }
0x222: {  	v5 =	vld [tilespmem:s0+$0x6420]  }
0x223: {  	v60 =	vld [tilespmem:s0+$0x6440]  }
0x224: {  	v61 =	vld [tilespmem:s0+$0x6450]  }
0x225: {  	v6 =	vld [tilespmem:s0+$0x6460]  }
0x226: {  	v7 =	vld [tilespmem:s0+$0x6470]  }
0x227: {  	[tilespmem:s0+$0x12400] =	vst.add.f32.msk $0xffff, v3  }
0x228: {  	[tilespmem:s0+$0x12410] =	vst.add.f32.msk $0xffff, v4  }
0x229: {  	[tilespmem:s0+$0x12420] =	vst.add.f32.msk $0xffff, v5  }
0x22a: {  	v3 =	vld [tilespmem:s0+$0x6430]  }
0x22b: {  	[tilespmem:s0+$0x12440] =	vst.add.f32.msk $0xffff, v60  }
0x22c: {  	[tilespmem:s0+$0x12450] =	vst.add.f32.msk $0xffff, v61  }
0x22d: {  	[tilespmem:s0+$0x12460] =	vst.add.f32.msk $0xffff, v6  }
0x22e: {  	[tilespmem:s0+$0x12470] =	vst.add.f32.msk $0xffff, v7  }
0x22f: {  	s30 =	sor.u32 s30, s12;
	[tilespmem:s0+$0x12430] =	vst.add.f32.msk $0xffff, v3  }
0x230: {  	v3 =	vld [tilespmem:s30+$0x6400]  }
0x231: {  	v4 =	vld [tilespmem:s30+$0x6410]  }
0x232: {  	v5 =	vld [tilespmem:s30+$0x6420]  }
0x233: {  	v62 =	vld [tilespmem:s30+$0x6440]  }
0x234: {  	v63 =	vld [tilespmem:s30+$0x6450]  }
0x235: {  	v6 =	vld [tilespmem:s30+$0x6460]  }
0x236: {  	v7 =	vld [tilespmem:s30+$0x6470]  }
0x237: {  	[tilespmem:s30+$0x12400] =	vst.add.f32.msk $0xffff, v3  }
0x238: {  	[tilespmem:s30+$0x12410] =	vst.add.f32.msk $0xffff, v4  }
0x239: {  	[tilespmem:s30+$0x12420] =	vst.add.f32.msk $0xffff, v5  }
0x23a: {  	p0 =	slt.u32 s17, $0x1E;
	v3 =	vld [tilespmem:s30+$0x6430]  }
.Ltmp1:
0x23b: {  	[tilespmem:s30+$0x12440] =	vst.add.f32.msk $0xffff, v62;
	(pc) =	sbr.rel @p0 .LBB2_5-.Ltmp1, $4  }
0x23c: {  	[tilespmem:s30+$0x12450] =	vst.add.f32.msk $0xffff, v63  }
0x23d: {  	[tilespmem:s30+$0x12460] =	vst.add.f32.msk $0xffff, v6  }
0x23e: {  	[tilespmem:s30+$0x12470] =	vst.add.f32.msk $0xffff, v7  }
0x23f: {  	s22 =	sadd.s32 $0x100, s22;
	[tilespmem:s30+$0x12430] =	vst.add.f32.msk $0xffff, v3  }
0x240: {  	_ =	swait.ge [sflag:s5], $0x600  }
0x241: {  	[sflag:s5] =	ssyncset.done $0x0  }
0x242: {  	s12 =	simm.s32 $0x12400;
	[sflag:s5] =	ssyncadd.s32 $0xFFFFFA00  }
0x243: {  	[spmem:s11] =	stream.linear.scatter [tilespmem:s12], [sflag:$0x5], $0x3000, $0x38;
	[tilespmem:$0x1E400] =	vst v63  }
0x244: {  	_ =	swait.ge [sflag:s1], $0x600  }
0x245: {  	[sflag:s1] =	ssyncset.done $0x0  }
0x246: {  	s0 =	simm.s32 $0x15400;
	[sflag:s1] =	ssyncadd.s32 $0xFFFFFA00  }
0x247: {  	[spmem:s14] =	stream.linear.scatter [tilespmem:s0], [sflag:$0x6], $0x3000, $0x38;
	[tilespmem:$0x1E400] =	vst v63  }
0x248: {  	_ =	swait.ge [sflag:s7], $0x3000  }
0x249: {  	s25 =	sadd.s32 s26, s16;
	s31 =	sadd.s32 $0x1, s31;
	[sflag:s7] =	ssyncset.done $0x0  }
0x24a: {  	s3 =	smul.u32 $0x1800, s3;
	p0 =	sne.s32 s31, $0x10;
	[sflag:s7] =	ssyncadd.s32 $0xFFFFD000  }
0x24b: {  	[hbm:s25], [sflag:s18] =	dma.local [spmem:s20], $0x600  }
.Ltmp2:
0x24c: {  	_ = 	snop;
	(pc) =	sbr.rel @p0 .LBB2_2-.Ltmp2, $4  }
0x24d: {  	s29 =	sshrl.u32 s3, $0x3;
	_ =	swait.ge [sflag:s10], $0x3000  }
0x24e: {  	s30 =	smov.u32 s26;
	s0 =	sadd.s32 s26, s29;
	[sflag:s10] =	ssyncset.done $0x0  }
0x24f: {  	s0 =	sadd.s32 $0x600, s0;
	s25 =	smov.u32 s4;
	[sflag:s10] =	ssyncadd.s32 $0xFFFFD000  }
0x250: {  	[hbm:s0], [sflag:s19] =	dma.local [spmem:s21], $0x600  }
0x251: {  	_ =	swait.ge [sflag:s5], $0x600  }
0x252: {  	[sflag:s5] =	ssyncset.done $0x0  }
0x253: {  	[sflag:s5] =	ssyncadd.s32 $0xFFFFFA00  }
0x254: {  	_ =	swait.ge [sflag:s1], $0x600  }
0x255: {  	s3 =	rddreg [dreg:$0xa]  }
0x256: {  	s0 =	rddreg [dreg:$0x9];
	s3 =	sadd.s32 $0x1, s3  }
0x257: {  	p0 =	sne.s32 s3, s0  }
.Ltmp3:
0x258: {  	_ = 	snop;
	(pc) =	sbr.rel @p0 .LBB2_1-.Ltmp3, $3  }
0x259: {  	_ =	sdelay $0x1  }
0x25a: {  	[sflag:s1] =	ssyncset.done $0x0  }
0x25b: {  	[sflag:s1] =	ssyncadd.s32 $0xFFFFFA00  }
0x25c: {  	_ =	sfence.sel $0x180000  }
0x25d: {  	[bflag:$0x0] =	sbarrier.arrive $0xFFFF  }
0x25e: {  	_ =	strace $0x90000047  }
0x25f: {  	s0 =	stileid.u32;
	[bflag:$0x2] =	sbarrier.arrive $0xFFFF  }
0x260: {  	p0 =	sne.s32 s0, $0x0;
	s0 =	rddreg [dreg:$0x5]  }
0x261: {  	s0 =	sadd.s32 @!p0 $0x100000, s0  }
0x262: {  	[sflag:s0] =	ssyncadd.tile.s32 @!p0 $0x1;
	_ =	shalt  }
.Lfunc_end2:
_tile_overlayer_lowered:
.L_overlay_start_2:
0x263: {  	(tag) =	ssettag $0x2  }
0x264: {  	s0 =	rddreg [dreg:$0x0];
	s2 =	stileid.u32  }
0x265: {  	s1 =	rddreg [dreg:$0x1];
	p0 =	sne.s32 s2, $0x0  }
0x266: {  	s3 =	rddreg [dreg:$0x2];
	[bflag:$0x3] =	sbarrier.arrive $0xFFFF;
	s2 =	simm.s32 @!p0 $0x1C09  }
0x267: {  	[timem:s3], [sflag:s2] =	dma.local @!p0 [hbm:s0], s1  }
0x268: {  	s0 =	simm.s32 @!p0 $0x9  }
0x269: {  	_ =	swait.ge @!p0 [sflag:s0], s1  }
0x26a: {  	s1 =	ssub.s32 @!p0 $0x0, s1;
	[sflag:s0] =	ssyncset.done @!p0 $0x0  }
0x26b: {  	[sflag:s0] =	ssyncadd.s32 @!p0 s1  }
0x26c: {  	[bflag:$0x3] =	sbarrier.arrive $0xFFFF  }
0x26d: {  	_ =	shalt  }

</sc_bundles>
